<compile_context>
chip_gen: v7x
topology: tpu7x:2x2x1
jax: 0.10.2.dev20260603
libtpu: 0.0.44.dev20260713+nightly
codegen_flags: <defaults>
</compile_context>

<pallas_src>
import functools

import jax
import jax.numpy as jnp
from jax import lax
from jax.experimental import pallas as pl
from jax.experimental.pallas import tpu as pltpu
from jax.experimental.pallas import tpu_sc as plsc

MIN_FLOAT = -3.4028234663852886e+36

_NW = 32


def _make_sc_gather(V, D, B, NPAD):
    bp = B // _NW
    np_ = NPAD // _NW
    np_a = min(np_, 128)
    np_b = np_ - np_a
    nd = D // 16

    mesh = plsc.VectorSubcoreMesh(core_axis_name="c", subcore_axis_name="s")

    @functools.partial(
        pl.kernel,
        mesh=mesh,
        out_type=[
            jax.ShapeDtypeStruct((B,), jnp.float32),
            jax.ShapeDtypeStruct((NPAD, D), jnp.float32),
        ],
        scratch_types=[
            pltpu.VMEM((bp,), jnp.int32),
            pltpu.VMEM((np_a,), jnp.int32),
            pltpu.VMEM((max(np_b, 8),), jnp.int32),
            pltpu.VMEM((bp, D), jnp.float32),
            pltpu.VMEM((bp, D), jnp.float32),
            pltpu.VMEM((np_, D), jnp.float32),
            pltpu.VMEM((bp,), jnp.float32),
            pltpu.SemaphoreType.DMA,
            pltpu.SemaphoreType.DMA,
            pltpu.SemaphoreType.DMA,
            pltpu.SemaphoreType.DMA,
            pltpu.SemaphoreType.DMA,
        ],
    )
    def sc_gather(tgt_hbm, nid_hbm, x_hbm, table_hbm, pos_hbm, negw_hbm,
                  tidx_v, nidx_a, nidx_b, xin_v, prow_v, nrow_v, pos_v,
                  sem, sem_x, sem_st, sem_i, sem_p):
        wid = lax.axis_index("s") * 2 + lax.axis_index("c")
        pbase = wid * bp
        nbase = wid * np_
        cx = pltpu.async_copy(x_hbm.at[pl.ds(pbase, bp)], xin_v, sem_x)
        ci1 = pltpu.async_copy(tgt_hbm.at[pl.ds(pbase, bp)], tidx_v, sem_i)
        ci2 = pltpu.async_copy(nid_hbm.at[pl.ds(nbase, np_a)], nidx_a, sem_i)
        if np_b:
            ci3 = pltpu.async_copy(nid_hbm.at[pl.ds(nbase + np_a, np_b)],
                                   nidx_b.at[pl.ds(0, np_b)], sem_i)
        ci1.wait()
        ci2.wait()
        if np_b:
            ci3.wait()
        c1 = pltpu.async_copy(table_hbm.at[tidx_v], prow_v, sem_p)
        c2 = pltpu.async_copy(table_hbm.at[nidx_a], nrow_v.at[pl.ds(0, np_a)],
                              sem)
        if np_b:
            c3 = pltpu.async_copy(table_hbm.at[nidx_b.at[pl.ds(0, np_b)]],
                                  nrow_v.at[pl.ds(np_a, np_b)], sem)
        c1.wait()
        cx.wait()

        lanes = lax.iota(jnp.int32, 16)
        gdn = lax.GatherDimensionNumbers(
            offset_dims=(), collapsed_slice_dims=(0,), start_index_map=(0,))
        perms = [(lanes ^ sh)[:, None] for sh in (8, 4, 2, 1)]

        def group_dot(g, _):
            vec = jnp.zeros((16,), jnp.float32)
            for j in range(16):
                r = g * 16 + j
                acc = prow_v[r, pl.ds(0, 16)] * xin_v[r, pl.ds(0, 16)]
                for c in range(1, nd):
                    acc = acc + (prow_v[r, pl.ds(c * 16, 16)]
                                 * xin_v[r, pl.ds(c * 16, 16)])
                for p in perms:
                    acc = acc + lax.gather(
                        acc, p, dimension_numbers=gdn, slice_sizes=(1,),
                        mode=lax.GatherScatterMode.PROMISE_IN_BOUNDS)
                vec = jnp.where(lanes == j, acc, vec)
            pos_v[pl.ds(g * 16, 16)] = vec
            return _

        lax.fori_loop(0, bp // 16, group_dot, 0)
        c2.wait()
        if np_b:
            c3.wait()
        cst = pltpu.async_copy(nrow_v, negw_hbm.at[pl.ds(nbase, np_)], sem_st)
        pltpu.sync_copy(pos_v, pos_hbm.at[pl.ds(pbase, bp)])
        cst.wait()

    return sc_gather


def _tc_score_body(mids_ref, tgt_ref, pos_ref, x_ref, nw_ref, out_ref, *, bn):
    i = pl.program_id(0)
    scores = lax.dot_general(nw_ref[...], x_ref[...], (((1,), (1,)), ((), ())),
                             preferred_element_type=jnp.float32)
    mask = mids_ref[...] == tgt_ref[...]
    scores = jnp.where(mask, MIN_FLOAT, scores)
    grow = i * bn + lax.broadcasted_iota(jnp.int32, scores.shape, 0)
    scores = jnp.where(grow == 0, pos_ref[...], scores)
    out_ref[...] = scores


def _tc_score(inputs, pos_row, negw, tgt_row, mids_col, n_out, bn=512):
    B, D = inputs.shape
    NPAD = negw.shape[0]
    grid = (pl.cdiv(NPAD, bn),)
    return pl.pallas_call(
        functools.partial(_tc_score_body, bn=bn),
        grid=grid,
        in_specs=[
            pl.BlockSpec((bn, 1), lambda i: (i, 0)),
            pl.BlockSpec(memory_space=pltpu.VMEM),
            pl.BlockSpec(memory_space=pltpu.VMEM),
            pl.BlockSpec(memory_space=pltpu.VMEM),
            pl.BlockSpec((bn, D), lambda i: (i, 0)),
        ],
        out_specs=pl.BlockSpec((bn, B), lambda i: (i, 0)),
        out_shape=jax.ShapeDtypeStruct((n_out, B), jnp.float32),
        compiler_params=pltpu.CompilerParams(
            dimension_semantics=("arbitrary",)),
    )(mids_col, tgt_row, pos_row, inputs, negw)


def kernel(inputs, targets, neg_ids, table):
    B, D = inputs.shape
    V = table.shape[0]
    N = neg_ids.shape[0]
    tgt = targets.astype(jnp.int32)
    nid = neg_ids.astype(jnp.int32)

    NPAD = ((N + 1 + 255) // 256) * 256
    tail = NPAD - 1 - N
    nid_pad = jnp.concatenate(
        [jnp.zeros((1,), jnp.int32), nid, jnp.zeros((tail,), jnp.int32)])
    mids_col = jnp.concatenate(
        [jnp.full((1,), -1, jnp.int32), nid, jnp.full((tail,), -1, jnp.int32)]
    ).reshape(NPAD, 1)

    sc_gather = _make_sc_gather(V, D, B, NPAD)
    pos, negw = sc_gather(tgt, nid_pad, inputs, table)

    out_t = _tc_score(inputs, pos.reshape(1, B), negw, tgt.reshape(1, B),
                      mids_col, N + 1)
    return out_t.T

# --- scband reference (transcript-rebuilt; emitter-appended) ---
"""Pipeline reference for scband-sampled-look-ups-5299989643354 (READ-ONLY COPY).

The authoritative reference and input builder live on the scoring server;
editing this copy changes nothing except your own understanding.
"""

import jax, jax.numpy as jnp
import numpy as np

MIN_FLOAT = -3.4028234663852886e+36  # np.finfo(np.float32).min / 100.0


def setup_inputs(seed: int = 0) -> dict:
    key = jax.random.key(seed)
    k1, k2, k3, k4 = jax.random.split(key, 4)
    B, D, V, N = 4096, 128, 100000, 4096
    inputs = jax.random.normal(k1, (B, D), dtype=jnp.float32)
    targets = jax.random.randint(k2, (B,), 0, V, dtype=jnp.int64)
    neg_ids = jax.random.randint(k3, (N,), 0, V, dtype=jnp.int64)
    table = jax.random.normal(k4, (V, D), dtype=jnp.float32)
    return {"inputs": inputs, "targets": targets, "neg_ids": neg_ids, "table": table}


def reference(inputs, targets, neg_ids, table):
    # pos_item_id = tf.squeeze(targets)
    pos_item_id = jnp.squeeze(targets)
    # positive_weights = prediction.embedding_lookup(pos_item_id)
    positive_weights = jnp.take(table, pos_item_id, axis=0)  # [B, D]
    # negative_weights = prediction.embedding_lookup(neg_items.id)
    negative_weights = jnp.take(table, neg_ids, axis=0)      # [N, D]
    # negative_scores = tf.linalg.matmul(inputs, negative_weights, transpose_b=True)
    negative_scores = jnp.matmul(inputs, negative_weights.T)  # [B, N]
    # positive_scores = sum(inputs * positive_weights, keepdims=True)
    positive_scores = jnp.sum(inputs * positive_weights, axis=-1, keepdims=True)  # [B, 1]
    # rescore_false_negatives: downscore sampled ids equal to the positive id
    false_neg_mask = pos_item_id[:, None] == neg_ids[None, :]  # [B, N]
    negative_scores = jnp.where(false_neg_mask, jnp.asarray(MIN_FLOAT, dtype=negative_scores.dtype), negative_scores)
    outputs = jnp.concatenate([positive_scores, negative_scores], axis=-1)
    outputs = outputs.astype(jnp.float32)
    outputs = jnp.squeeze(outputs)
    return outputs

if __name__ == "__main__":
    import jax
    _d = setup_inputs()
    print(jax.jit(kernel)(*tuple(_d.values())))

</pallas_src>

<mosaic_0001>
#map = affine_map<(d0, d1) -> (0)>
#map1 = affine_map<(d0, d1) -> (0, 0)>
module attributes {stable_mosaic.version = 14 : i64} {
  func.func @sc_gather(%arg0: i32, %arg1: i32, %arg2: memref<4096xi32, #tpu.memory_space<hbm>>, %arg3: memref<4352xi32, #tpu.memory_space<hbm>>, %arg4: memref<4096x128xf32, #tpu.memory_space<hbm>>, %arg5: memref<100000x128xf32, #tpu.memory_space<hbm>>, %arg6: memref<4096xf32, #tpu.memory_space<hbm>>, %arg7: memref<4352x128xf32, #tpu.memory_space<hbm>>, %arg8: memref<128xi32, #tpu.memory_space<vmem>>, %arg9: memref<128xi32, #tpu.memory_space<vmem>>, %arg10: memref<8xi32, #tpu.memory_space<vmem>>, %arg11: memref<128x128xf32, #tpu.memory_space<vmem>>, %arg12: memref<128x128xf32, #tpu.memory_space<vmem>>, %arg13: memref<136x128xf32, #tpu.memory_space<vmem>>, %arg14: memref<128xf32, #tpu.memory_space<vmem>>, %arg15: memref<!tpu.dma_semaphore, #tpu.memory_space<semaphore_mem>>, %arg16: memref<!tpu.dma_semaphore, #tpu.memory_space<semaphore_mem>>, %arg17: memref<!tpu.dma_semaphore, #tpu.memory_space<semaphore_mem>>, %arg18: memref<!tpu.dma_semaphore, #tpu.memory_space<semaphore_mem>>, %arg19: memref<!tpu.dma_semaphore, #tpu.memory_space<semaphore_mem>>) attributes {dimension_semantics = [#tpu.dimension_semantics<core_parallel>, #tpu.dimension_semantics<subcore_parallel>], iteration_bounds = array<i64: 2, 16>, scalar_prefetch = 0 : i64, scratch_operands = 12 : i64, tpu.core_type = #tpu.core_type<sc_vector_subcore>, window_params = [{transform_indices = #map}, {transform_indices = #map}, {transform_indices = #map1}, {transform_indices = #map1}, {transform_indices = #map}, {transform_indices = #map1}]} {
    %mul3A = arith.constant 2 : i32
    %mul3A_0 = arith.muli %arg1, %mul3A : i32
    %add3A = arith.addi %mul3A_0, %arg0 : i32
    %mul3A_1 = arith.constant 128 : i32
    %mul3A_2 = arith.muli %add3A, %mul3A_1 : i32
    %mul3A_3 = arith.constant 136 : i32
    %mul3A_4 = arith.muli %add3A, %mul3A_3 : i32
    %dma_start3A = arith.constant 0 : i32
    %dma_start3A_5 = tpu.memref_slice %arg4[%mul3A_2, %dma_start3A] : memref<4096x128xf32, #tpu.memory_space<hbm>> -> memref<128x128xf32, #tpu.memory_space<hbm>>
    %dma_start3A_6 = arith.constant 0 : i32
    %dma_start3A_7 = tpu.memref_slice %arg4[%mul3A_2, %dma_start3A_6] : memref<4096x128xf32, #tpu.memory_space<hbm>> -> memref<128x128xf32, #tpu.memory_space<hbm>>
    tpu.enqueue_dma source(%dma_start3A_7 : memref<128x128xf32, #tpu.memory_space<hbm>>) target(%arg11 : memref<128x128xf32, #tpu.memory_space<vmem>>) target_semaphore(%arg16 : memref<!tpu.dma_semaphore, #tpu.memory_space<semaphore_mem>>)
    %dma_start3A_8 = tpu.memref_slice %arg2[%mul3A_2] : memref<4096xi32, #tpu.memory_space<hbm>> -> memref<128xi32, #tpu.memory_space<hbm>>
    %dma_start3A_9 = tpu.memref_slice %arg2[%mul3A_2] : memref<4096xi32, #tpu.memory_space<hbm>> -> memref<128xi32, #tpu.memory_space<hbm>>
    tpu.enqueue_dma source(%dma_start3A_9 : memref<128xi32, #tpu.memory_space<hbm>>) target(%arg8 : memref<128xi32, #tpu.memory_space<vmem>>) target_semaphore(%arg18 : memref<!tpu.dma_semaphore, #tpu.memory_space<semaphore_mem>>)
    %dma_start3A_10 = tpu.memref_slice %arg3[%mul3A_4] : memref<4352xi32, #tpu.memory_space<hbm>> -> memref<128xi32, #tpu.memory_space<hbm>>
    %dma_start3A_11 = tpu.memref_slice %arg3[%mul3A_4] : memref<4352xi32, #tpu.memory_space<hbm>> -> memref<128xi32, #tpu.memory_space<hbm>>
    tpu.enqueue_dma source(%dma_start3A_11 : memref<128xi32, #tpu.memory_space<hbm>>) target(%arg9 : memref<128xi32, #tpu.memory_space<vmem>>) target_semaphore(%arg18 : memref<!tpu.dma_semaphore, #tpu.memory_space<semaphore_mem>>)
    %add3A_12 = arith.constant 128 : i32
    %add3A_13 = arith.addi %mul3A_4, %add3A_12 : i32
    %dma_start3A_14 = arith.constant 0 : i32
    %dma_start3A_15 = tpu.memref_slice %arg10[%dma_start3A_14] : memref<8xi32, #tpu.memory_space<vmem>> -> memref<8xi32, #tpu.memory_space<vmem>>
    %dma_start3A_16 = tpu.memref_slice %arg3[%add3A_13] : memref<4352xi32, #tpu.memory_space<hbm>> -> memref<8xi32, #tpu.memory_space<hbm>>
    %dma_start3A_17 = arith.constant 0 : i32
    %dma_start3A_18 = tpu.memref_slice %arg10[%dma_start3A_17] : memref<8xi32, #tpu.memory_space<vmem>> -> memref<8xi32, #tpu.memory_space<vmem>>
    %dma_start3A_19 = tpu.memref_slice %arg3[%add3A_13] : memref<4352xi32, #tpu.memory_space<hbm>> -> memref<8xi32, #tpu.memory_space<hbm>>
    tpu.enqueue_dma source(%dma_start3A_19 : memref<8xi32, #tpu.memory_space<hbm>>) target(%dma_start3A_18 : memref<8xi32, #tpu.memory_space<vmem>>) target_semaphore(%arg18 : memref<!tpu.dma_semaphore, #tpu.memory_space<semaphore_mem>>)
    %dma_wait3A = tpu.memref_slice %arg2[%mul3A_2] : memref<4096xi32, #tpu.memory_space<hbm>> -> memref<128xi32, #tpu.memory_space<hbm>>
    %dma_wait3A_20 = tpu.memref_slice %arg2[%mul3A_2] : memref<4096xi32, #tpu.memory_space<hbm>> -> memref<128xi32, #tpu.memory_space<hbm>>
    tpu.wait_dma2 semaphore(%arg18 : memref<!tpu.dma_semaphore, #tpu.memory_space<semaphore_mem>>) src(%dma_wait3A_20 : memref<128xi32, #tpu.memory_space<hbm>>) dst(%arg8 : memref<128xi32, #tpu.memory_space<vmem>>)
    %dma_wait3A_21 = tpu.memref_slice %arg3[%mul3A_4] : memref<4352xi32, #tpu.memory_space<hbm>> -> memref<128xi32, #tpu.memory_space<hbm>>
    %dma_wait3A_22 = tpu.memref_slice %arg3[%mul3A_4] : memref<4352xi32, #tpu.memory_space<hbm>> -> memref<128xi32, #tpu.memory_space<hbm>>
    tpu.wait_dma2 semaphore(%arg18 : memref<!tpu.dma_semaphore, #tpu.memory_space<semaphore_mem>>) src(%dma_wait3A_22 : memref<128xi32, #tpu.memory_space<hbm>>) dst(%arg9 : memref<128xi32, #tpu.memory_space<vmem>>)
    %dma_wait3A_23 = arith.constant 0 : i32
    %dma_wait3A_24 = tpu.memref_slice %arg10[%dma_wait3A_23] : memref<8xi32, #tpu.memory_space<vmem>> -> memref<8xi32, #tpu.memory_space<vmem>>
    %dma_wait3A_25 = tpu.memref_slice %arg3[%add3A_13] : memref<4352xi32, #tpu.memory_space<hbm>> -> memref<8xi32, #tpu.memory_space<hbm>>
    %dma_wait3A_26 = arith.constant 0 : i32
    %dma_wait3A_27 = tpu.memref_slice %arg10[%dma_wait3A_26] : memref<8xi32, #tpu.memory_space<vmem>> -> memref<8xi32, #tpu.memory_space<vmem>>
    %dma_wait3A_28 = tpu.memref_slice %arg3[%add3A_13] : memref<4352xi32, #tpu.memory_space<hbm>> -> memref<8xi32, #tpu.memory_space<hbm>>
    tpu.wait_dma2 semaphore(%arg18 : memref<!tpu.dma_semaphore, #tpu.memory_space<semaphore_mem>>) src(%dma_wait3A_28 : memref<8xi32, #tpu.memory_space<hbm>>) dst(%dma_wait3A_27 : memref<8xi32, #tpu.memory_space<vmem>>)
    %dma_start3A_29 = arith.constant 0 : i32
    %dma_start3A_30 = arith.constant 0 : i32
    %dma_start3A_31 = tpu.memref_slice %arg5[%dma_start3A_29, %dma_start3A_30] : memref<100000x128xf32, #tpu.memory_space<hbm>> -> memref<100000x128xf32, #tpu.memory_space<hbm>>
    tpu.enqueue_indirect_dma source(%dma_start3A_31 : memref<100000x128xf32, #tpu.memory_space<hbm>>) target(%arg12 : memref<128x128xf32, #tpu.memory_space<vmem>>) offsets(%arg8 : memref<128xi32, #tpu.memory_space<vmem>>) semaphore(%arg19 : memref<!tpu.dma_semaphore, #tpu.memory_space<semaphore_mem>>)
    %dma_start3A_32 = arith.constant 0 : i32
    %dma_start3A_33 = arith.constant 0 : i32
    %dma_start3A_34 = tpu.memref_slice %arg13[%dma_start3A_32, %dma_start3A_33] : memref<136x128xf32, #tpu.memory_space<vmem>> -> memref<128x128xf32, #tpu.memory_space<vmem>>
    %dma_start3A_35 = arith.constant 0 : i32
    %dma_start3A_36 = arith.constant 0 : i32
    %dma_start3A_37 = tpu.memref_slice %arg5[%dma_start3A_35, %dma_start3A_36] : memref<100000x128xf32, #tpu.memory_space<hbm>> -> memref<100000x128xf32, #tpu.memory_space<hbm>>
    tpu.enqueue_indirect_dma source(%dma_start3A_37 : memref<100000x128xf32, #tpu.memory_space<hbm>>) target(%dma_start3A_34 : memref<128x128xf32, #tpu.memory_space<vmem>>) offsets(%arg9 : memref<128xi32, #tpu.memory_space<vmem>>) semaphore(%arg15 : memref<!tpu.dma_semaphore, #tpu.memory_space<semaphore_mem>>)
    %dma_start3A_38 = arith.constant 128 : i32
    %dma_start3A_39 = arith.constant 0 : i32
    %dma_start3A_40 = tpu.memref_slice %arg13[%dma_start3A_38, %dma_start3A_39] : memref<136x128xf32, #tpu.memory_space<vmem>> -> memref<8x128xf32, #tpu.memory_space<vmem>>
    %dma_start3A_41 = arith.constant 0 : i32
    %dma_start3A_42 = tpu.memref_slice %arg10[%dma_start3A_41] : memref<8xi32, #tpu.memory_space<vmem>> -> memref<8xi32, #tpu.memory_space<vmem>>
    %dma_start3A_43 = arith.constant 0 : i32
    %dma_start3A_44 = arith.constant 0 : i32
    %dma_start3A_45 = tpu.memref_slice %arg5[%dma_start3A_43, %dma_start3A_44] : memref<100000x128xf32, #tpu.memory_space<hbm>> -> memref<100000x128xf32, #tpu.memory_space<hbm>>
    tpu.enqueue_indirect_dma source(%dma_start3A_45 : memref<100000x128xf32, #tpu.memory_space<hbm>>) target(%dma_start3A_40 : memref<8x128xf32, #tpu.memory_space<vmem>>) offsets(%dma_start3A_42 : memref<8xi32, #tpu.memory_space<vmem>>) semaphore(%arg15 : memref<!tpu.dma_semaphore, #tpu.memory_space<semaphore_mem>>)
    %dma_wait3A_46 = arith.constant 0 : i32
    %dma_wait3A_47 = arith.constant 0 : i32
    %dma_wait3A_48 = tpu.memref_slice %arg5[%dma_wait3A_46, %dma_wait3A_47] : memref<100000x128xf32, #tpu.memory_space<hbm>> -> memref<100000x128xf32, #tpu.memory_space<hbm>>
    tpu.wait_indirect_dma semaphore(%arg19 : memref<!tpu.dma_semaphore, #tpu.memory_space<semaphore_mem>>) src(%dma_wait3A_48 : memref<100000x128xf32, #tpu.memory_space<hbm>>) dst(%arg12 : memref<128x128xf32, #tpu.memory_space<vmem>>)
    %dma_wait3A_49 = arith.constant 0 : i32
    %dma_wait3A_50 = tpu.memref_slice %arg4[%mul3A_2, %dma_wait3A_49] : memref<4096x128xf32, #tpu.memory_space<hbm>> -> memref<128x128xf32, #tpu.memory_space<hbm>>
    %dma_wait3A_51 = arith.constant 0 : i32
    %dma_wait3A_52 = tpu.memref_slice %arg4[%mul3A_2, %dma_wait3A_51] : memref<4096x128xf32, #tpu.memory_space<hbm>> -> memref<128x128xf32, #tpu.memory_space<hbm>>
    tpu.wait_dma2 semaphore(%arg16 : memref<!tpu.dma_semaphore, #tpu.memory_space<semaphore_mem>>) src(%dma_wait3A_52 : memref<128x128xf32, #tpu.memory_space<hbm>>) dst(%arg11 : memref<128x128xf32, #tpu.memory_space<vmem>>)
    %iota3A = tpu.iota {dimensions = array<i32: 0>} : vector<16xi32>
    %xor3A = arith.constant 8 : i32
    %xor3A_53 = vector.broadcast %xor3A : i32 to vector<16xi32>
    %xor3A_54 = arith.xori %iota3A, %xor3A_53 : vector<16xi32>
    %broadcast_in_dim3A = vector.shape_cast %xor3A_54 : vector<16xi32> to vector<16x1xi32>
    %xor3A_55 = arith.constant 4 : i32
    %xor3A_56 = vector.broadcast %xor3A_55 : i32 to vector<16xi32>
    %xor3A_57 = arith.xori %iota3A, %xor3A_56 : vector<16xi32>
    %broadcast_in_dim3A_58 = vector.shape_cast %xor3A_57 : vector<16xi32> to vector<16x1xi32>
    %xor3A_59 = arith.constant 2 : i32
    %xor3A_60 = vector.broadcast %xor3A_59 : i32 to vector<16xi32>
    %xor3A_61 = arith.xori %iota3A, %xor3A_60 : vector<16xi32>
    %broadcast_in_dim3A_62 = vector.shape_cast %xor3A_61 : vector<16xi32> to vector<16x1xi32>
    %xor3A_63 = arith.constant 1 : i32
    %xor3A_64 = vector.broadcast %xor3A_63 : i32 to vector<16xi32>
    %xor3A_65 = arith.xori %iota3A, %xor3A_64 : vector<16xi32>
    %broadcast_in_dim3A_66 = vector.shape_cast %xor3A_65 : vector<16xi32> to vector<16x1xi32>
    %scan3A = arith.constant 0 : i32
    %scan3A_67 = arith.constant 0 : i32
    %scan3A_68 = arith.constant 8 : i32
    %scan3A_69 = arith.addi %scan3A_67, %scan3A_68 : i32
    %scan3A_70 = arith.constant 1 : i32
    scf.for %scan3A_94 = %scan3A_67 to %scan3A_69 step %scan3A_70  : i32 {
      %broadcast_in_dim3A_95 = arith.constant 0.000000e+00 : f32
      %broadcast_in_dim3A_96 = vector.broadcast %broadcast_in_dim3A_95 : f32 to vector<16xf32>
      %mul3A_97 = arith.constant 16 : i32
      %mul3A_98 = arith.muli %scan3A_94, %mul3A_97 : i32
      %add3A_99 = arith.constant 0 : i32
      %add3A_100 = arith.addi %mul3A_98, %add3A_99 : i32
      %get3A = arith.index_cast %add3A_100 : i32 to index
      %get3A_101 = arith.constant 0 : index
      %get3A_102 = tpu.vector_load %arg12[%get3A, %get3A_101] {strides = array<i32>} : memref<128x128xf32, #tpu.memory_space<vmem>>, vector<1x16xf32>,
      %get3A_103 = vector.shape_cast %get3A_102 : vector<1x16xf32> to vector<16xf32>
      %get3A_104 = arith.index_cast %add3A_100 : i32 to index
      %get3A_105 = arith.constant 0 : index
      %get3A_106 = tpu.vector_load %arg11[%get3A_104, %get3A_105] {strides = array<i32>} : memref<128x128xf32, #tpu.memory_space<vmem>>, vector<1x16xf32>,
      %get3A_107 = vector.shape_cast %get3A_106 : vector<1x16xf32> to vector<16xf32>
      %mul3A_108 = arith.mulf %get3A_103, %get3A_107 : vector<16xf32>
      %get3A_109 = arith.index_cast %add3A_100 : i32 to index
      %get3A_110 = arith.constant 16 : index
      %get3A_111 = tpu.vector_load %arg12[%get3A_109, %get3A_110] {strides = array<i32>} : memref<128x128xf32, #tpu.memory_space<vmem>>, vector<1x16xf32>,
      %get3A_112 = vector.shape_cast %get3A_111 : vector<1x16xf32> to vector<16xf32>
      %get3A_113 = arith.index_cast %add3A_100 : i32 to index
      %get3A_114 = arith.constant 16 : index
      %get3A_115 = tpu.vector_load %arg11[%get3A_113, %get3A_114] {strides = array<i32>} : memref<128x128xf32, #tpu.memory_space<vmem>>, vector<1x16xf32>,
      %get3A_116 = vector.shape_cast %get3A_115 : vector<1x16xf32> to vector<16xf32>
      %mul3A_117 = arith.mulf %get3A_112, %get3A_116 : vector<16xf32>
      %add3A_118 = arith.addf %mul3A_108, %mul3A_117 : vector<16xf32>
      %get3A_119 = arith.index_cast %add3A_100 : i32 to index
      %get3A_120 = arith.constant 32 : index
      %get3A_121 = tpu.vector_load %arg12[%get3A_119, %get3A_120] {strides = array<i32>} : memref<128x128xf32, #tpu.memory_space<vmem>>, vector<1x16xf32>,
      %get3A_122 = vector.shape_cast %get3A_121 : vector<1x16xf32> to vector<16xf32>
      %get3A_123 = arith.index_cast %add3A_100 : i32 to index
      %get3A_124 = arith.constant 32 : index
      %get3A_125 = tpu.vector_load %arg11[%get3A_123, %get3A_124] {strides = array<i32>} : memref<128x128xf32, #tpu.memory_space<vmem>>, vector<1x16xf32>,
      %get3A_126 = vector.shape_cast %get3A_125 : vector<1x16xf32> to vector<16xf32>
      %mul3A_127 = arith.mulf %get3A_122, %get3A_126 : vector<16xf32>
      %add3A_128 = arith.addf %add3A_118, %mul3A_127 : vector<16xf32>
      %get3A_129 = arith.index_cast %add3A_100 : i32 to index
      %get3A_130 = arith.constant 48 : index
      %get3A_131 = tpu.vector_load %arg12[%get3A_129, %get3A_130] {strides = array<i32>} : memref<128x128xf32, #tpu.memory_space<vmem>>, vector<1x16xf32>,
      %get3A_132 = vector.shape_cast %get3A_131 : vector<1x16xf32> to vector<16xf32>
      %get3A_133 = arith.index_cast %add3A_100 : i32 to index
      %get3A_134 = arith.constant 48 : index
      %get3A_135 = tpu.vector_load %arg11[%get3A_133, %get3A_134] {strides = array<i32>} : memref<128x128xf32, #tpu.memory_space<vmem>>, vector<1x16xf32>,
      %get3A_136 = vector.shape_cast %get3A_135 : vector<1x16xf32> to vector<16xf32>
      %mul3A_137 = arith.mulf %get3A_132, %get3A_136 : vector<16xf32>
      %add3A_138 = arith.addf %add3A_128, %mul3A_137 : vector<16xf32>
      %get3A_139 = arith.index_cast %add3A_100 : i32 to index
      %get3A_140 = arith.constant 64 : index
      %get3A_141 = tpu.vector_load %arg12[%get3A_139, %get3A_140] {strides = array<i32>} : memref<128x128xf32, #tpu.memory_space<vmem>>, vector<1x16xf32>,
      %get3A_142 = vector.shape_cast %get3A_141 : vector<1x16xf32> to vector<16xf32>
      %get3A_143 = arith.index_cast %add3A_100 : i32 to index
      %get3A_144 = arith.constant 64 : index
      %get3A_145 = tpu.vector_load %arg11[%get3A_143, %get3A_144] {strides = array<i32>} : memref<128x128xf32, #tpu.memory_space<vmem>>, vector<1x16xf32>,
      %get3A_146 = vector.shape_cast %get3A_145 : vector<1x16xf32> to vector<16xf32>
      %mul3A_147 = arith.mulf %get3A_142, %get3A_146 : vector<16xf32>
      %add3A_148 = arith.addf %add3A_138, %mul3A_147 : vector<16xf32>
      %get3A_149 = arith.index_cast %add3A_100 : i32 to index
      %get3A_150 = arith.constant 80 : index
      %get3A_151 = tpu.vector_load %arg12[%get3A_149, %get3A_150] {strides = array<i32>} : memref<128x128xf32, #tpu.memory_space<vmem>>, vector<1x16xf32>,
      %get3A_152 = vector.shape_cast %get3A_151 : vector<1x16xf32> to vector<16xf32>
      %get3A_153 = arith.index_cast %add3A_100 : i32 to index
      %get3A_154 = arith.constant 80 : index
      %get3A_155 = tpu.vector_load %arg11[%get3A_153, %get3A_154] {strides = array<i32>} : memref<128x128xf32, #tpu.memory_space<vmem>>, vector<1x16xf32>,
      %get3A_156 = vector.shape_cast %get3A_155 : vector<1x16xf32> to vector<16xf32>
      %mul3A_157 = arith.mulf %get3A_152, %get3A_156 : vector<16xf32>
      %add3A_158 = arith.addf %add3A_148, %mul3A_157 : vector<16xf32>
      %get3A_159 = arith.index_cast %add3A_100 : i32 to index
      %get3A_160 = arith.constant 96 : index
      %get3A_161 = tpu.vector_load %arg12[%get3A_159, %get3A_160] {strides = array<i32>} : memref<128x128xf32, #tpu.memory_space<vmem>>, vector<1x16xf32>,
      %get3A_162 = vector.shape_cast %get3A_161 : vector<1x16xf32> to vector<16xf32>
      %get3A_163 = arith.index_cast %add3A_100 : i32 to index
      %get3A_164 = arith.constant 96 : index
      %get3A_165 = tpu.vector_load %arg11[%get3A_163, %get3A_164] {strides = array<i32>} : memref<128x128xf32, #tpu.memory_space<vmem>>, vector<1x16xf32>,
      %get3A_166 = vector.shape_cast %get3A_165 : vector<1x16xf32> to vector<16xf32>
      %mul3A_167 = arith.mulf %get3A_162, %get3A_166 : vector<16xf32>
      %add3A_168 = arith.addf %add3A_158, %mul3A_167 : vector<16xf32>
      %get3A_169 = arith.index_cast %add3A_100 : i32 to index
      %get3A_170 = arith.constant 112 : index
      %get3A_171 = tpu.vector_load %arg12[%get3A_169, %get3A_170] {strides = array<i32>} : memref<128x128xf32, #tpu.memory_space<vmem>>, vector<1x16xf32>,
      %get3A_172 = vector.shape_cast %get3A_171 : vector<1x16xf32> to vector<16xf32>
      %get3A_173 = arith.index_cast %add3A_100 : i32 to index
      %get3A_174 = arith.constant 112 : index
      %get3A_175 = tpu.vector_load %arg11[%get3A_173, %get3A_174] {strides = array<i32>} : memref<128x128xf32, #tpu.memory_space<vmem>>, vector<1x16xf32>,
      %get3A_176 = vector.shape_cast %get3A_175 : vector<1x16xf32> to vector<16xf32>
      %mul3A_177 = arith.mulf %get3A_172, %get3A_176 : vector<16xf32>
      %add3A_178 = arith.addf %add3A_168, %mul3A_177 : vector<16xf32>
      %gather3A = vector.shape_cast %broadcast_in_dim3A : vector<16x1xi32> to vector<16xi32>
      %gather3A_179 = tpu.dynamic_gather %add3A_178[%gather3A] in [0] : vector<16xf32>, vector<16xi32> -> vector<16xf32>
      %add3A_180 = arith.addf %add3A_178, %gather3A_179 : vector<16xf32>
      %gather3A_181 = vector.shape_cast %broadcast_in_dim3A_58 : vector<16x1xi32> to vector<16xi32>
      %gather3A_182 = tpu.dynamic_gather %add3A_180[%gather3A_181] in [0] : vector<16xf32>, vector<16xi32> -> vector<16xf32>
      %add3A_183 = arith.addf %add3A_180, %gather3A_182 : vector<16xf32>
      %gather3A_184 = vector.shape_cast %broadcast_in_dim3A_62 : vector<16x1xi32> to vector<16xi32>
      %gather3A_185 = tpu.dynamic_gather %add3A_183[%gather3A_184] in [0] : vector<16xf32>, vector<16xi32> -> vector<16xf32>
      %add3A_186 = arith.addf %add3A_183, %gather3A_185 : vector<16xf32>
      %gather3A_187 = vector.shape_cast %broadcast_in_dim3A_66 : vector<16x1xi32> to vector<16xi32>
      %gather3A_188 = tpu.dynamic_gather %add3A_186[%gather3A_187] in [0] : vector<16xf32>, vector<16xi32> -> vector<16xf32>
      %add3A_189 = arith.addf %add3A_186, %gather3A_188 : vector<16xf32>
      %eq3A = arith.constant 0 : i32
      %eq3A_190 = vector.broadcast %eq3A : i32 to vector<16xi32>
      %eq3A_191 = arith.cmpi eq, %iota3A, %eq3A_190 : vector<16xi32>
      %select_n3A = arith.select %eq3A_191, %add3A_189, %broadcast_in_dim3A_96 : vector<16xi1>, vector<16xf32>
      %mul3A_192 = arith.constant 16 : i32
      %mul3A_193 = arith.muli %scan3A_94, %mul3A_192 : i32
      %add3A_194 = arith.constant 1 : i32
      %add3A_195 = arith.addi %mul3A_193, %add3A_194 : i32
      %get3A_196 = arith.index_cast %add3A_195 : i32 to index
      %get3A_197 = arith.constant 0 : index
      %get3A_198 = tpu.vector_load %arg12[%get3A_196, %get3A_197] {strides = array<i32>} : memref<128x128xf32, #tpu.memory_space<vmem>>, vector<1x16xf32>,
      %get3A_199 = vector.shape_cast %get3A_198 : vector<1x16xf32> to vector<16xf32>
      %get3A_200 = arith.index_cast %add3A_195 : i32 to index
      %get3A_201 = arith.constant 0 : index
      %get3A_202 = tpu.vector_load %arg11[%get3A_200, %get3A_201] {strides = array<i32>} : memref<128x128xf32, #tpu.memory_space<vmem>>, vector<1x16xf32>,
      %get3A_203 = vector.shape_cast %get3A_202 : vector<1x16xf32> to vector<16xf32>
      %mul3A_204 = arith.mulf %get3A_199, %get3A_203 : vector<16xf32>
      %get3A_205 = arith.index_cast %add3A_195 : i32 to index
      %get3A_206 = arith.constant 16 : index
      %get3A_207 = tpu.vector_load %arg12[%get3A_205, %get3A_206] {strides = array<i32>} : memref<128x128xf32, #tpu.memory_space<vmem>>, vector<1x16xf32>,
      %get3A_208 = vector.shape_cast %get3A_207 : vector<1x16xf32> to vector<16xf32>
      %get3A_209 = arith.index_cast %add3A_195 : i32 to index
      %get3A_210 = arith.constant 16 : index
      %get3A_211 = tpu.vector_load %arg11[%get3A_209, %get3A_210] {strides = array<i32>} : memref<128x128xf32, #tpu.memory_space<vmem>>, vector<1x16xf32>,
      %get3A_212 = vector.shape_cast %get3A_211 : vector<1x16xf32> to vector<16xf32>
      %mul3A_213 = arith.mulf %get3A_208, %get3A_212 : vector<16xf32>
      %add3A_214 = arith.addf %mul3A_204, %mul3A_213 : vector<16xf32>
      %get3A_215 = arith.index_cast %add3A_195 : i32 to index
      %get3A_216 = arith.constant 32 : index
      %get3A_217 = tpu.vector_load %arg12[%get3A_215, %get3A_216] {strides = array<i32>} : memref<128x128xf32, #tpu.memory_space<vmem>>, vector<1x16xf32>,
      %get3A_218 = vector.shape_cast %get3A_217 : vector<1x16xf32> to vector<16xf32>
      %get3A_219 = arith.index_cast %add3A_195 : i32 to index
      %get3A_220 = arith.constant 32 : index
      %get3A_221 = tpu.vector_load %arg11[%get3A_219, %get3A_220] {strides = array<i32>} : memref<128x128xf32, #tpu.memory_space<vmem>>, vector<1x16xf32>,
      %get3A_222 = vector.shape_cast %get3A_221 : vector<1x16xf32> to vector<16xf32>
      %mul3A_223 = arith.mulf %get3A_218, %get3A_222 : vector<16xf32>
      %add3A_224 = arith.addf %add3A_214, %mul3A_223 : vector<16xf32>
      %get3A_225 = arith.index_cast %add3A_195 : i32 to index
      %get3A_226 = arith.constant 48 : index
      %get3A_227 = tpu.vector_load %arg12[%get3A_225, %get3A_226] {strides = array<i32>} : memref<128x128xf32, #tpu.memory_space<vmem>>, vector<1x16xf32>,
      %get3A_228 = vector.shape_cast %get3A_227 : vector<1x16xf32> to vector<16xf32>
      %get3A_229 = arith.index_cast %add3A_195 : i32 to index
      %get3A_230 = arith.constant 48 : index
      %get3A_231 = tpu.vector_load %arg11[%get3A_229, %get3A_230] {strides = array<i32>} : memref<128x128xf32, #tpu.memory_space<vmem>>, vector<1x16xf32>,
      %get3A_232 = vector.shape_cast %get3A_231 : vector<1x16xf32> to vector<16xf32>
      %mul3A_233 = arith.mulf %get3A_228, %get3A_232 : vector<16xf32>
      %add3A_234 = arith.addf %add3A_224, %mul3A_233 : vector<16xf32>
      %get3A_235 = arith.index_cast %add3A_195 : i32 to index
      %get3A_236 = arith.constant 64 : index
      %get3A_237 = tpu.vector_load %arg12[%get3A_235, %get3A_236] {strides = array<i32>} : memref<128x128xf32, #tpu.memory_space<vmem>>, vector<1x16xf32>,
      %get3A_238 = vector.shape_cast %get3A_237 : vector<1x16xf32> to vector<16xf32>
      %get3A_239 = arith.index_cast %add3A_195 : i32 to index
      %get3A_240 = arith.constant 64 : index
      %get3A_241 = tpu.vector_load %arg11[%get3A_239, %get3A_240] {strides = array<i32>} : memref<128x128xf32, #tpu.memory_space<vmem>>, vector<1x16xf32>,
      %get3A_242 = vector.shape_cast %get3A_241 : vector<1x16xf32> to vector<16xf32>
      %mul3A_243 = arith.mulf %get3A_238, %get3A_242 : vector<16xf32>
      %add3A_244 = arith.addf %add3A_234, %mul3A_243 : vector<16xf32>
      %get3A_245 = arith.index_cast %add3A_195 : i32 to index
      %get3A_246 = arith.constant 80 : index
      %get3A_247 = tpu.vector_load %arg12[%get3A_245, %get3A_246] {strides = array<i32>} : memref<128x128xf32, #tpu.memory_space<vmem>>, vector<1x16xf32>,
      %get3A_248 = vector.shape_cast %get3A_247 : vector<1x16xf32> to vector<16xf32>
      %get3A_249 = arith.index_cast %add3A_195 : i32 to index
      %get3A_250 = arith.constant 80 : index
      %get3A_251 = tpu.vector_load %arg11[%get3A_249, %get3A_250] {strides = array<i32>} : memref<128x128xf32, #tpu.memory_space<vmem>>, vector<1x16xf32>,
      %get3A_252 = vector.shape_cast %get3A_251 : vector<1x16xf32> to vector<16xf32>
      %mul3A_253 = arith.mulf %get3A_248, %get3A_252 : vector<16xf32>
      %add3A_254 = arith.addf %add3A_244, %mul3A_253 : vector<16xf32>
      %get3A_255 = arith.index_cast %add3A_195 : i32 to index
      %get3A_256 = arith.constant 96 : index
      %get3A_257 = tpu.vector_load %arg12[%get3A_255, %get3A_256] {strides = array<i32>} : memref<128x128xf32, #tpu.memory_space<vmem>>, vector<1x16xf32>,
      %get3A_258 = vector.shape_cast %get3A_257 : vector<1x16xf32> to vector<16xf32>
      %get3A_259 = arith.index_cast %add3A_195 : i32 to index
      %get3A_260 = arith.constant 96 : index
      %get3A_261 = tpu.vector_load %arg11[%get3A_259, %get3A_260] {strides = array<i32>} : memref<128x128xf32, #tpu.memory_space<vmem>>, vector<1x16xf32>,
      %get3A_262 = vector.shape_cast %get3A_261 : vector<1x16xf32> to vector<16xf32>
      %mul3A_263 = arith.mulf %get3A_258, %get3A_262 : vector<16xf32>
      %add3A_264 = arith.addf %add3A_254, %mul3A_263 : vector<16xf32>
      %get3A_265 = arith.index_cast %add3A_195 : i32 to index
      %get3A_266 = arith.constant 112 : index
      %get3A_267 = tpu.vector_load %arg12[%get3A_265, %get3A_266] {strides = array<i32>} : memref<128x128xf32, #tpu.memory_space<vmem>>, vector<1x16xf32>,
      %get3A_268 = vector.shape_cast %get3A_267 : vector<1x16xf32> to vector<16xf32>
      %get3A_269 = arith.index_cast %add3A_195 : i32 to index
      %get3A_270 = arith.constant 112 : index
      %get3A_271 = tpu.vector_load %arg11[%get3A_269, %get3A_270] {strides = array<i32>} : memref<128x128xf32, #tpu.memory_space<vmem>>, vector<1x16xf32>,
      %get3A_272 = vector.shape_cast %get3A_271 : vector<1x16xf32> to vector<16xf32>
      %mul3A_273 = arith.mulf %get3A_268, %get3A_272 : vector<16xf32>
      %add3A_274 = arith.addf %add3A_264, %mul3A_273 : vector<16xf32>
      %gather3A_275 = vector.shape_cast %broadcast_in_dim3A : vector<16x1xi32> to vector<16xi32>
      %gather3A_276 = tpu.dynamic_gather %add3A_274[%gather3A_275] in [0] : vector<16xf32>, vector<16xi32> -> vector<16xf32>
      %add3A_277 = arith.addf %add3A_274, %gather3A_276 : vector<16xf32>
      %gather3A_278 = vector.shape_cast %broadcast_in_dim3A_58 : vector<16x1xi32> to vector<16xi32>
      %gather3A_279 = tpu.dynamic_gather %add3A_277[%gather3A_278] in [0] : vector<16xf32>, vector<16xi32> -> vector<16xf32>
      %add3A_280 = arith.addf %add3A_277, %gather3A_279 : vector<16xf32>
      %gather3A_281 = vector.shape_cast %broadcast_in_dim3A_62 : vector<16x1xi32> to vector<16xi32>
      %gather3A_282 = tpu.dynamic_gather %add3A_280[%gather3A_281] in [0] : vector<16xf32>, vector<16xi32> -> vector<16xf32>
      %add3A_283 = arith.addf %add3A_280, %gather3A_282 : vector<16xf32>
      %gather3A_284 = vector.shape_cast %broadcast_in_dim3A_66 : vector<16x1xi32> to vector<16xi32>
      %gather3A_285 = tpu.dynamic_gather %add3A_283[%gather3A_284] in [0] : vector<16xf32>, vector<16xi32> -> vector<16xf32>
      %add3A_286 = arith.addf %add3A_283, %gather3A_285 : vector<16xf32>
      %eq3A_287 = arith.constant 1 : i32
      %eq3A_288 = vector.broadcast %eq3A_287 : i32 to vector<16xi32>
      %eq3A_289 = arith.cmpi eq, %iota3A, %eq3A_288 : vector<16xi32>
      %select_n3A_290 = arith.select %eq3A_289, %add3A_286, %select_n3A : vector<16xi1>, vector<16xf32>
      %mul3A_291 = arith.constant 16 : i32
      %mul3A_292 = arith.muli %scan3A_94, %mul3A_291 : i32
      %add3A_293 = arith.constant 2 : i32
      %add3A_294 = arith.addi %mul3A_292, %add3A_293 : i32
      %get3A_295 = arith.index_cast %add3A_294 : i32 to index
      %get3A_296 = arith.constant 0 : index
      %get3A_297 = tpu.vector_load %arg12[%get3A_295, %get3A_296] {strides = array<i32>} : memref<128x128xf32, #tpu.memory_space<vmem>>, vector<1x16xf32>,
      %get3A_298 = vector.shape_cast %get3A_297 : vector<1x16xf32> to vector<16xf32>
      %get3A_299 = arith.index_cast %add3A_294 : i32 to index
      %get3A_300 = arith.constant 0 : index
      %get3A_301 = tpu.vector_load %arg11[%get3A_299, %get3A_300] {strides = array<i32>} : memref<128x128xf32, #tpu.memory_space<vmem>>, vector<1x16xf32>,
      %get3A_302 = vector.shape_cast %get3A_301 : vector<1x16xf32> to vector<16xf32>
      %mul3A_303 = arith.mulf %get3A_298, %get3A_302 : vector<16xf32>
      %get3A_304 = arith.index_cast %add3A_294 : i32 to index
      %get3A_305 = arith.constant 16 : index
      %get3A_306 = tpu.vector_load %arg12[%get3A_304, %get3A_305] {strides = array<i32>} : memref<128x128xf32, #tpu.memory_space<vmem>>, vector<1x16xf32>,
      %get3A_307 = vector.shape_cast %get3A_306 : vector<1x16xf32> to vector<16xf32>
      %get3A_308 = arith.index_cast %add3A_294 : i32 to index
      %get3A_309 = arith.constant 16 : index
      %get3A_310 = tpu.vector_load %arg11[%get3A_308, %get3A_309] {strides = array<i32>} : memref<128x128xf32, #tpu.memory_space<vmem>>, vector<1x16xf32>,
      %get3A_311 = vector.shape_cast %get3A_310 : vector<1x16xf32> to vector<16xf32>
      %mul3A_312 = arith.mulf %get3A_307, %get3A_311 : vector<16xf32>
      %add3A_313 = arith.addf %mul3A_303, %mul3A_312 : vector<16xf32>
      %get3A_314 = arith.index_cast %add3A_294 : i32 to index
      %get3A_315 = arith.constant 32 : index
      %get3A_316 = tpu.vector_load %arg12[%get3A_314, %get3A_315] {strides = array<i32>} : memref<128x128xf32, #tpu.memory_space<vmem>>, vector<1x16xf32>,
      %get3A_317 = vector.shape_cast %get3A_316 : vector<1x16xf32> to vector<16xf32>
      %get3A_318 = arith.index_cast %add3A_294 : i32 to index
      %get3A_319 = arith.constant 32 : index
      %get3A_320 = tpu.vector_load %arg11[%get3A_318, %get3A_319] {strides = array<i32>} : memref<128x128xf32, #tpu.memory_space<vmem>>, vector<1x16xf32>,
      %get3A_321 = vector.shape_cast %get3A_320 : vector<1x16xf32> to vector<16xf32>
      %mul3A_322 = arith.mulf %get3A_317, %get3A_321 : vector<16xf32>
      %add3A_323 = arith.addf %add3A_313, %mul3A_322 : vector<16xf32>
      %get3A_324 = arith.index_cast %add3A_294 : i32 to index
      %get3A_325 = arith.constant 48 : index
      %get3A_326 = tpu.vector_load %arg12[%get3A_324, %get3A_325] {strides = array<i32>} : memref<128x128xf32, #tpu.memory_space<vmem>>, vector<1x16xf32>,
      %get3A_327 = vector.shape_cast %get3A_326 : vector<1x16xf32> to vector<16xf32>
      %get3A_328 = arith.index_cast %add3A_294 : i32 to index
      %get3A_329 = arith.constant 48 : index
      %get3A_330 = tpu.vector_load %arg11[%get3A_328, %get3A_329] {strides = array<i32>} : memref<128x128xf32, #tpu.memory_space<vmem>>, vector<1x16xf32>,
      %get3A_331 = vector.shape_cast %get3A_330 : vector<1x16xf32> to vector<16xf32>
      %mul3A_332 = arith.mulf %get3A_327, %get3A_331 : vector<16xf32>
      %add3A_333 = arith.addf %add3A_323, %mul3A_332 : vector<16xf32>
      %get3A_334 = arith.index_cast %add3A_294 : i32 to index
      %get3A_335 = arith.constant 64 : index
      %get3A_336 = tpu.vector_load %arg12[%get3A_334, %get3A_335] {strides = array<i32>} : memref<128x128xf32, #tpu.memory_space<vmem>>, vector<1x16xf32>,
      %get3A_337 = vector.shape_cast %get3A_336 : vector<1x16xf32> to vector<16xf32>
      %get3A_338 = arith.index_cast %add3A_294 : i32 to index
      %get3A_339 = arith.constant 64 : index
      %get3A_340 = tpu.vector_load %arg11[%get3A_338, %get3A_339] {strides = array<i32>} : memref<128x128xf32, #tpu.memory_space<vmem>>, vector<1x16xf32>,
      %get3A_341 = vector.shape_cast %get3A_340 : vector<1x16xf32> to vector<16xf32>
      %mul3A_342 = arith.mulf %get3A_337, %get3A_341 : vector<16xf32>
      %add3A_343 = arith.addf %add3A_333, %mul3A_342 : vector<16xf32>
      %get3A_344 = arith.index_cast %add3A_294 : i32 to index
      %get3A_345 = arith.constant 80 : index
      %get3A_346 = tpu.vector_load %arg12[%get3A_344, %get3A_345] {strides = array<i32>} : memref<128x128xf32, #tpu.memory_space<vmem>>, vector<1x16xf32>,
      %get3A_347 = vector.shape_cast %get3A_346 : vector<1x16xf32> to vector<16xf32>
      %get3A_348 = arith.index_cast %add3A_294 : i32 to index
      %get3A_349 = arith.constant 80 : index
      %get3A_350 = tpu.vector_load %arg11[%get3A_348, %get3A_349] {strides = array<i32>} : memref<128x128xf32, #tpu.memory_space<vmem>>, vector<1x16xf32>,
      %get3A_351 = vector.shape_cast %get3A_350 : vector<1x16xf32> to vector<16xf32>
      %mul3A_352 = arith.mulf %get3A_347, %get3A_351 : vector<16xf32>
      %add3A_353 = arith.addf %add3A_343, %mul3A_352 : vector<16xf32>
      %get3A_354 = arith.index_cast %add3A_294 : i32 to index
      %get3A_355 = arith.constant 96 : index
      %get3A_356 = tpu.vector_load %arg12[%get3A_354, %get3A_355] {strides = array<i32>} : memref<128x128xf32, #tpu.memory_space<vmem>>, vector<1x16xf32>,
      %get3A_357 = vector.shape_cast %get3A_356 : vector<1x16xf32> to vector<16xf32>
      %get3A_358 = arith.index_cast %add3A_294 : i32 to index
      %get3A_359 = arith.constant 96 : index
      %get3A_360 = tpu.vector_load %arg11[%get3A_358, %get3A_359] {strides = array<i32>} : memref<128x128xf32, #tpu.memory_space<vmem>>, vector<1x16xf32>,
      %get3A_361 = vector.shape_cast %get3A_360 : vector<1x16xf32> to vector<16xf32>
      %mul3A_362 = arith.mulf %get3A_357, %get3A_361 : vector<16xf32>
      %add3A_363 = arith.addf %add3A_353, %mul3A_362 : vector<16xf32>
      %get3A_364 = arith.index_cast %add3A_294 : i32 to index
      %get3A_365 = arith.constant 112 : index
      %get3A_366 = tpu.vector_load %arg12[%get3A_364, %get3A_365] {strides = array<i32>} : memref<128x128xf32, #tpu.memory_space<vmem>>, vector<1x16xf32>,
      %get3A_367 = vector.shape_cast %get3A_366 : vector<1x16xf32> to vector<16xf32>
      %get3A_368 = arith.index_cast %add3A_294 : i32 to index
      %get3A_369 = arith.constant 112 : index
      %get3A_370 = tpu.vector_load %arg11[%get3A_368, %get3A_369] {strides = array<i32>} : memref<128x128xf32, #tpu.memory_space<vmem>>, vector<1x16xf32>,
      %get3A_371 = vector.shape_cast %get3A_370 : vector<1x16xf32> to vector<16xf32>
      %mul3A_372 = arith.mulf %get3A_367, %get3A_371 : vector<16xf32>
      %add3A_373 = arith.addf %add3A_363, %mul3A_372 : vector<16xf32>
      %gather3A_374 = vector.shape_cast %broadcast_in_dim3A : vector<16x1xi32> to vector<16xi32>
      %gather3A_375 = tpu.dynamic_gather %add3A_373[%gather3A_374] in [0] : vector<16xf32>, vector<16xi32> -> vector<16xf32>
      %add3A_376 = arith.addf %add3A_373, %gather3A_375 : vector<16xf32>
      %gather3A_377 = vector.shape_cast %broadcast_in_dim3A_58 : vector<16x1xi32> to vector<16xi32>
      %gather3A_378 = tpu.dynamic_gather %add3A_376[%gather3A_377] in [0] : vector<16xf32>, vector<16xi32> -> vector<16xf32>
      %add3A_379 = arith.addf %add3A_376, %gather3A_378 : vector<16xf32>
      %gather3A_380 = vector.shape_cast %broadcast_in_dim3A_62 : vector<16x1xi32> to vector<16xi32>
      %gather3A_381 = tpu.dynamic_gather %add3A_379[%gather3A_380] in [0] : vector<16xf32>, vector<16xi32> -> vector<16xf32>
      %add3A_382 = arith.addf %add3A_379, %gather3A_381 : vector<16xf32>
      %gather3A_383 = vector.shape_cast %broadcast_in_dim3A_66 : vector<16x1xi32> to vector<16xi32>
      %gather3A_384 = tpu.dynamic_gather %add3A_382[%gather3A_383] in [0] : vector<16xf32>, vector<16xi32> -> vector<16xf32>
      %add3A_385 = arith.addf %add3A_382, %gather3A_384 : vector<16xf32>
      %eq3A_386 = arith.constant 2 : i32
      %eq3A_387 = vector.broadcast %eq3A_386 : i32 to vector<16xi32>
      %eq3A_388 = arith.cmpi eq, %iota3A, %eq3A_387 : vector<16xi32>
      %select_n3A_389 = arith.select %eq3A_388, %add3A_385, %select_n3A_290 : vector<16xi1>, vector<16xf32>
      %mul3A_390 = arith.constant 16 : i32
      %mul3A_391 = arith.muli %scan3A_94, %mul3A_390 : i32
      %add3A_392 = arith.constant 3 : i32
      %add3A_393 = arith.addi %mul3A_391, %add3A_392 : i32
      %get3A_394 = arith.index_cast %add3A_393 : i32 to index
      %get3A_395 = arith.constant 0 : index
      %get3A_396 = tpu.vector_load %arg12[%get3A_394, %get3A_395] {strides = array<i32>} : memref<128x128xf32, #tpu.memory_space<vmem>>, vector<1x16xf32>,
      %get3A_397 = vector.shape_cast %get3A_396 : vector<1x16xf32> to vector<16xf32>
      %get3A_398 = arith.index_cast %add3A_393 : i32 to index
      %get3A_399 = arith.constant 0 : index
      %get3A_400 = tpu.vector_load %arg11[%get3A_398, %get3A_399] {strides = array<i32>} : memref<128x128xf32, #tpu.memory_space<vmem>>, vector<1x16xf32>,
      %get3A_401 = vector.shape_cast %get3A_400 : vector<1x16xf32> to vector<16xf32>
      %mul3A_402 = arith.mulf %get3A_397, %get3A_401 : vector<16xf32>
      %get3A_403 = arith.index_cast %add3A_393 : i32 to index
      %get3A_404 = arith.constant 16 : index
      %get3A_405 = tpu.vector_load %arg12[%get3A_403, %get3A_404] {strides = array<i32>} : memref<128x128xf32, #tpu.memory_space<vmem>>, vector<1x16xf32>,
      %get3A_406 = vector.shape_cast %get3A_405 : vector<1x16xf32> to vector<16xf32>
      %get3A_407 = arith.index_cast %add3A_393 : i32 to index
      %get3A_408 = arith.constant 16 : index
      %get3A_409 = tpu.vector_load %arg11[%get3A_407, %get3A_408] {strides = array<i32>} : memref<128x128xf32, #tpu.memory_space<vmem>>, vector<1x16xf32>,
      %get3A_410 = vector.shape_cast %get3A_409 : vector<1x16xf32> to vector<16xf32>
      %mul3A_411 = arith.mulf %get3A_406, %get3A_410 : vector<16xf32>
      %add3A_412 = arith.addf %mul3A_402, %mul3A_411 : vector<16xf32>
      %get3A_413 = arith.index_cast %add3A_393 : i32 to index
      %get3A_414 = arith.constant 32 : index
      %get3A_415 = tpu.vector_load %arg12[%get3A_413, %get3A_414] {strides = array<i32>} : memref<128x128xf32, #tpu.memory_space<vmem>>, vector<1x16xf32>,
      %get3A_416 = vector.shape_cast %get3A_415 : vector<1x16xf32> to vector<16xf32>
      %get3A_417 = arith.index_cast %add3A_393 : i32 to index
      %get3A_418 = arith.constant 32 : index
      %get3A_419 = tpu.vector_load %arg11[%get3A_417, %get3A_418] {strides = array<i32>} : memref<128x128xf32, #tpu.memory_space<vmem>>, vector<1x16xf32>,
      %get3A_420 = vector.shape_cast %get3A_419 : vector<1x16xf32> to vector<16xf32>
      %mul3A_421 = arith.mulf %get3A_416, %get3A_420 : vector<16xf32>
      %add3A_422 = arith.addf %add3A_412, %mul3A_421 : vector<16xf32>
      %get3A_423 = arith.index_cast %add3A_393 : i32 to index
      %get3A_424 = arith.constant 48 : index
      %get3A_425 = tpu.vector_load %arg12[%get3A_423, %get3A_424] {strides = array<i32>} : memref<128x128xf32, #tpu.memory_space<vmem>>, vector<1x16xf32>,
      %get3A_426 = vector.shape_cast %get3A_425 : vector<1x16xf32> to vector<16xf32>
      %get3A_427 = arith.index_cast %add3A_393 : i32 to index
      %get3A_428 = arith.constant 48 : index
      %get3A_429 = tpu.vector_load %arg11[%get3A_427, %get3A_428] {strides = array<i32>} : memref<128x128xf32, #tpu.memory_space<vmem>>, vector<1x16xf32>,
      %get3A_430 = vector.shape_cast %get3A_429 : vector<1x16xf32> to vector<16xf32>
      %mul3A_431 = arith.mulf %get3A_426, %get3A_430 : vector<16xf32>
      %add3A_432 = arith.addf %add3A_422, %mul3A_431 : vector<16xf32>
      %get3A_433 = arith.index_cast %add3A_393 : i32 to index
      %get3A_434 = arith.constant 64 : index
      %get3A_435 = tpu.vector_load %arg12[%get3A_433, %get3A_434] {strides = array<i32>} : memref<128x128xf32, #tpu.memory_space<vmem>>, vector<1x16xf32>,
      %get3A_436 = vector.shape_cast %get3A_435 : vector<1x16xf32> to vector<16xf32>
      %get3A_437 = arith.index_cast %add3A_393 : i32 to index
      %get3A_438 = arith.constant 64 : index
      %get3A_439 = tpu.vector_load %arg11[%get3A_437, %get3A_438] {strides = array<i32>} : memref<128x128xf32, #tpu.memory_space<vmem>>, vector<1x16xf32>,
      %get3A_440 = vector.shape_cast %get3A_439 : vector<1x16xf32> to vector<16xf32>
      %mul3A_441 = arith.mulf %get3A_436, %get3A_440 : vector<16xf32>
      %add3A_442 = arith.addf %add3A_432, %mul3A_441 : vector<16xf32>
      %get3A_443 = arith.index_cast %add3A_393 : i32 to index
      %get3A_444 = arith.constant 80 : index
      %get3A_445 = tpu.vector_load %arg12[%get3A_443, %get3A_444] {strides = array<i32>} : memref<128x128xf32, #tpu.memory_space<vmem>>, vector<1x16xf32>,
      %get3A_446 = vector.shape_cast %get3A_445 : vector<1x16xf32> to vector<16xf32>
      %get3A_447 = arith.index_cast %add3A_393 : i32 to index
      %get3A_448 = arith.constant 80 : index
      %get3A_449 = tpu.vector_load %arg11[%get3A_447, %get3A_448] {strides = array<i32>} : memref<128x128xf32, #tpu.memory_space<vmem>>, vector<1x16xf32>,
      %get3A_450 = vector.shape_cast %get3A_449 : vector<1x16xf32> to vector<16xf32>
      %mul3A_451 = arith.mulf %get3A_446, %get3A_450 : vector<16xf32>
      %add3A_452 = arith.addf %add3A_442, %mul3A_451 : vector<16xf32>
      %get3A_453 = arith.index_cast %add3A_393 : i32 to index
      %get3A_454 = arith.constant 96 : index
      %get3A_455 = tpu.vector_load %arg12[%get3A_453, %get3A_454] {strides = array<i32>} : memref<128x128xf32, #tpu.memory_space<vmem>>, vector<1x16xf32>,
      %get3A_456 = vector.shape_cast %get3A_455 : vector<1x16xf32> to vector<16xf32>
      %get3A_457 = arith.index_cast %add3A_393 : i32 to index
      %get3A_458 = arith.constant 96 : index
      %get3A_459 = tpu.vector_load %arg11[%get3A_457, %get3A_458] {strides = array<i32>} : memref<128x128xf32, #tpu.memory_space<vmem>>, vector<1x16xf32>,
      %get3A_460 = vector.shape_cast %get3A_459 : vector<1x16xf32> to vector<16xf32>
      %mul3A_461 = arith.mulf %get3A_456, %get3A_460 : vector<16xf32>
      %add3A_462 = arith.addf %add3A_452, %mul3A_461 : vector<16xf32>
      %get3A_463 = arith.index_cast %add3A_393 : i32 to index
      %get3A_464 = arith.constant 112 : index
      %get3A_465 = tpu.vector_load %arg12[%get3A_463, %get3A_464] {strides = array<i32>} : memref<128x128xf32, #tpu.memory_space<vmem>>, vector<1x16xf32>,
      %get3A_466 = vector.shape_cast %get3A_465 : vector<1x16xf32> to vector<16xf32>
      %get3A_467 = arith.index_cast %add3A_393 : i32 to index
      %get3A_468 = arith.constant 112 : index
      %get3A_469 = tpu.vector_load %arg11[%get3A_467, %get3A_468] {strides = array<i32>} : memref<128x128xf32, #tpu.memory_space<vmem>>, vector<1x16xf32>,
      %get3A_470 = vector.shape_cast %get3A_469 : vector<1x16xf32> to vector<16xf32>
      %mul3A_471 = arith.mulf %get3A_466, %get3A_470 : vector<16xf32>
      %add3A_472 = arith.addf %add3A_462, %mul3A_471 : vector<16xf32>
      %gather3A_473 = vector.shape_cast %broadcast_in_dim3A : vector<16x1xi32> to vector<16xi32>
      %gather3A_474 = tpu.dynamic_gather %add3A_472[%gather3A_473] in [0] : vector<16xf32>, vector<16xi32> -> vector<16xf32>
      %add3A_475 = arith.addf %add3A_472, %gather3A_474 : vector<16xf32>
      %gather3A_476 = vector.shape_cast %broadcast_in_dim3A_58 : vector<16x1xi32> to vector<16xi32>
      %gather3A_477 = tpu.dynamic_gather %add3A_475[%gather3A_476] in [0] : vector<16xf32>, vector<16xi32> -> vector<16xf32>
      %add3A_478 = arith.addf %add3A_475, %gather3A_477 : vector<16xf32>
      %gather3A_479 = vector.shape_cast %broadcast_in_dim3A_62 : vector<16x1xi32> to vector<16xi32>
      %gather3A_480 = tpu.dynamic_gather %add3A_478[%gather3A_479] in [0] : vector<16xf32>, vector<16xi32> -> vector<16xf32>
      %add3A_481 = arith.addf %add3A_478, %gather3A_480 : vector<16xf32>
      %gather3A_482 = vector.shape_cast %broadcast_in_dim3A_66 : vector<16x1xi32> to vector<16xi32>
      %gather3A_483 = tpu.dynamic_gather %add3A_481[%gather3A_482] in [0] : vector<16xf32>, vector<16xi32> -> vector<16xf32>
      %add3A_484 = arith.addf %add3A_481, %gather3A_483 : vector<16xf32>
      %eq3A_485 = arith.constant 3 : i32
      %eq3A_486 = vector.broadcast %eq3A_485 : i32 to vector<16xi32>
      %eq3A_487 = arith.cmpi eq, %iota3A, %eq3A_486 : vector<16xi32>
      %select_n3A_488 = arith.select %eq3A_487, %add3A_484, %select_n3A_389 : vector<16xi1>, vector<16xf32>
      %mul3A_489 = arith.constant 16 : i32
      %mul3A_490 = arith.muli %scan3A_94, %mul3A_489 : i32
      %add3A_491 = arith.constant 4 : i32
      %add3A_492 = arith.addi %mul3A_490, %add3A_491 : i32
      %get3A_493 = arith.index_cast %add3A_492 : i32 to index
      %get3A_494 = arith.constant 0 : index
      %get3A_495 = tpu.vector_load %arg12[%get3A_493, %get3A_494] {strides = array<i32>} : memref<128x128xf32, #tpu.memory_space<vmem>>, vector<1x16xf32>,
      %get3A_496 = vector.shape_cast %get3A_495 : vector<1x16xf32> to vector<16xf32>
      %get3A_497 = arith.index_cast %add3A_492 : i32 to index
      %get3A_498 = arith.constant 0 : index
      %get3A_499 = tpu.vector_load %arg11[%get3A_497, %get3A_498] {strides = array<i32>} : memref<128x128xf32, #tpu.memory_space<vmem>>, vector<1x16xf32>,
      %get3A_500 = vector.shape_cast %get3A_499 : vector<1x16xf32> to vector<16xf32>
      %mul3A_501 = arith.mulf %get3A_496, %get3A_500 : vector<16xf32>
      %get3A_502 = arith.index_cast %add3A_492 : i32 to index
      %get3A_503 = arith.constant 16 : index
      %get3A_504 = tpu.vector_load %arg12[%get3A_502, %get3A_503] {strides = array<i32>} : memref<128x128xf32, #tpu.memory_space<vmem>>, vector<1x16xf32>,
      %get3A_505 = vector.shape_cast %get3A_504 : vector<1x16xf32> to vector<16xf32>
      %get3A_506 = arith.index_cast %add3A_492 : i32 to index
      %get3A_507 = arith.constant 16 : index
      %get3A_508 = tpu.vector_load %arg11[%get3A_506, %get3A_507] {strides = array<i32>} : memref<128x128xf32, #tpu.memory_space<vmem>>, vector<1x16xf32>,
      %get3A_509 = vector.shape_cast %get3A_508 : vector<1x16xf32> to vector<16xf32>
      %mul3A_510 = arith.mulf %get3A_505, %get3A_509 : vector<16xf32>
      %add3A_511 = arith.addf %mul3A_501, %mul3A_510 : vector<16xf32>
      %get3A_512 = arith.index_cast %add3A_492 : i32 to index
      %get3A_513 = arith.constant 32 : index
      %get3A_514 = tpu.vector_load %arg12[%get3A_512, %get3A_513] {strides = array<i32>} : memref<128x128xf32, #tpu.memory_space<vmem>>, vector<1x16xf32>,
      %get3A_515 = vector.shape_cast %get3A_514 : vector<1x16xf32> to vector<16xf32>
      %get3A_516 = arith.index_cast %add3A_492 : i32 to index
      %get3A_517 = arith.constant 32 : index
      %get3A_518 = tpu.vector_load %arg11[%get3A_516, %get3A_517] {strides = array<i32>} : memref<128x128xf32, #tpu.memory_space<vmem>>, vector<1x16xf32>,
      %get3A_519 = vector.shape_cast %get3A_518 : vector<1x16xf32> to vector<16xf32>
      %mul3A_520 = arith.mulf %get3A_515, %get3A_519 : vector<16xf32>
      %add3A_521 = arith.addf %add3A_511, %mul3A_520 : vector<16xf32>
      %get3A_522 = arith.index_cast %add3A_492 : i32 to index
      %get3A_523 = arith.constant 48 : index
      %get3A_524 = tpu.vector_load %arg12[%get3A_522, %get3A_523] {strides = array<i32>} : memref<128x128xf32, #tpu.memory_space<vmem>>, vector<1x16xf32>,
      %get3A_525 = vector.shape_cast %get3A_524 : vector<1x16xf32> to vector<16xf32>
      %get3A_526 = arith.index_cast %add3A_492 : i32 to index
      %get3A_527 = arith.constant 48 : index
      %get3A_528 = tpu.vector_load %arg11[%get3A_526, %get3A_527] {strides = array<i32>} : memref<128x128xf32, #tpu.memory_space<vmem>>, vector<1x16xf32>,
      %get3A_529 = vector.shape_cast %get3A_528 : vector<1x16xf32> to vector<16xf32>
      %mul3A_530 = arith.mulf %get3A_525, %get3A_529 : vector<16xf32>
      %add3A_531 = arith.addf %add3A_521, %mul3A_530 : vector<16xf32>
      %get3A_532 = arith.index_cast %add3A_492 : i32 to index
      %get3A_533 = arith.constant 64 : index
      %get3A_534 = tpu.vector_load %arg12[%get3A_532, %get3A_533] {strides = array<i32>} : memref<128x128xf32, #tpu.memory_space<vmem>>, vector<1x16xf32>,
      %get3A_535 = vector.shape_cast %get3A_534 : vector<1x16xf32> to vector<16xf32>
      %get3A_536 = arith.index_cast %add3A_492 : i32 to index
      %get3A_537 = arith.constant 64 : index
      %get3A_538 = tpu.vector_load %arg11[%get3A_536, %get3A_537] {strides = array<i32>} : memref<128x128xf32, #tpu.memory_space<vmem>>, vector<1x16xf32>,
      %get3A_539 = vector.shape_cast %get3A_538 : vector<1x16xf32> to vector<16xf32>
      %mul3A_540 = arith.mulf %get3A_535, %get3A_539 : vector<16xf32>
      %add3A_541 = arith.addf %add3A_531, %mul3A_540 : vector<16xf32>
      %get3A_542 = arith.index_cast %add3A_492 : i32 to index
      %get3A_543 = arith.constant 80 : index
      %get3A_544 = tpu.vector_load %arg12[%get3A_542, %get3A_543] {strides = array<i32>} : memref<128x128xf32, #tpu.memory_space<vmem>>, vector<1x16xf32>,
      %get3A_545 = vector.shape_cast %get3A_544 : vector<1x16xf32> to vector<16xf32>
      %get3A_546 = arith.index_cast %add3A_492 : i32 to index
      %get3A_547 = arith.constant 80 : index
      %get3A_548 = tpu.vector_load %arg11[%get3A_546, %get3A_547] {strides = array<i32>} : memref<128x128xf32, #tpu.memory_space<vmem>>, vector<1x16xf32>,
      %get3A_549 = vector.shape_cast %get3A_548 : vector<1x16xf32> to vector<16xf32>
      %mul3A_550 = arith.mulf %get3A_545, %get3A_549 : vector<16xf32>
      %add3A_551 = arith.addf %add3A_541, %mul3A_550 : vector<16xf32>
      %get3A_552 = arith.index_cast %add3A_492 : i32 to index
      %get3A_553 = arith.constant 96 : index
      %get3A_554 = tpu.vector_load %arg12[%get3A_552, %get3A_553] {strides = array<i32>} : memref<128x128xf32, #tpu.memory_space<vmem>>, vector<1x16xf32>,
      %get3A_555 = vector.shape_cast %get3A_554 : vector<1x16xf32> to vector<16xf32>
      %get3A_556 = arith.index_cast %add3A_492 : i32 to index
      %get3A_557 = arith.constant 96 : index
      %get3A_558 = tpu.vector_load %arg11[%get3A_556, %get3A_557] {strides = array<i32>} : memref<128x128xf32, #tpu.memory_space<vmem>>, vector<1x16xf32>,
      %get3A_559 = vector.shape_cast %get3A_558 : vector<1x16xf32> to vector<16xf32>
      %mul3A_560 = arith.mulf %get3A_555, %get3A_559 : vector<16xf32>
      %add3A_561 = arith.addf %add3A_551, %mul3A_560 : vector<16xf32>
      %get3A_562 = arith.index_cast %add3A_492 : i32 to index
      %get3A_563 = arith.constant 112 : index
      %get3A_564 = tpu.vector_load %arg12[%get3A_562, %get3A_563] {strides = array<i32>} : memref<128x128xf32, #tpu.memory_space<vmem>>, vector<1x16xf32>,
      %get3A_565 = vector.shape_cast %get3A_564 : vector<1x16xf32> to vector<16xf32>
      %get3A_566 = arith.index_cast %add3A_492 : i32 to index
      %get3A_567 = arith.constant 112 : index
      %get3A_568 = tpu.vector_load %arg11[%get3A_566, %get3A_567] {strides = array<i32>} : memref<128x128xf32, #tpu.memory_space<vmem>>, vector<1x16xf32>,
      %get3A_569 = vector.shape_cast %get3A_568 : vector<1x16xf32> to vector<16xf32>
      %mul3A_570 = arith.mulf %get3A_565, %get3A_569 : vector<16xf32>
      %add3A_571 = arith.addf %add3A_561, %mul3A_570 : vector<16xf32>
      %gather3A_572 = vector.shape_cast %broadcast_in_dim3A : vector<16x1xi32> to vector<16xi32>
      %gather3A_573 = tpu.dynamic_gather %add3A_571[%gather3A_572] in [0] : vector<16xf32>, vector<16xi32> -> vector<16xf32>
      %add3A_574 = arith.addf %add3A_571, %gather3A_573 : vector<16xf32>
      %gather3A_575 = vector.shape_cast %broadcast_in_dim3A_58 : vector<16x1xi32> to vector<16xi32>
      %gather3A_576 = tpu.dynamic_gather %add3A_574[%gather3A_575] in [0] : vector<16xf32>, vector<16xi32> -> vector<16xf32>
      %add3A_577 = arith.addf %add3A_574, %gather3A_576 : vector<16xf32>
      %gather3A_578 = vector.shape_cast %broadcast_in_dim3A_62 : vector<16x1xi32> to vector<16xi32>
      %gather3A_579 = tpu.dynamic_gather %add3A_577[%gather3A_578] in [0] : vector<16xf32>, vector<16xi32> -> vector<16xf32>
      %add3A_580 = arith.addf %add3A_577, %gather3A_579 : vector<16xf32>
      %gather3A_581 = vector.shape_cast %broadcast_in_dim3A_66 : vector<16x1xi32> to vector<16xi32>
      %gather3A_582 = tpu.dynamic_gather %add3A_580[%gather3A_581] in [0] : vector<16xf32>, vector<16xi32> -> vector<16xf32>
      %add3A_583 = arith.addf %add3A_580, %gather3A_582 : vector<16xf32>
      %eq3A_584 = arith.constant 4 : i32
      %eq3A_585 = vector.broadcast %eq3A_584 : i32 to vector<16xi32>
      %eq3A_586 = arith.cmpi eq, %iota3A, %eq3A_585 : vector<16xi32>
      %select_n3A_587 = arith.select %eq3A_586, %add3A_583, %select_n3A_488 : vector<16xi1>, vector<16xf32>
      %mul3A_588 = arith.constant 16 : i32
      %mul3A_589 = arith.muli %scan3A_94, %mul3A_588 : i32
      %add3A_590 = arith.constant 5 : i32
      %add3A_591 = arith.addi %mul3A_589, %add3A_590 : i32
      %get3A_592 = arith.index_cast %add3A_591 : i32 to index
      %get3A_593 = arith.constant 0 : index
      %get3A_594 = tpu.vector_load %arg12[%get3A_592, %get3A_593] {strides = array<i32>} : memref<128x128xf32, #tpu.memory_space<vmem>>, vector<1x16xf32>,
      %get3A_595 = vector.shape_cast %get3A_594 : vector<1x16xf32> to vector<16xf32>
      %get3A_596 = arith.index_cast %add3A_591 : i32 to index
      %get3A_597 = arith.constant 0 : index
      %get3A_598 = tpu.vector_load %arg11[%get3A_596, %get3A_597] {strides = array<i32>} : memref<128x128xf32, #tpu.memory_space<vmem>>, vector<1x16xf32>,
      %get3A_599 = vector.shape_cast %get3A_598 : vector<1x16xf32> to vector<16xf32>
      %mul3A_600 = arith.mulf %get3A_595, %get3A_599 : vector<16xf32>
      %get3A_601 = arith.index_cast %add3A_591 : i32 to index
      %get3A_602 = arith.constant 16 : index
      %get3A_603 = tpu.vector_load %arg12[%get3A_601, %get3A_602] {strides = array<i32>} : memref<128x128xf32, #tpu.memory_space<vmem>>, vector<1x16xf32>,
      %get3A_604 = vector.shape_cast %get3A_603 : vector<1x16xf32> to vector<16xf32>
      %get3A_605 = arith.index_cast %add3A_591 : i32 to index
      %get3A_606 = arith.constant 16 : index
      %get3A_607 = tpu.vector_load %arg11[%get3A_605, %get3A_606] {strides = array<i32>} : memref<128x128xf32, #tpu.memory_space<vmem>>, vector<1x16xf32>,
      %get3A_608 = vector.shape_cast %get3A_607 : vector<1x16xf32> to vector<16xf32>
      %mul3A_609 = arith.mulf %get3A_604, %get3A_608 : vector<16xf32>
      %add3A_610 = arith.addf %mul3A_600, %mul3A_609 : vector<16xf32>
      %get3A_611 = arith.index_cast %add3A_591 : i32 to index
      %get3A_612 = arith.constant 32 : index
      %get3A_613 = tpu.vector_load %arg12[%get3A_611, %get3A_612] {strides = array<i32>} : memref<128x128xf32, #tpu.memory_space<vmem>>, vector<1x16xf32>,
      %get3A_614 = vector.shape_cast %get3A_613 : vector<1x16xf32> to vector<16xf32>
      %get3A_615 = arith.index_cast %add3A_591 : i32 to index
      %get3A_616 = arith.constant 32 : index
      %get3A_617 = tpu.vector_load %arg11[%get3A_615, %get3A_616] {strides = array<i32>} : memref<128x128xf32, #tpu.memory_space<vmem>>, vector<1x16xf32>,
      %get3A_618 = vector.shape_cast %get3A_617 : vector<1x16xf32> to vector<16xf32>
      %mul3A_619 = arith.mulf %get3A_614, %get3A_618 : vector<16xf32>
      %add3A_620 = arith.addf %add3A_610, %mul3A_619 : vector<16xf32>
      %get3A_621 = arith.index_cast %add3A_591 : i32 to index
      %get3A_622 = arith.constant 48 : index
      %get3A_623 = tpu.vector_load %arg12[%get3A_621, %get3A_622] {strides = array<i32>} : memref<128x128xf32, #tpu.memory_space<vmem>>, vector<1x16xf32>,
      %get3A_624 = vector.shape_cast %get3A_623 : vector<1x16xf32> to vector<16xf32>
      %get3A_625 = arith.index_cast %add3A_591 : i32 to index
      %get3A_626 = arith.constant 48 : index
      %get3A_627 = tpu.vector_load %arg11[%get3A_625, %get3A_626] {strides = array<i32>} : memref<128x128xf32, #tpu.memory_space<vmem>>, vector<1x16xf32>,
      %get3A_628 = vector.shape_cast %get3A_627 : vector<1x16xf32> to vector<16xf32>
      %mul3A_629 = arith.mulf %get3A_624, %get3A_628 : vector<16xf32>
      %add3A_630 = arith.addf %add3A_620, %mul3A_629 : vector<16xf32>
      %get3A_631 = arith.index_cast %add3A_591 : i32 to index
      %get3A_632 = arith.constant 64 : index
      %get3A_633 = tpu.vector_load %arg12[%get3A_631, %get3A_632] {strides = array<i32>} : memref<128x128xf32, #tpu.memory_space<vmem>>, vector<1x16xf32>,
      %get3A_634 = vector.shape_cast %get3A_633 : vector<1x16xf32> to vector<16xf32>
      %get3A_635 = arith.index_cast %add3A_591 : i32 to index
      %get3A_636 = arith.constant 64 : index
      %get3A_637 = tpu.vector_load %arg11[%get3A_635, %get3A_636] {strides = array<i32>} : memref<128x128xf32, #tpu.memory_space<vmem>>, vector<1x16xf32>,
      %get3A_638 = vector.shape_cast %get3A_637 : vector<1x16xf32> to vector<16xf32>
      %mul3A_639 = arith.mulf %get3A_634, %get3A_638 : vector<16xf32>
      %add3A_640 = arith.addf %add3A_630, %mul3A_639 : vector<16xf32>
      %get3A_641 = arith.index_cast %add3A_591 : i32 to index
      %get3A_642 = arith.constant 80 : index
      %get3A_643 = tpu.vector_load %arg12[%get3A_641, %get3A_642] {strides = array<i32>} : memref<128x128xf32, #tpu.memory_space<vmem>>, vector<1x16xf32>,
      %get3A_644 = vector.shape_cast %get3A_643 : vector<1x16xf32> to vector<16xf32>
      %get3A_645 = arith.index_cast %add3A_591 : i32 to index
      %get3A_646 = arith.constant 80 : index
      %get3A_647 = tpu.vector_load %arg11[%get3A_645, %get3A_646] {strides = array<i32>} : memref<128x128xf32, #tpu.memory_space<vmem>>, vector<1x16xf32>,
      %get3A_648 = vector.shape_cast %get3A_647 : vector<1x16xf32> to vector<16xf32>
      %mul3A_649 = arith.mulf %get3A_644, %get3A_648 : vector<16xf32>
      %add3A_650 = arith.addf %add3A_640, %mul3A_649 : vector<16xf32>
      %get3A_651 = arith.index_cast %add3A_591 : i32 to index
      %get3A_652 = arith.constant 96 : index
      %get3A_653 = tpu.vector_load %arg12[%get3A_651, %get3A_652] {strides = array<i32>} : memref<128x128xf32, #tpu.memory_space<vmem>>, vector<1x16xf32>,
      %get3A_654 = vector.shape_cast %get3A_653 : vector<1x16xf32> to vector<16xf32>
      %get3A_655 = arith.index_cast %add3A_591 : i32 to index
      %get3A_656 = arith.constant 96 : index
      %get3A_657 = tpu.vector_load %arg11[%get3A_655, %get3A_656] {strides = array<i32>} : memref<128x128xf32, #tpu.memory_space<vmem>>, vector<1x16xf32>,
      %get3A_658 = vector.shape_cast %get3A_657 : vector<1x16xf32> to vector<16xf32>
      %mul3A_659 = arith.mulf %get3A_654, %get3A_658 : vector<16xf32>
      %add3A_660 = arith.addf %add3A_650, %mul3A_659 : vector<16xf32>
      %get3A_661 = arith.index_cast %add3A_591 : i32 to index
      %get3A_662 = arith.constant 112 : index
      %get3A_663 = tpu.vector_load %arg12[%get3A_661, %get3A_662] {strides = array<i32>} : memref<128x128xf32, #tpu.memory_space<vmem>>, vector<1x16xf32>,
      %get3A_664 = vector.shape_cast %get3A_663 : vector<1x16xf32> to vector<16xf32>
      %get3A_665 = arith.index_cast %add3A_591 : i32 to index
      %get3A_666 = arith.constant 112 : index
      %get3A_667 = tpu.vector_load %arg11[%get3A_665, %get3A_666] {strides = array<i32>} : memref<128x128xf32, #tpu.memory_space<vmem>>, vector<1x16xf32>,
      %get3A_668 = vector.shape_cast %get3A_667 : vector<1x16xf32> to vector<16xf32>
      %mul3A_669 = arith.mulf %get3A_664, %get3A_668 : vector<16xf32>
      %add3A_670 = arith.addf %add3A_660, %mul3A_669 : vector<16xf32>
      %gather3A_671 = vector.shape_cast %broadcast_in_dim3A : vector<16x1xi32> to vector<16xi32>
      %gather3A_672 = tpu.dynamic_gather %add3A_670[%gather3A_671] in [0] : vector<16xf32>, vector<16xi32> -> vector<16xf32>
      %add3A_673 = arith.addf %add3A_670, %gather3A_672 : vector<16xf32>
      %gather3A_674 = vector.shape_cast %broadcast_in_dim3A_58 : vector<16x1xi32> to vector<16xi32>
      %gather3A_675 = tpu.dynamic_gather %add3A_673[%gather3A_674] in [0] : vector<16xf32>, vector<16xi32> -> vector<16xf32>
      %add3A_676 = arith.addf %add3A_673, %gather3A_675 : vector<16xf32>
      %gather3A_677 = vector.shape_cast %broadcast_in_dim3A_62 : vector<16x1xi32> to vector<16xi32>
      %gather3A_678 = tpu.dynamic_gather %add3A_676[%gather3A_677] in [0] : vector<16xf32>, vector<16xi32> -> vector<16xf32>
      %add3A_679 = arith.addf %add3A_676, %gather3A_678 : vector<16xf32>
      %gather3A_680 = vector.shape_cast %broadcast_in_dim3A_66 : vector<16x1xi32> to vector<16xi32>
      %gather3A_681 = tpu.dynamic_gather %add3A_679[%gather3A_680] in [0] : vector<16xf32>, vector<16xi32> -> vector<16xf32>
      %add3A_682 = arith.addf %add3A_679, %gather3A_681 : vector<16xf32>
      %eq3A_683 = arith.constant 5 : i32
      %eq3A_684 = vector.broadcast %eq3A_683 : i32 to vector<16xi32>
      %eq3A_685 = arith.cmpi eq, %iota3A, %eq3A_684 : vector<16xi32>
      %select_n3A_686 = arith.select %eq3A_685, %add3A_682, %select_n3A_587 : vector<16xi1>, vector<16xf32>
      %mul3A_687 = arith.constant 16 : i32
      %mul3A_688 = arith.muli %scan3A_94, %mul3A_687 : i32
      %add3A_689 = arith.constant 6 : i32
      %add3A_690 = arith.addi %mul3A_688, %add3A_689 : i32
      %get3A_691 = arith.index_cast %add3A_690 : i32 to index
      %get3A_692 = arith.constant 0 : index
      %get3A_693 = tpu.vector_load %arg12[%get3A_691, %get3A_692] {strides = array<i32>} : memref<128x128xf32, #tpu.memory_space<vmem>>, vector<1x16xf32>,
      %get3A_694 = vector.shape_cast %get3A_693 : vector<1x16xf32> to vector<16xf32>
      %get3A_695 = arith.index_cast %add3A_690 : i32 to index
      %get3A_696 = arith.constant 0 : index
      %get3A_697 = tpu.vector_load %arg11[%get3A_695, %get3A_696] {strides = array<i32>} : memref<128x128xf32, #tpu.memory_space<vmem>>, vector<1x16xf32>,
      %get3A_698 = vector.shape_cast %get3A_697 : vector<1x16xf32> to vector<16xf32>
      %mul3A_699 = arith.mulf %get3A_694, %get3A_698 : vector<16xf32>
      %get3A_700 = arith.index_cast %add3A_690 : i32 to index
      %get3A_701 = arith.constant 16 : index
      %get3A_702 = tpu.vector_load %arg12[%get3A_700, %get3A_701] {strides = array<i32>} : memref<128x128xf32, #tpu.memory_space<vmem>>, vector<1x16xf32>,
      %get3A_703 = vector.shape_cast %get3A_702 : vector<1x16xf32> to vector<16xf32>
      %get3A_704 = arith.index_cast %add3A_690 : i32 to index
      %get3A_705 = arith.constant 16 : index
      %get3A_706 = tpu.vector_load %arg11[%get3A_704, %get3A_705] {strides = array<i32>} : memref<128x128xf32, #tpu.memory_space<vmem>>, vector<1x16xf32>,
      %get3A_707 = vector.shape_cast %get3A_706 : vector<1x16xf32> to vector<16xf32>
      %mul3A_708 = arith.mulf %get3A_703, %get3A_707 : vector<16xf32>
      %add3A_709 = arith.addf %mul3A_699, %mul3A_708 : vector<16xf32>
      %get3A_710 = arith.index_cast %add3A_690 : i32 to index
      %get3A_711 = arith.constant 32 : index
      %get3A_712 = tpu.vector_load %arg12[%get3A_710, %get3A_711] {strides = array<i32>} : memref<128x128xf32, #tpu.memory_space<vmem>>, vector<1x16xf32>,
      %get3A_713 = vector.shape_cast %get3A_712 : vector<1x16xf32> to vector<16xf32>
      %get3A_714 = arith.index_cast %add3A_690 : i32 to index
      %get3A_715 = arith.constant 32 : index
      %get3A_716 = tpu.vector_load %arg11[%get3A_714, %get3A_715] {strides = array<i32>} : memref<128x128xf32, #tpu.memory_space<vmem>>, vector<1x16xf32>,
      %get3A_717 = vector.shape_cast %get3A_716 : vector<1x16xf32> to vector<16xf32>
      %mul3A_718 = arith.mulf %get3A_713, %get3A_717 : vector<16xf32>
      %add3A_719 = arith.addf %add3A_709, %mul3A_718 : vector<16xf32>
      %get3A_720 = arith.index_cast %add3A_690 : i32 to index
      %get3A_721 = arith.constant 48 : index
      %get3A_722 = tpu.vector_load %arg12[%get3A_720, %get3A_721] {strides = array<i32>} : memref<128x128xf32, #tpu.memory_space<vmem>>, vector<1x16xf32>,
      %get3A_723 = vector.shape_cast %get3A_722 : vector<1x16xf32> to vector<16xf32>
      %get3A_724 = arith.index_cast %add3A_690 : i32 to index
      %get3A_725 = arith.constant 48 : index
      %get3A_726 = tpu.vector_load %arg11[%get3A_724, %get3A_725] {strides = array<i32>} : memref<128x128xf32, #tpu.memory_space<vmem>>, vector<1x16xf32>,
      %get3A_727 = vector.shape_cast %get3A_726 : vector<1x16xf32> to vector<16xf32>
      %mul3A_728 = arith.mulf %get3A_723, %get3A_727 : vector<16xf32>
      %add3A_729 = arith.addf %add3A_719, %mul3A_728 : vector<16xf32>
      %get3A_730 = arith.index_cast %add3A_690 : i32 to index
      %get3A_731 = arith.constant 64 : index
      %get3A_732 = tpu.vector_load %arg12[%get3A_730, %get3A_731] {strides = array<i32>} : memref<128x128xf32, #tpu.memory_space<vmem>>, vector<1x16xf32>,
      %get3A_733 = vector.shape_cast %get3A_732 : vector<1x16xf32> to vector<16xf32>
      %get3A_734 = arith.index_cast %add3A_690 : i32 to index
      %get3A_735 = arith.constant 64 : index
      %get3A_736 = tpu.vector_load %arg11[%get3A_734, %get3A_735] {strides = array<i32>} : memref<128x128xf32, #tpu.memory_space<vmem>>, vector<1x16xf32>,
      %get3A_737 = vector.shape_cast %get3A_736 : vector<1x16xf32> to vector<16xf32>
      %mul3A_738 = arith.mulf %get3A_733, %get3A_737 : vector<16xf32>
      %add3A_739 = arith.addf %add3A_729, %mul3A_738 : vector<16xf32>
      %get3A_740 = arith.index_cast %add3A_690 : i32 to index
      %get3A_741 = arith.constant 80 : index
      %get3A_742 = tpu.vector_load %arg12[%get3A_740, %get3A_741] {strides = array<i32>} : memref<128x128xf32, #tpu.memory_space<vmem>>, vector<1x16xf32>,
      %get3A_743 = vector.shape_cast %get3A_742 : vector<1x16xf32> to vector<16xf32>
      %get3A_744 = arith.index_cast %add3A_690 : i32 to index
      %get3A_745 = arith.constant 80 : index
      %get3A_746 = tpu.vector_load %arg11[%get3A_744, %get3A_745] {strides = array<i32>} : memref<128x128xf32, #tpu.memory_space<vmem>>, vector<1x16xf32>,
      %get3A_747 = vector.shape_cast %get3A_746 : vector<1x16xf32> to vector<16xf32>
      %mul3A_748 = arith.mulf %get3A_743, %get3A_747 : vector<16xf32>
      %add3A_749 = arith.addf %add3A_739, %mul3A_748 : vector<16xf32>
      %get3A_750 = arith.index_cast %add3A_690 : i32 to index
      %get3A_751 = arith.constant 96 : index
      %get3A_752 = tpu.vector_load %arg12[%get3A_750, %get3A_751] {strides = array<i32>} : memref<128x128xf32, #tpu.memory_space<vmem>>, vector<1x16xf32>,
      %get3A_753 = vector.shape_cast %get3A_752 : vector<1x16xf32> to vector<16xf32>
      %get3A_754 = arith.index_cast %add3A_690 : i32 to index
      %get3A_755 = arith.constant 96 : index
      %get3A_756 = tpu.vector_load %arg11[%get3A_754, %get3A_755] {strides = array<i32>} : memref<128x128xf32, #tpu.memory_space<vmem>>, vector<1x16xf32>,
      %get3A_757 = vector.shape_cast %get3A_756 : vector<1x16xf32> to vector<16xf32>
      %mul3A_758 = arith.mulf %get3A_753, %get3A_757 : vector<16xf32>
      %add3A_759 = arith.addf %add3A_749, %mul3A_758 : vector<16xf32>
      %get3A_760 = arith.index_cast %add3A_690 : i32 to index
      %get3A_761 = arith.constant 112 : index
      %get3A_762 = tpu.vector_load %arg12[%get3A_760, %get3A_761] {strides = array<i32>} : memref<128x128xf32, #tpu.memory_space<vmem>>, vector<1x16xf32>,
      %get3A_763 = vector.shape_cast %get3A_762 : vector<1x16xf32> to vector<16xf32>
      %get3A_764 = arith.index_cast %add3A_690 : i32 to index
      %get3A_765 = arith.constant 112 : index
      %get3A_766 = tpu.vector_load %arg11[%get3A_764, %get3A_765] {strides = array<i32>} : memref<128x128xf32, #tpu.memory_space<vmem>>, vector<1x16xf32>,
      %get3A_767 = vector.shape_cast %get3A_766 : vector<1x16xf32> to vector<16xf32>
      %mul3A_768 = arith.mulf %get3A_763, %get3A_767 : vector<16xf32>
      %add3A_769 = arith.addf %add3A_759, %mul3A_768 : vector<16xf32>
      %gather3A_770 = vector.shape_cast %broadcast_in_dim3A : vector<16x1xi32> to vector<16xi32>
      %gather3A_771 = tpu.dynamic_gather %add3A_769[%gather3A_770] in [0] : vector<16xf32>, vector<16xi32> -> vector<16xf32>
      %add3A_772 = arith.addf %add3A_769, %gather3A_771 : vector<16xf32>
      %gather3A_773 = vector.shape_cast %broadcast_in_dim3A_58 : vector<16x1xi32> to vector<16xi32>
      %gather3A_774 = tpu.dynamic_gather %add3A_772[%gather3A_773] in [0] : vector<16xf32>, vector<16xi32> -> vector<16xf32>
      %add3A_775 = arith.addf %add3A_772, %gather3A_774 : vector<16xf32>
      %gather3A_776 = vector.shape_cast %broadcast_in_dim3A_62 : vector<16x1xi32> to vector<16xi32>
      %gather3A_777 = tpu.dynamic_gather %add3A_775[%gather3A_776] in [0] : vector<16xf32>, vector<16xi32> -> vector<16xf32>
      %add3A_778 = arith.addf %add3A_775, %gather3A_777 : vector<16xf32>
      %gather3A_779 = vector.shape_cast %broadcast_in_dim3A_66 : vector<16x1xi32> to vector<16xi32>
      %gather3A_780 = tpu.dynamic_gather %add3A_778[%gather3A_779] in [0] : vector<16xf32>, vector<16xi32> -> vector<16xf32>
      %add3A_781 = arith.addf %add3A_778, %gather3A_780 : vector<16xf32>
      %eq3A_782 = arith.constant 6 : i32
      %eq3A_783 = vector.broadcast %eq3A_782 : i32 to vector<16xi32>
      %eq3A_784 = arith.cmpi eq, %iota3A, %eq3A_783 : vector<16xi32>
      %select_n3A_785 = arith.select %eq3A_784, %add3A_781, %select_n3A_686 : vector<16xi1>, vector<16xf32>
      %mul3A_786 = arith.constant 16 : i32
      %mul3A_787 = arith.muli %scan3A_94, %mul3A_786 : i32
      %add3A_788 = arith.constant 7 : i32
      %add3A_789 = arith.addi %mul3A_787, %add3A_788 : i32
      %get3A_790 = arith.index_cast %add3A_789 : i32 to index
      %get3A_791 = arith.constant 0 : index
      %get3A_792 = tpu.vector_load %arg12[%get3A_790, %get3A_791] {strides = array<i32>} : memref<128x128xf32, #tpu.memory_space<vmem>>, vector<1x16xf32>,
      %get3A_793 = vector.shape_cast %get3A_792 : vector<1x16xf32> to vector<16xf32>
      %get3A_794 = arith.index_cast %add3A_789 : i32 to index
      %get3A_795 = arith.constant 0 : index
      %get3A_796 = tpu.vector_load %arg11[%get3A_794, %get3A_795] {strides = array<i32>} : memref<128x128xf32, #tpu.memory_space<vmem>>, vector<1x16xf32>,
      %get3A_797 = vector.shape_cast %get3A_796 : vector<1x16xf32> to vector<16xf32>
      %mul3A_798 = arith.mulf %get3A_793, %get3A_797 : vector<16xf32>
      %get3A_799 = arith.index_cast %add3A_789 : i32 to index
      %get3A_800 = arith.constant 16 : index
      %get3A_801 = tpu.vector_load %arg12[%get3A_799, %get3A_800] {strides = array<i32>} : memref<128x128xf32, #tpu.memory_space<vmem>>, vector<1x16xf32>,
      %get3A_802 = vector.shape_cast %get3A_801 : vector<1x16xf32> to vector<16xf32>
      %get3A_803 = arith.index_cast %add3A_789 : i32 to index
      %get3A_804 = arith.constant 16 : index
      %get3A_805 = tpu.vector_load %arg11[%get3A_803, %get3A_804] {strides = array<i32>} : memref<128x128xf32, #tpu.memory_space<vmem>>, vector<1x16xf32>,
      %get3A_806 = vector.shape_cast %get3A_805 : vector<1x16xf32> to vector<16xf32>
      %mul3A_807 = arith.mulf %get3A_802, %get3A_806 : vector<16xf32>
      %add3A_808 = arith.addf %mul3A_798, %mul3A_807 : vector<16xf32>
      %get3A_809 = arith.index_cast %add3A_789 : i32 to index
      %get3A_810 = arith.constant 32 : index
      %get3A_811 = tpu.vector_load %arg12[%get3A_809, %get3A_810] {strides = array<i32>} : memref<128x128xf32, #tpu.memory_space<vmem>>, vector<1x16xf32>,
      %get3A_812 = vector.shape_cast %get3A_811 : vector<1x16xf32> to vector<16xf32>
      %get3A_813 = arith.index_cast %add3A_789 : i32 to index
      %get3A_814 = arith.constant 32 : index
      %get3A_815 = tpu.vector_load %arg11[%get3A_813, %get3A_814] {strides = array<i32>} : memref<128x128xf32, #tpu.memory_space<vmem>>, vector<1x16xf32>,
      %get3A_816 = vector.shape_cast %get3A_815 : vector<1x16xf32> to vector<16xf32>
      %mul3A_817 = arith.mulf %get3A_812, %get3A_816 : vector<16xf32>
      %add3A_818 = arith.addf %add3A_808, %mul3A_817 : vector<16xf32>
      %get3A_819 = arith.index_cast %add3A_789 : i32 to index
      %get3A_820 = arith.constant 48 : index
      %get3A_821 = tpu.vector_load %arg12[%get3A_819, %get3A_820] {strides = array<i32>} : memref<128x128xf32, #tpu.memory_space<vmem>>, vector<1x16xf32>,
      %get3A_822 = vector.shape_cast %get3A_821 : vector<1x16xf32> to vector<16xf32>
      %get3A_823 = arith.index_cast %add3A_789 : i32 to index
      %get3A_824 = arith.constant 48 : index
      %get3A_825 = tpu.vector_load %arg11[%get3A_823, %get3A_824] {strides = array<i32>} : memref<128x128xf32, #tpu.memory_space<vmem>>, vector<1x16xf32>,
      %get3A_826 = vector.shape_cast %get3A_825 : vector<1x16xf32> to vector<16xf32>
      %mul3A_827 = arith.mulf %get3A_822, %get3A_826 : vector<16xf32>
      %add3A_828 = arith.addf %add3A_818, %mul3A_827 : vector<16xf32>
      %get3A_829 = arith.index_cast %add3A_789 : i32 to index
      %get3A_830 = arith.constant 64 : index
      %get3A_831 = tpu.vector_load %arg12[%get3A_829, %get3A_830] {strides = array<i32>} : memref<128x128xf32, #tpu.memory_space<vmem>>, vector<1x16xf32>,
      %get3A_832 = vector.shape_cast %get3A_831 : vector<1x16xf32> to vector<16xf32>
      %get3A_833 = arith.index_cast %add3A_789 : i32 to index
      %get3A_834 = arith.constant 64 : index
      %get3A_835 = tpu.vector_load %arg11[%get3A_833, %get3A_834] {strides = array<i32>} : memref<128x128xf32, #tpu.memory_space<vmem>>, vector<1x16xf32>,
      %get3A_836 = vector.shape_cast %get3A_835 : vector<1x16xf32> to vector<16xf32>
      %mul3A_837 = arith.mulf %get3A_832, %get3A_836 : vector<16xf32>
      %add3A_838 = arith.addf %add3A_828, %mul3A_837 : vector<16xf32>
      %get3A_839 = arith.index_cast %add3A_789 : i32 to index
      %get3A_840 = arith.constant 80 : index
      %get3A_841 = tpu.vector_load %arg12[%get3A_839, %get3A_840] {strides = array<i32>} : memref<128x128xf32, #tpu.memory_space<vmem>>, vector<1x16xf32>,
      %get3A_842 = vector.shape_cast %get3A_841 : vector<1x16xf32> to vector<16xf32>
      %get3A_843 = arith.index_cast %add3A_789 : i32 to index
      %get3A_844 = arith.constant 80 : index
      %get3A_845 = tpu.vector_load %arg11[%get3A_843, %get3A_844] {strides = array<i32>} : memref<128x128xf32, #tpu.memory_space<vmem>>, vector<1x16xf32>,
      %get3A_846 = vector.shape_cast %get3A_845 : vector<1x16xf32> to vector<16xf32>
      %mul3A_847 = arith.mulf %get3A_842, %get3A_846 : vector<16xf32>
      %add3A_848 = arith.addf %add3A_838, %mul3A_847 : vector<16xf32>
      %get3A_849 = arith.index_cast %add3A_789 : i32 to index
      %get3A_850 = arith.constant 96 : index
      %get3A_851 = tpu.vector_load %arg12[%get3A_849, %get3A_850] {strides = array<i32>} : memref<128x128xf32, #tpu.memory_space<vmem>>, vector<1x16xf32>,
      %get3A_852 = vector.shape_cast %get3A_851 : vector<1x16xf32> to vector<16xf32>
      %get3A_853 = arith.index_cast %add3A_789 : i32 to index
      %get3A_854 = arith.constant 96 : index
      %get3A_855 = tpu.vector_load %arg11[%get3A_853, %get3A_854] {strides = array<i32>} : memref<128x128xf32, #tpu.memory_space<vmem>>, vector<1x16xf32>,
      %get3A_856 = vector.shape_cast %get3A_855 : vector<1x16xf32> to vector<16xf32>
      %mul3A_857 = arith.mulf %get3A_852, %get3A_856 : vector<16xf32>
      %add3A_858 = arith.addf %add3A_848, %mul3A_857 : vector<16xf32>
      %get3A_859 = arith.index_cast %add3A_789 : i32 to index
      %get3A_860 = arith.constant 112 : index
      %get3A_861 = tpu.vector_load %arg12[%get3A_859, %get3A_860] {strides = array<i32>} : memref<128x128xf32, #tpu.memory_space<vmem>>, vector<1x16xf32>,
      %get3A_862 = vector.shape_cast %get3A_861 : vector<1x16xf32> to vector<16xf32>
      %get3A_863 = arith.index_cast %add3A_789 : i32 to index
      %get3A_864 = arith.constant 112 : index
      %get3A_865 = tpu.vector_load %arg11[%get3A_863, %get3A_864] {strides = array<i32>} : memref<128x128xf32, #tpu.memory_space<vmem>>, vector<1x16xf32>,
      %get3A_866 = vector.shape_cast %get3A_865 : vector<1x16xf32> to vector<16xf32>
      %mul3A_867 = arith.mulf %get3A_862, %get3A_866 : vector<16xf32>
      %add3A_868 = arith.addf %add3A_858, %mul3A_867 : vector<16xf32>
      %gather3A_869 = vector.shape_cast %broadcast_in_dim3A : vector<16x1xi32> to vector<16xi32>
      %gather3A_870 = tpu.dynamic_gather %add3A_868[%gather3A_869] in [0] : vector<16xf32>, vector<16xi32> -> vector<16xf32>
      %add3A_871 = arith.addf %add3A_868, %gather3A_870 : vector<16xf32>
      %gather3A_872 = vector.shape_cast %broadcast_in_dim3A_58 : vector<16x1xi32> to vector<16xi32>
      %gather3A_873 = tpu.dynamic_gather %add3A_871[%gather3A_872] in [0] : vector<16xf32>, vector<16xi32> -> vector<16xf32>
      %add3A_874 = arith.addf %add3A_871, %gather3A_873 : vector<16xf32>
      %gather3A_875 = vector.shape_cast %broadcast_in_dim3A_62 : vector<16x1xi32> to vector<16xi32>
      %gather3A_876 = tpu.dynamic_gather %add3A_874[%gather3A_875] in [0] : vector<16xf32>, vector<16xi32> -> vector<16xf32>
      %add3A_877 = arith.addf %add3A_874, %gather3A_876 : vector<16xf32>
      %gather3A_878 = vector.shape_cast %broadcast_in_dim3A_66 : vector<16x1xi32> to vector<16xi32>
      %gather3A_879 = tpu.dynamic_gather %add3A_877[%gather3A_878] in [0] : vector<16xf32>, vector<16xi32> -> vector<16xf32>
      %add3A_880 = arith.addf %add3A_877, %gather3A_879 : vector<16xf32>
      %eq3A_881 = arith.constant 7 : i32
      %eq3A_882 = vector.broadcast %eq3A_881 : i32 to vector<16xi32>
      %eq3A_883 = arith.cmpi eq, %iota3A, %eq3A_882 : vector<16xi32>
      %select_n3A_884 = arith.select %eq3A_883, %add3A_880, %select_n3A_785 : vector<16xi1>, vector<16xf32>
      %mul3A_885 = arith.constant 16 : i32
      %mul3A_886 = arith.muli %scan3A_94, %mul3A_885 : i32
      %add3A_887 = arith.constant 8 : i32
      %add3A_888 = arith.addi %mul3A_886, %add3A_887 : i32
      %get3A_889 = arith.index_cast %add3A_888 : i32 to index
      %get3A_890 = arith.constant 0 : index
      %get3A_891 = tpu.vector_load %arg12[%get3A_889, %get3A_890] {strides = array<i32>} : memref<128x128xf32, #tpu.memory_space<vmem>>, vector<1x16xf32>,
      %get3A_892 = vector.shape_cast %get3A_891 : vector<1x16xf32> to vector<16xf32>
      %get3A_893 = arith.index_cast %add3A_888 : i32 to index
      %get3A_894 = arith.constant 0 : index
      %get3A_895 = tpu.vector_load %arg11[%get3A_893, %get3A_894] {strides = array<i32>} : memref<128x128xf32, #tpu.memory_space<vmem>>, vector<1x16xf32>,
      %get3A_896 = vector.shape_cast %get3A_895 : vector<1x16xf32> to vector<16xf32>
      %mul3A_897 = arith.mulf %get3A_892, %get3A_896 : vector<16xf32>
      %get3A_898 = arith.index_cast %add3A_888 : i32 to index
      %get3A_899 = arith.constant 16 : index
      %get3A_900 = tpu.vector_load %arg12[%get3A_898, %get3A_899] {strides = array<i32>} : memref<128x128xf32, #tpu.memory_space<vmem>>, vector<1x16xf32>,
      %get3A_901 = vector.shape_cast %get3A_900 : vector<1x16xf32> to vector<16xf32>
      %get3A_902 = arith.index_cast %add3A_888 : i32 to index
      %get3A_903 = arith.constant 16 : index
      %get3A_904 = tpu.vector_load %arg11[%get3A_902, %get3A_903] {strides = array<i32>} : memref<128x128xf32, #tpu.memory_space<vmem>>, vector<1x16xf32>,
      %get3A_905 = vector.shape_cast %get3A_904 : vector<1x16xf32> to vector<16xf32>
      %mul3A_906 = arith.mulf %get3A_901, %get3A_905 : vector<16xf32>
      %add3A_907 = arith.addf %mul3A_897, %mul3A_906 : vector<16xf32>
      %get3A_908 = arith.index_cast %add3A_888 : i32 to index
      %get3A_909 = arith.constant 32 : index
      %get3A_910 = tpu.vector_load %arg12[%get3A_908, %get3A_909] {strides = array<i32>} : memref<128x128xf32, #tpu.memory_space<vmem>>, vector<1x16xf32>,
      %get3A_911 = vector.shape_cast %get3A_910 : vector<1x16xf32> to vector<16xf32>
      %get3A_912 = arith.index_cast %add3A_888 : i32 to index
      %get3A_913 = arith.constant 32 : index
      %get3A_914 = tpu.vector_load %arg11[%get3A_912, %get3A_913] {strides = array<i32>} : memref<128x128xf32, #tpu.memory_space<vmem>>, vector<1x16xf32>,
      %get3A_915 = vector.shape_cast %get3A_914 : vector<1x16xf32> to vector<16xf32>
      %mul3A_916 = arith.mulf %get3A_911, %get3A_915 : vector<16xf32>
      %add3A_917 = arith.addf %add3A_907, %mul3A_916 : vector<16xf32>
      %get3A_918 = arith.index_cast %add3A_888 : i32 to index
      %get3A_919 = arith.constant 48 : index
      %get3A_920 = tpu.vector_load %arg12[%get3A_918, %get3A_919] {strides = array<i32>} : memref<128x128xf32, #tpu.memory_space<vmem>>, vector<1x16xf32>,
      %get3A_921 = vector.shape_cast %get3A_920 : vector<1x16xf32> to vector<16xf32>
      %get3A_922 = arith.index_cast %add3A_888 : i32 to index
      %get3A_923 = arith.constant 48 : index
      %get3A_924 = tpu.vector_load %arg11[%get3A_922, %get3A_923] {strides = array<i32>} : memref<128x128xf32, #tpu.memory_space<vmem>>, vector<1x16xf32>,
      %get3A_925 = vector.shape_cast %get3A_924 : vector<1x16xf32> to vector<16xf32>
      %mul3A_926 = arith.mulf %get3A_921, %get3A_925 : vector<16xf32>
      %add3A_927 = arith.addf %add3A_917, %mul3A_926 : vector<16xf32>
      %get3A_928 = arith.index_cast %add3A_888 : i32 to index
      %get3A_929 = arith.constant 64 : index
      %get3A_930 = tpu.vector_load %arg12[%get3A_928, %get3A_929] {strides = array<i32>} : memref<128x128xf32, #tpu.memory_space<vmem>>, vector<1x16xf32>,
      %get3A_931 = vector.shape_cast %get3A_930 : vector<1x16xf32> to vector<16xf32>
      %get3A_932 = arith.index_cast %add3A_888 : i32 to index
      %get3A_933 = arith.constant 64 : index
      %get3A_934 = tpu.vector_load %arg11[%get3A_932, %get3A_933] {strides = array<i32>} : memref<128x128xf32, #tpu.memory_space<vmem>>, vector<1x16xf32>,
      %get3A_935 = vector.shape_cast %get3A_934 : vector<1x16xf32> to vector<16xf32>
      %mul3A_936 = arith.mulf %get3A_931, %get3A_935 : vector<16xf32>
      %add3A_937 = arith.addf %add3A_927, %mul3A_936 : vector<16xf32>
      %get3A_938 = arith.index_cast %add3A_888 : i32 to index
      %get3A_939 = arith.constant 80 : index
      %get3A_940 = tpu.vector_load %arg12[%get3A_938, %get3A_939] {strides = array<i32>} : memref<128x128xf32, #tpu.memory_space<vmem>>, vector<1x16xf32>,
      %get3A_941 = vector.shape_cast %get3A_940 : vector<1x16xf32> to vector<16xf32>
      %get3A_942 = arith.index_cast %add3A_888 : i32 to index
      %get3A_943 = arith.constant 80 : index
      %get3A_944 = tpu.vector_load %arg11[%get3A_942, %get3A_943] {strides = array<i32>} : memref<128x128xf32, #tpu.memory_space<vmem>>, vector<1x16xf32>,
      %get3A_945 = vector.shape_cast %get3A_944 : vector<1x16xf32> to vector<16xf32>
      %mul3A_946 = arith.mulf %get3A_941, %get3A_945 : vector<16xf32>
      %add3A_947 = arith.addf %add3A_937, %mul3A_946 : vector<16xf32>
      %get3A_948 = arith.index_cast %add3A_888 : i32 to index
      %get3A_949 = arith.constant 96 : index
      %get3A_950 = tpu.vector_load %arg12[%get3A_948, %get3A_949] {strides = array<i32>} : memref<128x128xf32, #tpu.memory_space<vmem>>, vector<1x16xf32>,
      %get3A_951 = vector.shape_cast %get3A_950 : vector<1x16xf32> to vector<16xf32>
      %get3A_952 = arith.index_cast %add3A_888 : i32 to index
      %get3A_953 = arith.constant 96 : index
      %get3A_954 = tpu.vector_load %arg11[%get3A_952, %get3A_953] {strides = array<i32>} : memref<128x128xf32, #tpu.memory_space<vmem>>, vector<1x16xf32>,
      %get3A_955 = vector.shape_cast %get3A_954 : vector<1x16xf32> to vector<16xf32>
      %mul3A_956 = arith.mulf %get3A_951, %get3A_955 : vector<16xf32>
      %add3A_957 = arith.addf %add3A_947, %mul3A_956 : vector<16xf32>
      %get3A_958 = arith.index_cast %add3A_888 : i32 to index
      %get3A_959 = arith.constant 112 : index
      %get3A_960 = tpu.vector_load %arg12[%get3A_958, %get3A_959] {strides = array<i32>} : memref<128x128xf32, #tpu.memory_space<vmem>>, vector<1x16xf32>,
      %get3A_961 = vector.shape_cast %get3A_960 : vector<1x16xf32> to vector<16xf32>
      %get3A_962 = arith.index_cast %add3A_888 : i32 to index
      %get3A_963 = arith.constant 112 : index
      %get3A_964 = tpu.vector_load %arg11[%get3A_962, %get3A_963] {strides = array<i32>} : memref<128x128xf32, #tpu.memory_space<vmem>>, vector<1x16xf32>,
      %get3A_965 = vector.shape_cast %get3A_964 : vector<1x16xf32> to vector<16xf32>
      %mul3A_966 = arith.mulf %get3A_961, %get3A_965 : vector<16xf32>
      %add3A_967 = arith.addf %add3A_957, %mul3A_966 : vector<16xf32>
      %gather3A_968 = vector.shape_cast %broadcast_in_dim3A : vector<16x1xi32> to vector<16xi32>
      %gather3A_969 = tpu.dynamic_gather %add3A_967[%gather3A_968] in [0] : vector<16xf32>, vector<16xi32> -> vector<16xf32>
      %add3A_970 = arith.addf %add3A_967, %gather3A_969 : vector<16xf32>
      %gather3A_971 = vector.shape_cast %broadcast_in_dim3A_58 : vector<16x1xi32> to vector<16xi32>
      %gather3A_972 = tpu.dynamic_gather %add3A_970[%gather3A_971] in [0] : vector<16xf32>, vector<16xi32> -> vector<16xf32>
      %add3A_973 = arith.addf %add3A_970, %gather3A_972 : vector<16xf32>
      %gather3A_974 = vector.shape_cast %broadcast_in_dim3A_62 : vector<16x1xi32> to vector<16xi32>
      %gather3A_975 = tpu.dynamic_gather %add3A_973[%gather3A_974] in [0] : vector<16xf32>, vector<16xi32> -> vector<16xf32>
      %add3A_976 = arith.addf %add3A_973, %gather3A_975 : vector<16xf32>
      %gather3A_977 = vector.shape_cast %broadcast_in_dim3A_66 : vector<16x1xi32> to vector<16xi32>
      %gather3A_978 = tpu.dynamic_gather %add3A_976[%gather3A_977] in [0] : vector<16xf32>, vector<16xi32> -> vector<16xf32>
      %add3A_979 = arith.addf %add3A_976, %gather3A_978 : vector<16xf32>
      %eq3A_980 = arith.constant 8 : i32
      %eq3A_981 = vector.broadcast %eq3A_980 : i32 to vector<16xi32>
      %eq3A_982 = arith.cmpi eq, %iota3A, %eq3A_981 : vector<16xi32>
      %select_n3A_983 = arith.select %eq3A_982, %add3A_979, %select_n3A_884 : vector<16xi1>, vector<16xf32>
      %mul3A_984 = arith.constant 16 : i32
      %mul3A_985 = arith.muli %scan3A_94, %mul3A_984 : i32
      %add3A_986 = arith.constant 9 : i32
      %add3A_987 = arith.addi %mul3A_985, %add3A_986 : i32
      %get3A_988 = arith.index_cast %add3A_987 : i32 to index
      %get3A_989 = arith.constant 0 : index
      %get3A_990 = tpu.vector_load %arg12[%get3A_988, %get3A_989] {strides = array<i32>} : memref<128x128xf32, #tpu.memory_space<vmem>>, vector<1x16xf32>,
      %get3A_991 = vector.shape_cast %get3A_990 : vector<1x16xf32> to vector<16xf32>
      %get3A_992 = arith.index_cast %add3A_987 : i32 to index
      %get3A_993 = arith.constant 0 : index
      %get3A_994 = tpu.vector_load %arg11[%get3A_992, %get3A_993] {strides = array<i32>} : memref<128x128xf32, #tpu.memory_space<vmem>>, vector<1x16xf32>,
      %get3A_995 = vector.shape_cast %get3A_994 : vector<1x16xf32> to vector<16xf32>
      %mul3A_996 = arith.mulf %get3A_991, %get3A_995 : vector<16xf32>
      %get3A_997 = arith.index_cast %add3A_987 : i32 to index
      %get3A_998 = arith.constant 16 : index
      %get3A_999 = tpu.vector_load %arg12[%get3A_997, %get3A_998] {strides = array<i32>} : memref<128x128xf32, #tpu.memory_space<vmem>>, vector<1x16xf32>,
      %get3A_1000 = vector.shape_cast %get3A_999 : vector<1x16xf32> to vector<16xf32>
      %get3A_1001 = arith.index_cast %add3A_987 : i32 to index
      %get3A_1002 = arith.constant 16 : index
      %get3A_1003 = tpu.vector_load %arg11[%get3A_1001, %get3A_1002] {strides = array<i32>} : memref<128x128xf32, #tpu.memory_space<vmem>>, vector<1x16xf32>,
      %get3A_1004 = vector.shape_cast %get3A_1003 : vector<1x16xf32> to vector<16xf32>
      %mul3A_1005 = arith.mulf %get3A_1000, %get3A_1004 : vector<16xf32>
      %add3A_1006 = arith.addf %mul3A_996, %mul3A_1005 : vector<16xf32>
      %get3A_1007 = arith.index_cast %add3A_987 : i32 to index
      %get3A_1008 = arith.constant 32 : index
      %get3A_1009 = tpu.vector_load %arg12[%get3A_1007, %get3A_1008] {strides = array<i32>} : memref<128x128xf32, #tpu.memory_space<vmem>>, vector<1x16xf32>,
      %get3A_1010 = vector.shape_cast %get3A_1009 : vector<1x16xf32> to vector<16xf32>
      %get3A_1011 = arith.index_cast %add3A_987 : i32 to index
      %get3A_1012 = arith.constant 32 : index
      %get3A_1013 = tpu.vector_load %arg11[%get3A_1011, %get3A_1012] {strides = array<i32>} : memref<128x128xf32, #tpu.memory_space<vmem>>, vector<1x16xf32>,
      %get3A_1014 = vector.shape_cast %get3A_1013 : vector<1x16xf32> to vector<16xf32>
      %mul3A_1015 = arith.mulf %get3A_1010, %get3A_1014 : vector<16xf32>
      %add3A_1016 = arith.addf %add3A_1006, %mul3A_1015 : vector<16xf32>
      %get3A_1017 = arith.index_cast %add3A_987 : i32 to index
      %get3A_1018 = arith.constant 48 : index
      %get3A_1019 = tpu.vector_load %arg12[%get3A_1017, %get3A_1018] {strides = array<i32>} : memref<128x128xf32, #tpu.memory_space<vmem>>, vector<1x16xf32>,
      %get3A_1020 = vector.shape_cast %get3A_1019 : vector<1x16xf32> to vector<16xf32>
      %get3A_1021 = arith.index_cast %add3A_987 : i32 to index
      %get3A_1022 = arith.constant 48 : index
      %get3A_1023 = tpu.vector_load %arg11[%get3A_1021, %get3A_1022] {strides = array<i32>} : memref<128x128xf32, #tpu.memory_space<vmem>>, vector<1x16xf32>,
      %get3A_1024 = vector.shape_cast %get3A_1023 : vector<1x16xf32> to vector<16xf32>
      %mul3A_1025 = arith.mulf %get3A_1020, %get3A_1024 : vector<16xf32>
      %add3A_1026 = arith.addf %add3A_1016, %mul3A_1025 : vector<16xf32>
      %get3A_1027 = arith.index_cast %add3A_987 : i32 to index
      %get3A_1028 = arith.constant 64 : index
      %get3A_1029 = tpu.vector_load %arg12[%get3A_1027, %get3A_1028] {strides = array<i32>} : memref<128x128xf32, #tpu.memory_space<vmem>>, vector<1x16xf32>,
      %get3A_1030 = vector.shape_cast %get3A_1029 : vector<1x16xf32> to vector<16xf32>
      %get3A_1031 = arith.index_cast %add3A_987 : i32 to index
      %get3A_1032 = arith.constant 64 : index
      %get3A_1033 = tpu.vector_load %arg11[%get3A_1031, %get3A_1032] {strides = array<i32>} : memref<128x128xf32, #tpu.memory_space<vmem>>, vector<1x16xf32>,
      %get3A_1034 = vector.shape_cast %get3A_1033 : vector<1x16xf32> to vector<16xf32>
      %mul3A_1035 = arith.mulf %get3A_1030, %get3A_1034 : vector<16xf32>
      %add3A_1036 = arith.addf %add3A_1026, %mul3A_1035 : vector<16xf32>
      %get3A_1037 = arith.index_cast %add3A_987 : i32 to index
      %get3A_1038 = arith.constant 80 : index
      %get3A_1039 = tpu.vector_load %arg12[%get3A_1037, %get3A_1038] {strides = array<i32>} : memref<128x128xf32, #tpu.memory_space<vmem>>, vector<1x16xf32>,
      %get3A_1040 = vector.shape_cast %get3A_1039 : vector<1x16xf32> to vector<16xf32>
      %get3A_1041 = arith.index_cast %add3A_987 : i32 to index
      %get3A_1042 = arith.constant 80 : index
      %get3A_1043 = tpu.vector_load %arg11[%get3A_1041, %get3A_1042] {strides = array<i32>} : memref<128x128xf32, #tpu.memory_space<vmem>>, vector<1x16xf32>,
      %get3A_1044 = vector.shape_cast %get3A_1043 : vector<1x16xf32> to vector<16xf32>
      %mul3A_1045 = arith.mulf %get3A_1040, %get3A_1044 : vector<16xf32>
      %add3A_1046 = arith.addf %add3A_1036, %mul3A_1045 : vector<16xf32>
      %get3A_1047 = arith.index_cast %add3A_987 : i32 to index
      %get3A_1048 = arith.constant 96 : index
      %get3A_1049 = tpu.vector_load %arg12[%get3A_1047, %get3A_1048] {strides = array<i32>} : memref<128x128xf32, #tpu.memory_space<vmem>>, vector<1x16xf32>,
      %get3A_1050 = vector.shape_cast %get3A_1049 : vector<1x16xf32> to vector<16xf32>
      %get3A_1051 = arith.index_cast %add3A_987 : i32 to index
      %get3A_1052 = arith.constant 96 : index
      %get3A_1053 = tpu.vector_load %arg11[%get3A_1051, %get3A_1052] {strides = array<i32>} : memref<128x128xf32, #tpu.memory_space<vmem>>, vector<1x16xf32>,
      %get3A_1054 = vector.shape_cast %get3A_1053 : vector<1x16xf32> to vector<16xf32>
      %mul3A_1055 = arith.mulf %get3A_1050, %get3A_1054 : vector<16xf32>
      %add3A_1056 = arith.addf %add3A_1046, %mul3A_1055 : vector<16xf32>
      %get3A_1057 = arith.index_cast %add3A_987 : i32 to index
      %get3A_1058 = arith.constant 112 : index
      %get3A_1059 = tpu.vector_load %arg12[%get3A_1057, %get3A_1058] {strides = array<i32>} : memref<128x128xf32, #tpu.memory_space<vmem>>, vector<1x16xf32>,
      %get3A_1060 = vector.shape_cast %get3A_1059 : vector<1x16xf32> to vector<16xf32>
      %get3A_1061 = arith.index_cast %add3A_987 : i32 to index
      %get3A_1062 = arith.constant 112 : index
      %get3A_1063 = tpu.vector_load %arg11[%get3A_1061, %get3A_1062] {strides = array<i32>} : memref<128x128xf32, #tpu.memory_space<vmem>>, vector<1x16xf32>,
      %get3A_1064 = vector.shape_cast %get3A_1063 : vector<1x16xf32> to vector<16xf32>
      %mul3A_1065 = arith.mulf %get3A_1060, %get3A_1064 : vector<16xf32>
      %add3A_1066 = arith.addf %add3A_1056, %mul3A_1065 : vector<16xf32>
      %gather3A_1067 = vector.shape_cast %broadcast_in_dim3A : vector<16x1xi32> to vector<16xi32>
      %gather3A_1068 = tpu.dynamic_gather %add3A_1066[%gather3A_1067] in [0] : vector<16xf32>, vector<16xi32> -> vector<16xf32>
      %add3A_1069 = arith.addf %add3A_1066, %gather3A_1068 : vector<16xf32>
      %gather3A_1070 = vector.shape_cast %broadcast_in_dim3A_58 : vector<16x1xi32> to vector<16xi32>
      %gather3A_1071 = tpu.dynamic_gather %add3A_1069[%gather3A_1070] in [0] : vector<16xf32>, vector<16xi32> -> vector<16xf32>
      %add3A_1072 = arith.addf %add3A_1069, %gather3A_1071 : vector<16xf32>
      %gather3A_1073 = vector.shape_cast %broadcast_in_dim3A_62 : vector<16x1xi32> to vector<16xi32>
      %gather3A_1074 = tpu.dynamic_gather %add3A_1072[%gather3A_1073] in [0] : vector<16xf32>, vector<16xi32> -> vector<16xf32>
      %add3A_1075 = arith.addf %add3A_1072, %gather3A_1074 : vector<16xf32>
      %gather3A_1076 = vector.shape_cast %broadcast_in_dim3A_66 : vector<16x1xi32> to vector<16xi32>
      %gather3A_1077 = tpu.dynamic_gather %add3A_1075[%gather3A_1076] in [0] : vector<16xf32>, vector<16xi32> -> vector<16xf32>
      %add3A_1078 = arith.addf %add3A_1075, %gather3A_1077 : vector<16xf32>
      %eq3A_1079 = arith.constant 9 : i32
      %eq3A_1080 = vector.broadcast %eq3A_1079 : i32 to vector<16xi32>
      %eq3A_1081 = arith.cmpi eq, %iota3A, %eq3A_1080 : vector<16xi32>
      %select_n3A_1082 = arith.select %eq3A_1081, %add3A_1078, %select_n3A_983 : vector<16xi1>, vector<16xf32>
      %mul3A_1083 = arith.constant 16 : i32
      %mul3A_1084 = arith.muli %scan3A_94, %mul3A_1083 : i32
      %add3A_1085 = arith.constant 10 : i32
      %add3A_1086 = arith.addi %mul3A_1084, %add3A_1085 : i32
      %get3A_1087 = arith.index_cast %add3A_1086 : i32 to index
      %get3A_1088 = arith.constant 0 : index
      %get3A_1089 = tpu.vector_load %arg12[%get3A_1087, %get3A_1088] {strides = array<i32>} : memref<128x128xf32, #tpu.memory_space<vmem>>, vector<1x16xf32>,
      %get3A_1090 = vector.shape_cast %get3A_1089 : vector<1x16xf32> to vector<16xf32>
      %get3A_1091 = arith.index_cast %add3A_1086 : i32 to index
      %get3A_1092 = arith.constant 0 : index
      %get3A_1093 = tpu.vector_load %arg11[%get3A_1091, %get3A_1092] {strides = array<i32>} : memref<128x128xf32, #tpu.memory_space<vmem>>, vector<1x16xf32>,
      %get3A_1094 = vector.shape_cast %get3A_1093 : vector<1x16xf32> to vector<16xf32>
      %mul3A_1095 = arith.mulf %get3A_1090, %get3A_1094 : vector<16xf32>
      %get3A_1096 = arith.index_cast %add3A_1086 : i32 to index
      %get3A_1097 = arith.constant 16 : index
      %get3A_1098 = tpu.vector_load %arg12[%get3A_1096, %get3A_1097] {strides = array<i32>} : memref<128x128xf32, #tpu.memory_space<vmem>>, vector<1x16xf32>,
      %get3A_1099 = vector.shape_cast %get3A_1098 : vector<1x16xf32> to vector<16xf32>
      %get3A_1100 = arith.index_cast %add3A_1086 : i32 to index
      %get3A_1101 = arith.constant 16 : index
      %get3A_1102 = tpu.vector_load %arg11[%get3A_1100, %get3A_1101] {strides = array<i32>} : memref<128x128xf32, #tpu.memory_space<vmem>>, vector<1x16xf32>,
      %get3A_1103 = vector.shape_cast %get3A_1102 : vector<1x16xf32> to vector<16xf32>
      %mul3A_1104 = arith.mulf %get3A_1099, %get3A_1103 : vector<16xf32>
      %add3A_1105 = arith.addf %mul3A_1095, %mul3A_1104 : vector<16xf32>
      %get3A_1106 = arith.index_cast %add3A_1086 : i32 to index
      %get3A_1107 = arith.constant 32 : index
      %get3A_1108 = tpu.vector_load %arg12[%get3A_1106, %get3A_1107] {strides = array<i32>} : memref<128x128xf32, #tpu.memory_space<vmem>>, vector<1x16xf32>,
      %get3A_1109 = vector.shape_cast %get3A_1108 : vector<1x16xf32> to vector<16xf32>
      %get3A_1110 = arith.index_cast %add3A_1086 : i32 to index
      %get3A_1111 = arith.constant 32 : index
      %get3A_1112 = tpu.vector_load %arg11[%get3A_1110, %get3A_1111] {strides = array<i32>} : memref<128x128xf32, #tpu.memory_space<vmem>>, vector<1x16xf32>,
      %get3A_1113 = vector.shape_cast %get3A_1112 : vector<1x16xf32> to vector<16xf32>
      %mul3A_1114 = arith.mulf %get3A_1109, %get3A_1113 : vector<16xf32>
      %add3A_1115 = arith.addf %add3A_1105, %mul3A_1114 : vector<16xf32>
      %get3A_1116 = arith.index_cast %add3A_1086 : i32 to index
      %get3A_1117 = arith.constant 48 : index
      %get3A_1118 = tpu.vector_load %arg12[%get3A_1116, %get3A_1117] {strides = array<i32>} : memref<128x128xf32, #tpu.memory_space<vmem>>, vector<1x16xf32>,
      %get3A_1119 = vector.shape_cast %get3A_1118 : vector<1x16xf32> to vector<16xf32>
      %get3A_1120 = arith.index_cast %add3A_1086 : i32 to index
      %get3A_1121 = arith.constant 48 : index
      %get3A_1122 = tpu.vector_load %arg11[%get3A_1120, %get3A_1121] {strides = array<i32>} : memref<128x128xf32, #tpu.memory_space<vmem>>, vector<1x16xf32>,
      %get3A_1123 = vector.shape_cast %get3A_1122 : vector<1x16xf32> to vector<16xf32>
      %mul3A_1124 = arith.mulf %get3A_1119, %get3A_1123 : vector<16xf32>
      %add3A_1125 = arith.addf %add3A_1115, %mul3A_1124 : vector<16xf32>
      %get3A_1126 = arith.index_cast %add3A_1086 : i32 to index
      %get3A_1127 = arith.constant 64 : index
      %get3A_1128 = tpu.vector_load %arg12[%get3A_1126, %get3A_1127] {strides = array<i32>} : memref<128x128xf32, #tpu.memory_space<vmem>>, vector<1x16xf32>,
      %get3A_1129 = vector.shape_cast %get3A_1128 : vector<1x16xf32> to vector<16xf32>
      %get3A_1130 = arith.index_cast %add3A_1086 : i32 to index
      %get3A_1131 = arith.constant 64 : index
      %get3A_1132 = tpu.vector_load %arg11[%get3A_1130, %get3A_1131] {strides = array<i32>} : memref<128x128xf32, #tpu.memory_space<vmem>>, vector<1x16xf32>,
      %get3A_1133 = vector.shape_cast %get3A_1132 : vector<1x16xf32> to vector<16xf32>
      %mul3A_1134 = arith.mulf %get3A_1129, %get3A_1133 : vector<16xf32>
      %add3A_1135 = arith.addf %add3A_1125, %mul3A_1134 : vector<16xf32>
      %get3A_1136 = arith.index_cast %add3A_1086 : i32 to index
      %get3A_1137 = arith.constant 80 : index
      %get3A_1138 = tpu.vector_load %arg12[%get3A_1136, %get3A_1137] {strides = array<i32>} : memref<128x128xf32, #tpu.memory_space<vmem>>, vector<1x16xf32>,
      %get3A_1139 = vector.shape_cast %get3A_1138 : vector<1x16xf32> to vector<16xf32>
      %get3A_1140 = arith.index_cast %add3A_1086 : i32 to index
      %get3A_1141 = arith.constant 80 : index
      %get3A_1142 = tpu.vector_load %arg11[%get3A_1140, %get3A_1141] {strides = array<i32>} : memref<128x128xf32, #tpu.memory_space<vmem>>, vector<1x16xf32>,
      %get3A_1143 = vector.shape_cast %get3A_1142 : vector<1x16xf32> to vector<16xf32>
      %mul3A_1144 = arith.mulf %get3A_1139, %get3A_1143 : vector<16xf32>
      %add3A_1145 = arith.addf %add3A_1135, %mul3A_1144 : vector<16xf32>
      %get3A_1146 = arith.index_cast %add3A_1086 : i32 to index
      %get3A_1147 = arith.constant 96 : index
      %get3A_1148 = tpu.vector_load %arg12[%get3A_1146, %get3A_1147] {strides = array<i32>} : memref<128x128xf32, #tpu.memory_space<vmem>>, vector<1x16xf32>,
      %get3A_1149 = vector.shape_cast %get3A_1148 : vector<1x16xf32> to vector<16xf32>
      %get3A_1150 = arith.index_cast %add3A_1086 : i32 to index
      %get3A_1151 = arith.constant 96 : index
      %get3A_1152 = tpu.vector_load %arg11[%get3A_1150, %get3A_1151] {strides = array<i32>} : memref<128x128xf32, #tpu.memory_space<vmem>>, vector<1x16xf32>,
      %get3A_1153 = vector.shape_cast %get3A_1152 : vector<1x16xf32> to vector<16xf32>
      %mul3A_1154 = arith.mulf %get3A_1149, %get3A_1153 : vector<16xf32>
      %add3A_1155 = arith.addf %add3A_1145, %mul3A_1154 : vector<16xf32>
      %get3A_1156 = arith.index_cast %add3A_1086 : i32 to index
      %get3A_1157 = arith.constant 112 : index
      %get3A_1158 = tpu.vector_load %arg12[%get3A_1156, %get3A_1157] {strides = array<i32>} : memref<128x128xf32, #tpu.memory_space<vmem>>, vector<1x16xf32>,
      %get3A_1159 = vector.shape_cast %get3A_1158 : vector<1x16xf32> to vector<16xf32>
      %get3A_1160 = arith.index_cast %add3A_1086 : i32 to index
      %get3A_1161 = arith.constant 112 : index
      %get3A_1162 = tpu.vector_load %arg11[%get3A_1160, %get3A_1161] {strides = array<i32>} : memref<128x128xf32, #tpu.memory_space<vmem>>, vector<1x16xf32>,
      %get3A_1163 = vector.shape_cast %get3A_1162 : vector<1x16xf32> to vector<16xf32>
      %mul3A_1164 = arith.mulf %get3A_1159, %get3A_1163 : vector<16xf32>
      %add3A_1165 = arith.addf %add3A_1155, %mul3A_1164 : vector<16xf32>
      %gather3A_1166 = vector.shape_cast %broadcast_in_dim3A : vector<16x1xi32> to vector<16xi32>
      %gather3A_1167 = tpu.dynamic_gather %add3A_1165[%gather3A_1166] in [0] : vector<16xf32>, vector<16xi32> -> vector<16xf32>
      %add3A_1168 = arith.addf %add3A_1165, %gather3A_1167 : vector<16xf32>
      %gather3A_1169 = vector.shape_cast %broadcast_in_dim3A_58 : vector<16x1xi32> to vector<16xi32>
      %gather3A_1170 = tpu.dynamic_gather %add3A_1168[%gather3A_1169] in [0] : vector<16xf32>, vector<16xi32> -> vector<16xf32>
      %add3A_1171 = arith.addf %add3A_1168, %gather3A_1170 : vector<16xf32>
      %gather3A_1172 = vector.shape_cast %broadcast_in_dim3A_62 : vector<16x1xi32> to vector<16xi32>
      %gather3A_1173 = tpu.dynamic_gather %add3A_1171[%gather3A_1172] in [0] : vector<16xf32>, vector<16xi32> -> vector<16xf32>
      %add3A_1174 = arith.addf %add3A_1171, %gather3A_1173 : vector<16xf32>
      %gather3A_1175 = vector.shape_cast %broadcast_in_dim3A_66 : vector<16x1xi32> to vector<16xi32>
      %gather3A_1176 = tpu.dynamic_gather %add3A_1174[%gather3A_1175] in [0] : vector<16xf32>, vector<16xi32> -> vector<16xf32>
      %add3A_1177 = arith.addf %add3A_1174, %gather3A_1176 : vector<16xf32>
      %eq3A_1178 = arith.constant 10 : i32
      %eq3A_1179 = vector.broadcast %eq3A_1178 : i32 to vector<16xi32>
      %eq3A_1180 = arith.cmpi eq, %iota3A, %eq3A_1179 : vector<16xi32>
      %select_n3A_1181 = arith.select %eq3A_1180, %add3A_1177, %select_n3A_1082 : vector<16xi1>, vector<16xf32>
      %mul3A_1182 = arith.constant 16 : i32
      %mul3A_1183 = arith.muli %scan3A_94, %mul3A_1182 : i32
      %add3A_1184 = arith.constant 11 : i32
      %add3A_1185 = arith.addi %mul3A_1183, %add3A_1184 : i32
      %get3A_1186 = arith.index_cast %add3A_1185 : i32 to index
      %get3A_1187 = arith.constant 0 : index
      %get3A_1188 = tpu.vector_load %arg12[%get3A_1186, %get3A_1187] {strides = array<i32>} : memref<128x128xf32, #tpu.memory_space<vmem>>, vector<1x16xf32>,
      %get3A_1189 = vector.shape_cast %get3A_1188 : vector<1x16xf32> to vector<16xf32>
      %get3A_1190 = arith.index_cast %add3A_1185 : i32 to index
      %get3A_1191 = arith.constant 0 : index
      %get3A_1192 = tpu.vector_load %arg11[%get3A_1190, %get3A_1191] {strides = array<i32>} : memref<128x128xf32, #tpu.memory_space<vmem>>, vector<1x16xf32>,
      %get3A_1193 = vector.shape_cast %get3A_1192 : vector<1x16xf32> to vector<16xf32>
      %mul3A_1194 = arith.mulf %get3A_1189, %get3A_1193 : vector<16xf32>
      %get3A_1195 = arith.index_cast %add3A_1185 : i32 to index
      %get3A_1196 = arith.constant 16 : index
      %get3A_1197 = tpu.vector_load %arg12[%get3A_1195, %get3A_1196] {strides = array<i32>} : memref<128x128xf32, #tpu.memory_space<vmem>>, vector<1x16xf32>,
      %get3A_1198 = vector.shape_cast %get3A_1197 : vector<1x16xf32> to vector<16xf32>
      %get3A_1199 = arith.index_cast %add3A_1185 : i32 to index
      %get3A_1200 = arith.constant 16 : index
      %get3A_1201 = tpu.vector_load %arg11[%get3A_1199, %get3A_1200] {strides = array<i32>} : memref<128x128xf32, #tpu.memory_space<vmem>>, vector<1x16xf32>,
      %get3A_1202 = vector.shape_cast %get3A_1201 : vector<1x16xf32> to vector<16xf32>
      %mul3A_1203 = arith.mulf %get3A_1198, %get3A_1202 : vector<16xf32>
      %add3A_1204 = arith.addf %mul3A_1194, %mul3A_1203 : vector<16xf32>
      %get3A_1205 = arith.index_cast %add3A_1185 : i32 to index
      %get3A_1206 = arith.constant 32 : index
      %get3A_1207 = tpu.vector_load %arg12[%get3A_1205, %get3A_1206] {strides = array<i32>} : memref<128x128xf32, #tpu.memory_space<vmem>>, vector<1x16xf32>,
      %get3A_1208 = vector.shape_cast %get3A_1207 : vector<1x16xf32> to vector<16xf32>
      %get3A_1209 = arith.index_cast %add3A_1185 : i32 to index
      %get3A_1210 = arith.constant 32 : index
      %get3A_1211 = tpu.vector_load %arg11[%get3A_1209, %get3A_1210] {strides = array<i32>} : memref<128x128xf32, #tpu.memory_space<vmem>>, vector<1x16xf32>,
      %get3A_1212 = vector.shape_cast %get3A_1211 : vector<1x16xf32> to vector<16xf32>
      %mul3A_1213 = arith.mulf %get3A_1208, %get3A_1212 : vector<16xf32>
      %add3A_1214 = arith.addf %add3A_1204, %mul3A_1213 : vector<16xf32>
      %get3A_1215 = arith.index_cast %add3A_1185 : i32 to index
      %get3A_1216 = arith.constant 48 : index
      %get3A_1217 = tpu.vector_load %arg12[%get3A_1215, %get3A_1216] {strides = array<i32>} : memref<128x128xf32, #tpu.memory_space<vmem>>, vector<1x16xf32>,
      %get3A_1218 = vector.shape_cast %get3A_1217 : vector<1x16xf32> to vector<16xf32>
      %get3A_1219 = arith.index_cast %add3A_1185 : i32 to index
      %get3A_1220 = arith.constant 48 : index
      %get3A_1221 = tpu.vector_load %arg11[%get3A_1219, %get3A_1220] {strides = array<i32>} : memref<128x128xf32, #tpu.memory_space<vmem>>, vector<1x16xf32>,
      %get3A_1222 = vector.shape_cast %get3A_1221 : vector<1x16xf32> to vector<16xf32>
      %mul3A_1223 = arith.mulf %get3A_1218, %get3A_1222 : vector<16xf32>
      %add3A_1224 = arith.addf %add3A_1214, %mul3A_1223 : vector<16xf32>
      %get3A_1225 = arith.index_cast %add3A_1185 : i32 to index
      %get3A_1226 = arith.constant 64 : index
      %get3A_1227 = tpu.vector_load %arg12[%get3A_1225, %get3A_1226] {strides = array<i32>} : memref<128x128xf32, #tpu.memory_space<vmem>>, vector<1x16xf32>,
      %get3A_1228 = vector.shape_cast %get3A_1227 : vector<1x16xf32> to vector<16xf32>
      %get3A_1229 = arith.index_cast %add3A_1185 : i32 to index
      %get3A_1230 = arith.constant 64 : index
      %get3A_1231 = tpu.vector_load %arg11[%get3A_1229, %get3A_1230] {strides = array<i32>} : memref<128x128xf32, #tpu.memory_space<vmem>>, vector<1x16xf32>,
      %get3A_1232 = vector.shape_cast %get3A_1231 : vector<1x16xf32> to vector<16xf32>
      %mul3A_1233 = arith.mulf %get3A_1228, %get3A_1232 : vector<16xf32>
      %add3A_1234 = arith.addf %add3A_1224, %mul3A_1233 : vector<16xf32>
      %get3A_1235 = arith.index_cast %add3A_1185 : i32 to index
      %get3A_1236 = arith.constant 80 : index
      %get3A_1237 = tpu.vector_load %arg12[%get3A_1235, %get3A_1236] {strides = array<i32>} : memref<128x128xf32, #tpu.memory_space<vmem>>, vector<1x16xf32>,
      %get3A_1238 = vector.shape_cast %get3A_1237 : vector<1x16xf32> to vector<16xf32>
      %get3A_1239 = arith.index_cast %add3A_1185 : i32 to index
      %get3A_1240 = arith.constant 80 : index
      %get3A_1241 = tpu.vector_load %arg11[%get3A_1239, %get3A_1240] {strides = array<i32>} : memref<128x128xf32, #tpu.memory_space<vmem>>, vector<1x16xf32>,
      %get3A_1242 = vector.shape_cast %get3A_1241 : vector<1x16xf32> to vector<16xf32>
      %mul3A_1243 = arith.mulf %get3A_1238, %get3A_1242 : vector<16xf32>
      %add3A_1244 = arith.addf %add3A_1234, %mul3A_1243 : vector<16xf32>
      %get3A_1245 = arith.index_cast %add3A_1185 : i32 to index
      %get3A_1246 = arith.constant 96 : index
      %get3A_1247 = tpu.vector_load %arg12[%get3A_1245, %get3A_1246] {strides = array<i32>} : memref<128x128xf32, #tpu.memory_space<vmem>>, vector<1x16xf32>,
      %get3A_1248 = vector.shape_cast %get3A_1247 : vector<1x16xf32> to vector<16xf32>
      %get3A_1249 = arith.index_cast %add3A_1185 : i32 to index
      %get3A_1250 = arith.constant 96 : index
      %get3A_1251 = tpu.vector_load %arg11[%get3A_1249, %get3A_1250] {strides = array<i32>} : memref<128x128xf32, #tpu.memory_space<vmem>>, vector<1x16xf32>,
      %get3A_1252 = vector.shape_cast %get3A_1251 : vector<1x16xf32> to vector<16xf32>
      %mul3A_1253 = arith.mulf %get3A_1248, %get3A_1252 : vector<16xf32>
      %add3A_1254 = arith.addf %add3A_1244, %mul3A_1253 : vector<16xf32>
      %get3A_1255 = arith.index_cast %add3A_1185 : i32 to index
      %get3A_1256 = arith.constant 112 : index
      %get3A_1257 = tpu.vector_load %arg12[%get3A_1255, %get3A_1256] {strides = array<i32>} : memref<128x128xf32, #tpu.memory_space<vmem>>, vector<1x16xf32>,
      %get3A_1258 = vector.shape_cast %get3A_1257 : vector<1x16xf32> to vector<16xf32>
      %get3A_1259 = arith.index_cast %add3A_1185 : i32 to index
      %get3A_1260 = arith.constant 112 : index
      %get3A_1261 = tpu.vector_load %arg11[%get3A_1259, %get3A_1260] {strides = array<i32>} : memref<128x128xf32, #tpu.memory_space<vmem>>, vector<1x16xf32>,
      %get3A_1262 = vector.shape_cast %get3A_1261 : vector<1x16xf32> to vector<16xf32>
      %mul3A_1263 = arith.mulf %get3A_1258, %get3A_1262 : vector<16xf32>
      %add3A_1264 = arith.addf %add3A_1254, %mul3A_1263 : vector<16xf32>
      %gather3A_1265 = vector.shape_cast %broadcast_in_dim3A : vector<16x1xi32> to vector<16xi32>
      %gather3A_1266 = tpu.dynamic_gather %add3A_1264[%gather3A_1265] in [0] : vector<16xf32>, vector<16xi32> -> vector<16xf32>
      %add3A_1267 = arith.addf %add3A_1264, %gather3A_1266 : vector<16xf32>
      %gather3A_1268 = vector.shape_cast %broadcast_in_dim3A_58 : vector<16x1xi32> to vector<16xi32>
      %gather3A_1269 = tpu.dynamic_gather %add3A_1267[%gather3A_1268] in [0] : vector<16xf32>, vector<16xi32> -> vector<16xf32>
      %add3A_1270 = arith.addf %add3A_1267, %gather3A_1269 : vector<16xf32>
      %gather3A_1271 = vector.shape_cast %broadcast_in_dim3A_62 : vector<16x1xi32> to vector<16xi32>
      %gather3A_1272 = tpu.dynamic_gather %add3A_1270[%gather3A_1271] in [0] : vector<16xf32>, vector<16xi32> -> vector<16xf32>
      %add3A_1273 = arith.addf %add3A_1270, %gather3A_1272 : vector<16xf32>
      %gather3A_1274 = vector.shape_cast %broadcast_in_dim3A_66 : vector<16x1xi32> to vector<16xi32>
      %gather3A_1275 = tpu.dynamic_gather %add3A_1273[%gather3A_1274] in [0] : vector<16xf32>, vector<16xi32> -> vector<16xf32>
      %add3A_1276 = arith.addf %add3A_1273, %gather3A_1275 : vector<16xf32>
      %eq3A_1277 = arith.constant 11 : i32
      %eq3A_1278 = vector.broadcast %eq3A_1277 : i32 to vector<16xi32>
      %eq3A_1279 = arith.cmpi eq, %iota3A, %eq3A_1278 : vector<16xi32>
      %select_n3A_1280 = arith.select %eq3A_1279, %add3A_1276, %select_n3A_1181 : vector<16xi1>, vector<16xf32>
      %mul3A_1281 = arith.constant 16 : i32
      %mul3A_1282 = arith.muli %scan3A_94, %mul3A_1281 : i32
      %add3A_1283 = arith.constant 12 : i32
      %add3A_1284 = arith.addi %mul3A_1282, %add3A_1283 : i32
      %get3A_1285 = arith.index_cast %add3A_1284 : i32 to index
      %get3A_1286 = arith.constant 0 : index
      %get3A_1287 = tpu.vector_load %arg12[%get3A_1285, %get3A_1286] {strides = array<i32>} : memref<128x128xf32, #tpu.memory_space<vmem>>, vector<1x16xf32>,
      %get3A_1288 = vector.shape_cast %get3A_1287 : vector<1x16xf32> to vector<16xf32>
      %get3A_1289 = arith.index_cast %add3A_1284 : i32 to index
      %get3A_1290 = arith.constant 0 : index
      %get3A_1291 = tpu.vector_load %arg11[%get3A_1289, %get3A_1290] {strides = array<i32>} : memref<128x128xf32, #tpu.memory_space<vmem>>, vector<1x16xf32>,
      %get3A_1292 = vector.shape_cast %get3A_1291 : vector<1x16xf32> to vector<16xf32>
      %mul3A_1293 = arith.mulf %get3A_1288, %get3A_1292 : vector<16xf32>
      %get3A_1294 = arith.index_cast %add3A_1284 : i32 to index
      %get3A_1295 = arith.constant 16 : index
      %get3A_1296 = tpu.vector_load %arg12[%get3A_1294, %get3A_1295] {strides = array<i32>} : memref<128x128xf32, #tpu.memory_space<vmem>>, vector<1x16xf32>,
      %get3A_1297 = vector.shape_cast %get3A_1296 : vector<1x16xf32> to vector<16xf32>
      %get3A_1298 = arith.index_cast %add3A_1284 : i32 to index
      %get3A_1299 = arith.constant 16 : index
      %get3A_1300 = tpu.vector_load %arg11[%get3A_1298, %get3A_1299] {strides = array<i32>} : memref<128x128xf32, #tpu.memory_space<vmem>>, vector<1x16xf32>,
      %get3A_1301 = vector.shape_cast %get3A_1300 : vector<1x16xf32> to vector<16xf32>
      %mul3A_1302 = arith.mulf %get3A_1297, %get3A_1301 : vector<16xf32>
      %add3A_1303 = arith.addf %mul3A_1293, %mul3A_1302 : vector<16xf32>
      %get3A_1304 = arith.index_cast %add3A_1284 : i32 to index
      %get3A_1305 = arith.constant 32 : index
      %get3A_1306 = tpu.vector_load %arg12[%get3A_1304, %get3A_1305] {strides = array<i32>} : memref<128x128xf32, #tpu.memory_space<vmem>>, vector<1x16xf32>,
      %get3A_1307 = vector.shape_cast %get3A_1306 : vector<1x16xf32> to vector<16xf32>
      %get3A_1308 = arith.index_cast %add3A_1284 : i32 to index
      %get3A_1309 = arith.constant 32 : index
      %get3A_1310 = tpu.vector_load %arg11[%get3A_1308, %get3A_1309] {strides = array<i32>} : memref<128x128xf32, #tpu.memory_space<vmem>>, vector<1x16xf32>,
      %get3A_1311 = vector.shape_cast %get3A_1310 : vector<1x16xf32> to vector<16xf32>
      %mul3A_1312 = arith.mulf %get3A_1307, %get3A_1311 : vector<16xf32>
      %add3A_1313 = arith.addf %add3A_1303, %mul3A_1312 : vector<16xf32>
      %get3A_1314 = arith.index_cast %add3A_1284 : i32 to index
      %get3A_1315 = arith.constant 48 : index
      %get3A_1316 = tpu.vector_load %arg12[%get3A_1314, %get3A_1315] {strides = array<i32>} : memref<128x128xf32, #tpu.memory_space<vmem>>, vector<1x16xf32>,
      %get3A_1317 = vector.shape_cast %get3A_1316 : vector<1x16xf32> to vector<16xf32>
      %get3A_1318 = arith.index_cast %add3A_1284 : i32 to index
      %get3A_1319 = arith.constant 48 : index
      %get3A_1320 = tpu.vector_load %arg11[%get3A_1318, %get3A_1319] {strides = array<i32>} : memref<128x128xf32, #tpu.memory_space<vmem>>, vector<1x16xf32>,
      %get3A_1321 = vector.shape_cast %get3A_1320 : vector<1x16xf32> to vector<16xf32>
      %mul3A_1322 = arith.mulf %get3A_1317, %get3A_1321 : vector<16xf32>
      %add3A_1323 = arith.addf %add3A_1313, %mul3A_1322 : vector<16xf32>
      %get3A_1324 = arith.index_cast %add3A_1284 : i32 to index
      %get3A_1325 = arith.constant 64 : index
      %get3A_1326 = tpu.vector_load %arg12[%get3A_1324, %get3A_1325] {strides = array<i32>} : memref<128x128xf32, #tpu.memory_space<vmem>>, vector<1x16xf32>,
      %get3A_1327 = vector.shape_cast %get3A_1326 : vector<1x16xf32> to vector<16xf32>
      %get3A_1328 = arith.index_cast %add3A_1284 : i32 to index
      %get3A_1329 = arith.constant 64 : index
      %get3A_1330 = tpu.vector_load %arg11[%get3A_1328, %get3A_1329] {strides = array<i32>} : memref<128x128xf32, #tpu.memory_space<vmem>>, vector<1x16xf32>,
      %get3A_1331 = vector.shape_cast %get3A_1330 : vector<1x16xf32> to vector<16xf32>
      %mul3A_1332 = arith.mulf %get3A_1327, %get3A_1331 : vector<16xf32>
      %add3A_1333 = arith.addf %add3A_1323, %mul3A_1332 : vector<16xf32>
      %get3A_1334 = arith.index_cast %add3A_1284 : i32 to index
      %get3A_1335 = arith.constant 80 : index
      %get3A_1336 = tpu.vector_load %arg12[%get3A_1334, %get3A_1335] {strides = array<i32>} : memref<128x128xf32, #tpu.memory_space<vmem>>, vector<1x16xf32>,
      %get3A_1337 = vector.shape_cast %get3A_1336 : vector<1x16xf32> to vector<16xf32>
      %get3A_1338 = arith.index_cast %add3A_1284 : i32 to index
      %get3A_1339 = arith.constant 80 : index
      %get3A_1340 = tpu.vector_load %arg11[%get3A_1338, %get3A_1339] {strides = array<i32>} : memref<128x128xf32, #tpu.memory_space<vmem>>, vector<1x16xf32>,
      %get3A_1341 = vector.shape_cast %get3A_1340 : vector<1x16xf32> to vector<16xf32>
      %mul3A_1342 = arith.mulf %get3A_1337, %get3A_1341 : vector<16xf32>
      %add3A_1343 = arith.addf %add3A_1333, %mul3A_1342 : vector<16xf32>
      %get3A_1344 = arith.index_cast %add3A_1284 : i32 to index
      %get3A_1345 = arith.constant 96 : index
      %get3A_1346 = tpu.vector_load %arg12[%get3A_1344, %get3A_1345] {strides = array<i32>} : memref<128x128xf32, #tpu.memory_space<vmem>>, vector<1x16xf32>,
      %get3A_1347 = vector.shape_cast %get3A_1346 : vector<1x16xf32> to vector<16xf32>
      %get3A_1348 = arith.index_cast %add3A_1284 : i32 to index
      %get3A_1349 = arith.constant 96 : index
      %get3A_1350 = tpu.vector_load %arg11[%get3A_1348, %get3A_1349] {strides = array<i32>} : memref<128x128xf32, #tpu.memory_space<vmem>>, vector<1x16xf32>,
      %get3A_1351 = vector.shape_cast %get3A_1350 : vector<1x16xf32> to vector<16xf32>
      %mul3A_1352 = arith.mulf %get3A_1347, %get3A_1351 : vector<16xf32>
      %add3A_1353 = arith.addf %add3A_1343, %mul3A_1352 : vector<16xf32>
      %get3A_1354 = arith.index_cast %add3A_1284 : i32 to index
      %get3A_1355 = arith.constant 112 : index
      %get3A_1356 = tpu.vector_load %arg12[%get3A_1354, %get3A_1355] {strides = array<i32>} : memref<128x128xf32, #tpu.memory_space<vmem>>, vector<1x16xf32>,
      %get3A_1357 = vector.shape_cast %get3A_1356 : vector<1x16xf32> to vector<16xf32>
      %get3A_1358 = arith.index_cast %add3A_1284 : i32 to index
      %get3A_1359 = arith.constant 112 : index
      %get3A_1360 = tpu.vector_load %arg11[%get3A_1358, %get3A_1359] {strides = array<i32>} : memref<128x128xf32, #tpu.memory_space<vmem>>, vector<1x16xf32>,
      %get3A_1361 = vector.shape_cast %get3A_1360 : vector<1x16xf32> to vector<16xf32>
      %mul3A_1362 = arith.mulf %get3A_1357, %get3A_1361 : vector<16xf32>
      %add3A_1363 = arith.addf %add3A_1353, %mul3A_1362 : vector<16xf32>
      %gather3A_1364 = vector.shape_cast %broadcast_in_dim3A : vector<16x1xi32> to vector<16xi32>
      %gather3A_1365 = tpu.dynamic_gather %add3A_1363[%gather3A_1364] in [0] : vector<16xf32>, vector<16xi32> -> vector<16xf32>
      %add3A_1366 = arith.addf %add3A_1363, %gather3A_1365 : vector<16xf32>
      %gather3A_1367 = vector.shape_cast %broadcast_in_dim3A_58 : vector<16x1xi32> to vector<16xi32>
      %gather3A_1368 = tpu.dynamic_gather %add3A_1366[%gather3A_1367] in [0] : vector<16xf32>, vector<16xi32> -> vector<16xf32>
      %add3A_1369 = arith.addf %add3A_1366, %gather3A_1368 : vector<16xf32>
      %gather3A_1370 = vector.shape_cast %broadcast_in_dim3A_62 : vector<16x1xi32> to vector<16xi32>
      %gather3A_1371 = tpu.dynamic_gather %add3A_1369[%gather3A_1370] in [0] : vector<16xf32>, vector<16xi32> -> vector<16xf32>
      %add3A_1372 = arith.addf %add3A_1369, %gather3A_1371 : vector<16xf32>
      %gather3A_1373 = vector.shape_cast %broadcast_in_dim3A_66 : vector<16x1xi32> to vector<16xi32>
      %gather3A_1374 = tpu.dynamic_gather %add3A_1372[%gather3A_1373] in [0] : vector<16xf32>, vector<16xi32> -> vector<16xf32>
      %add3A_1375 = arith.addf %add3A_1372, %gather3A_1374 : vector<16xf32>
      %eq3A_1376 = arith.constant 12 : i32
      %eq3A_1377 = vector.broadcast %eq3A_1376 : i32 to vector<16xi32>
      %eq3A_1378 = arith.cmpi eq, %iota3A, %eq3A_1377 : vector<16xi32>
      %select_n3A_1379 = arith.select %eq3A_1378, %add3A_1375, %select_n3A_1280 : vector<16xi1>, vector<16xf32>
      %mul3A_1380 = arith.constant 16 : i32
      %mul3A_1381 = arith.muli %scan3A_94, %mul3A_1380 : i32
      %add3A_1382 = arith.constant 13 : i32
      %add3A_1383 = arith.addi %mul3A_1381, %add3A_1382 : i32
      %get3A_1384 = arith.index_cast %add3A_1383 : i32 to index
      %get3A_1385 = arith.constant 0 : index
      %get3A_1386 = tpu.vector_load %arg12[%get3A_1384, %get3A_1385] {strides = array<i32>} : memref<128x128xf32, #tpu.memory_space<vmem>>, vector<1x16xf32>,
      %get3A_1387 = vector.shape_cast %get3A_1386 : vector<1x16xf32> to vector<16xf32>
      %get3A_1388 = arith.index_cast %add3A_1383 : i32 to index
      %get3A_1389 = arith.constant 0 : index
      %get3A_1390 = tpu.vector_load %arg11[%get3A_1388, %get3A_1389] {strides = array<i32>} : memref<128x128xf32, #tpu.memory_space<vmem>>, vector<1x16xf32>,
      %get3A_1391 = vector.shape_cast %get3A_1390 : vector<1x16xf32> to vector<16xf32>
      %mul3A_1392 = arith.mulf %get3A_1387, %get3A_1391 : vector<16xf32>
      %get3A_1393 = arith.index_cast %add3A_1383 : i32 to index
      %get3A_1394 = arith.constant 16 : index
      %get3A_1395 = tpu.vector_load %arg12[%get3A_1393, %get3A_1394] {strides = array<i32>} : memref<128x128xf32, #tpu.memory_space<vmem>>, vector<1x16xf32>,
      %get3A_1396 = vector.shape_cast %get3A_1395 : vector<1x16xf32> to vector<16xf32>
      %get3A_1397 = arith.index_cast %add3A_1383 : i32 to index
      %get3A_1398 = arith.constant 16 : index
      %get3A_1399 = tpu.vector_load %arg11[%get3A_1397, %get3A_1398] {strides = array<i32>} : memref<128x128xf32, #tpu.memory_space<vmem>>, vector<1x16xf32>,
      %get3A_1400 = vector.shape_cast %get3A_1399 : vector<1x16xf32> to vector<16xf32>
      %mul3A_1401 = arith.mulf %get3A_1396, %get3A_1400 : vector<16xf32>
      %add3A_1402 = arith.addf %mul3A_1392, %mul3A_1401 : vector<16xf32>
      %get3A_1403 = arith.index_cast %add3A_1383 : i32 to index
      %get3A_1404 = arith.constant 32 : index
      %get3A_1405 = tpu.vector_load %arg12[%get3A_1403, %get3A_1404] {strides = array<i32>} : memref<128x128xf32, #tpu.memory_space<vmem>>, vector<1x16xf32>,
      %get3A_1406 = vector.shape_cast %get3A_1405 : vector<1x16xf32> to vector<16xf32>
      %get3A_1407 = arith.index_cast %add3A_1383 : i32 to index
      %get3A_1408 = arith.constant 32 : index
      %get3A_1409 = tpu.vector_load %arg11[%get3A_1407, %get3A_1408] {strides = array<i32>} : memref<128x128xf32, #tpu.memory_space<vmem>>, vector<1x16xf32>,
      %get3A_1410 = vector.shape_cast %get3A_1409 : vector<1x16xf32> to vector<16xf32>
      %mul3A_1411 = arith.mulf %get3A_1406, %get3A_1410 : vector<16xf32>
      %add3A_1412 = arith.addf %add3A_1402, %mul3A_1411 : vector<16xf32>
      %get3A_1413 = arith.index_cast %add3A_1383 : i32 to index
      %get3A_1414 = arith.constant 48 : index
      %get3A_1415 = tpu.vector_load %arg12[%get3A_1413, %get3A_1414] {strides = array<i32>} : memref<128x128xf32, #tpu.memory_space<vmem>>, vector<1x16xf32>,
      %get3A_1416 = vector.shape_cast %get3A_1415 : vector<1x16xf32> to vector<16xf32>
      %get3A_1417 = arith.index_cast %add3A_1383 : i32 to index
      %get3A_1418 = arith.constant 48 : index
      %get3A_1419 = tpu.vector_load %arg11[%get3A_1417, %get3A_1418] {strides = array<i32>} : memref<128x128xf32, #tpu.memory_space<vmem>>, vector<1x16xf32>,
      %get3A_1420 = vector.shape_cast %get3A_1419 : vector<1x16xf32> to vector<16xf32>
      %mul3A_1421 = arith.mulf %get3A_1416, %get3A_1420 : vector<16xf32>
      %add3A_1422 = arith.addf %add3A_1412, %mul3A_1421 : vector<16xf32>
      %get3A_1423 = arith.index_cast %add3A_1383 : i32 to index
      %get3A_1424 = arith.constant 64 : index
      %get3A_1425 = tpu.vector_load %arg12[%get3A_1423, %get3A_1424] {strides = array<i32>} : memref<128x128xf32, #tpu.memory_space<vmem>>, vector<1x16xf32>,
      %get3A_1426 = vector.shape_cast %get3A_1425 : vector<1x16xf32> to vector<16xf32>
      %get3A_1427 = arith.index_cast %add3A_1383 : i32 to index
      %get3A_1428 = arith.constant 64 : index
      %get3A_1429 = tpu.vector_load %arg11[%get3A_1427, %get3A_1428] {strides = array<i32>} : memref<128x128xf32, #tpu.memory_space<vmem>>, vector<1x16xf32>,
      %get3A_1430 = vector.shape_cast %get3A_1429 : vector<1x16xf32> to vector<16xf32>
      %mul3A_1431 = arith.mulf %get3A_1426, %get3A_1430 : vector<16xf32>
      %add3A_1432 = arith.addf %add3A_1422, %mul3A_1431 : vector<16xf32>
      %get3A_1433 = arith.index_cast %add3A_1383 : i32 to index
      %get3A_1434 = arith.constant 80 : index
      %get3A_1435 = tpu.vector_load %arg12[%get3A_1433, %get3A_1434] {strides = array<i32>} : memref<128x128xf32, #tpu.memory_space<vmem>>, vector<1x16xf32>,
      %get3A_1436 = vector.shape_cast %get3A_1435 : vector<1x16xf32> to vector<16xf32>
      %get3A_1437 = arith.index_cast %add3A_1383 : i32 to index
      %get3A_1438 = arith.constant 80 : index
      %get3A_1439 = tpu.vector_load %arg11[%get3A_1437, %get3A_1438] {strides = array<i32>} : memref<128x128xf32, #tpu.memory_space<vmem>>, vector<1x16xf32>,
      %get3A_1440 = vector.shape_cast %get3A_1439 : vector<1x16xf32> to vector<16xf32>
      %mul3A_1441 = arith.mulf %get3A_1436, %get3A_1440 : vector<16xf32>
      %add3A_1442 = arith.addf %add3A_1432, %mul3A_1441 : vector<16xf32>
      %get3A_1443 = arith.index_cast %add3A_1383 : i32 to index
      %get3A_1444 = arith.constant 96 : index
      %get3A_1445 = tpu.vector_load %arg12[%get3A_1443, %get3A_1444] {strides = array<i32>} : memref<128x128xf32, #tpu.memory_space<vmem>>, vector<1x16xf32>,
      %get3A_1446 = vector.shape_cast %get3A_1445 : vector<1x16xf32> to vector<16xf32>
      %get3A_1447 = arith.index_cast %add3A_1383 : i32 to index
      %get3A_1448 = arith.constant 96 : index
      %get3A_1449 = tpu.vector_load %arg11[%get3A_1447, %get3A_1448] {strides = array<i32>} : memref<128x128xf32, #tpu.memory_space<vmem>>, vector<1x16xf32>,
      %get3A_1450 = vector.shape_cast %get3A_1449 : vector<1x16xf32> to vector<16xf32>
      %mul3A_1451 = arith.mulf %get3A_1446, %get3A_1450 : vector<16xf32>
      %add3A_1452 = arith.addf %add3A_1442, %mul3A_1451 : vector<16xf32>
      %get3A_1453 = arith.index_cast %add3A_1383 : i32 to index
      %get3A_1454 = arith.constant 112 : index
      %get3A_1455 = tpu.vector_load %arg12[%get3A_1453, %get3A_1454] {strides = array<i32>} : memref<128x128xf32, #tpu.memory_space<vmem>>, vector<1x16xf32>,
      %get3A_1456 = vector.shape_cast %get3A_1455 : vector<1x16xf32> to vector<16xf32>
      %get3A_1457 = arith.index_cast %add3A_1383 : i32 to index
      %get3A_1458 = arith.constant 112 : index
      %get3A_1459 = tpu.vector_load %arg11[%get3A_1457, %get3A_1458] {strides = array<i32>} : memref<128x128xf32, #tpu.memory_space<vmem>>, vector<1x16xf32>,
      %get3A_1460 = vector.shape_cast %get3A_1459 : vector<1x16xf32> to vector<16xf32>
      %mul3A_1461 = arith.mulf %get3A_1456, %get3A_1460 : vector<16xf32>
      %add3A_1462 = arith.addf %add3A_1452, %mul3A_1461 : vector<16xf32>
      %gather3A_1463 = vector.shape_cast %broadcast_in_dim3A : vector<16x1xi32> to vector<16xi32>
      %gather3A_1464 = tpu.dynamic_gather %add3A_1462[%gather3A_1463] in [0] : vector<16xf32>, vector<16xi32> -> vector<16xf32>
      %add3A_1465 = arith.addf %add3A_1462, %gather3A_1464 : vector<16xf32>
      %gather3A_1466 = vector.shape_cast %broadcast_in_dim3A_58 : vector<16x1xi32> to vector<16xi32>
      %gather3A_1467 = tpu.dynamic_gather %add3A_1465[%gather3A_1466] in [0] : vector<16xf32>, vector<16xi32> -> vector<16xf32>
      %add3A_1468 = arith.addf %add3A_1465, %gather3A_1467 : vector<16xf32>
      %gather3A_1469 = vector.shape_cast %broadcast_in_dim3A_62 : vector<16x1xi32> to vector<16xi32>
      %gather3A_1470 = tpu.dynamic_gather %add3A_1468[%gather3A_1469] in [0] : vector<16xf32>, vector<16xi32> -> vector<16xf32>
      %add3A_1471 = arith.addf %add3A_1468, %gather3A_1470 : vector<16xf32>
      %gather3A_1472 = vector.shape_cast %broadcast_in_dim3A_66 : vector<16x1xi32> to vector<16xi32>
      %gather3A_1473 = tpu.dynamic_gather %add3A_1471[%gather3A_1472] in [0] : vector<16xf32>, vector<16xi32> -> vector<16xf32>
      %add3A_1474 = arith.addf %add3A_1471, %gather3A_1473 : vector<16xf32>
      %eq3A_1475 = arith.constant 13 : i32
      %eq3A_1476 = vector.broadcast %eq3A_1475 : i32 to vector<16xi32>
      %eq3A_1477 = arith.cmpi eq, %iota3A, %eq3A_1476 : vector<16xi32>
      %select_n3A_1478 = arith.select %eq3A_1477, %add3A_1474, %select_n3A_1379 : vector<16xi1>, vector<16xf32>
      %mul3A_1479 = arith.constant 16 : i32
      %mul3A_1480 = arith.muli %scan3A_94, %mul3A_1479 : i32
      %add3A_1481 = arith.constant 14 : i32
      %add3A_1482 = arith.addi %mul3A_1480, %add3A_1481 : i32
      %get3A_1483 = arith.index_cast %add3A_1482 : i32 to index
      %get3A_1484 = arith.constant 0 : index
      %get3A_1485 = tpu.vector_load %arg12[%get3A_1483, %get3A_1484] {strides = array<i32>} : memref<128x128xf32, #tpu.memory_space<vmem>>, vector<1x16xf32>,
      %get3A_1486 = vector.shape_cast %get3A_1485 : vector<1x16xf32> to vector<16xf32>
      %get3A_1487 = arith.index_cast %add3A_1482 : i32 to index
      %get3A_1488 = arith.constant 0 : index
      %get3A_1489 = tpu.vector_load %arg11[%get3A_1487, %get3A_1488] {strides = array<i32>} : memref<128x128xf32, #tpu.memory_space<vmem>>, vector<1x16xf32>,
      %get3A_1490 = vector.shape_cast %get3A_1489 : vector<1x16xf32> to vector<16xf32>
      %mul3A_1491 = arith.mulf %get3A_1486, %get3A_1490 : vector<16xf32>
      %get3A_1492 = arith.index_cast %add3A_1482 : i32 to index
      %get3A_1493 = arith.constant 16 : index
      %get3A_1494 = tpu.vector_load %arg12[%get3A_1492, %get3A_1493] {strides = array<i32>} : memref<128x128xf32, #tpu.memory_space<vmem>>, vector<1x16xf32>,
      %get3A_1495 = vector.shape_cast %get3A_1494 : vector<1x16xf32> to vector<16xf32>
      %get3A_1496 = arith.index_cast %add3A_1482 : i32 to index
      %get3A_1497 = arith.constant 16 : index
      %get3A_1498 = tpu.vector_load %arg11[%get3A_1496, %get3A_1497] {strides = array<i32>} : memref<128x128xf32, #tpu.memory_space<vmem>>, vector<1x16xf32>,
      %get3A_1499 = vector.shape_cast %get3A_1498 : vector<1x16xf32> to vector<16xf32>
      %mul3A_1500 = arith.mulf %get3A_1495, %get3A_1499 : vector<16xf32>
      %add3A_1501 = arith.addf %mul3A_1491, %mul3A_1500 : vector<16xf32>
      %get3A_1502 = arith.index_cast %add3A_1482 : i32 to index
      %get3A_1503 = arith.constant 32 : index
      %get3A_1504 = tpu.vector_load %arg12[%get3A_1502, %get3A_1503] {strides = array<i32>} : memref<128x128xf32, #tpu.memory_space<vmem>>, vector<1x16xf32>,
      %get3A_1505 = vector.shape_cast %get3A_1504 : vector<1x16xf32> to vector<16xf32>
      %get3A_1506 = arith.index_cast %add3A_1482 : i32 to index
      %get3A_1507 = arith.constant 32 : index
      %get3A_1508 = tpu.vector_load %arg11[%get3A_1506, %get3A_1507] {strides = array<i32>} : memref<128x128xf32, #tpu.memory_space<vmem>>, vector<1x16xf32>,
      %get3A_1509 = vector.shape_cast %get3A_1508 : vector<1x16xf32> to vector<16xf32>
      %mul3A_1510 = arith.mulf %get3A_1505, %get3A_1509 : vector<16xf32>
      %add3A_1511 = arith.addf %add3A_1501, %mul3A_1510 : vector<16xf32>
      %get3A_1512 = arith.index_cast %add3A_1482 : i32 to index
      %get3A_1513 = arith.constant 48 : index
      %get3A_1514 = tpu.vector_load %arg12[%get3A_1512, %get3A_1513] {strides = array<i32>} : memref<128x128xf32, #tpu.memory_space<vmem>>, vector<1x16xf32>,
      %get3A_1515 = vector.shape_cast %get3A_1514 : vector<1x16xf32> to vector<16xf32>
      %get3A_1516 = arith.index_cast %add3A_1482 : i32 to index
      %get3A_1517 = arith.constant 48 : index
      %get3A_1518 = tpu.vector_load %arg11[%get3A_1516, %get3A_1517] {strides = array<i32>} : memref<128x128xf32, #tpu.memory_space<vmem>>, vector<1x16xf32>,
      %get3A_1519 = vector.shape_cast %get3A_1518 : vector<1x16xf32> to vector<16xf32>
      %mul3A_1520 = arith.mulf %get3A_1515, %get3A_1519 : vector<16xf32>
      %add3A_1521 = arith.addf %add3A_1511, %mul3A_1520 : vector<16xf32>
      %get3A_1522 = arith.index_cast %add3A_1482 : i32 to index
      %get3A_1523 = arith.constant 64 : index
      %get3A_1524 = tpu.vector_load %arg12[%get3A_1522, %get3A_1523] {strides = array<i32>} : memref<128x128xf32, #tpu.memory_space<vmem>>, vector<1x16xf32>,
      %get3A_1525 = vector.shape_cast %get3A_1524 : vector<1x16xf32> to vector<16xf32>
      %get3A_1526 = arith.index_cast %add3A_1482 : i32 to index
      %get3A_1527 = arith.constant 64 : index
      %get3A_1528 = tpu.vector_load %arg11[%get3A_1526, %get3A_1527] {strides = array<i32>} : memref<128x128xf32, #tpu.memory_space<vmem>>, vector<1x16xf32>,
      %get3A_1529 = vector.shape_cast %get3A_1528 : vector<1x16xf32> to vector<16xf32>
      %mul3A_1530 = arith.mulf %get3A_1525, %get3A_1529 : vector<16xf32>
      %add3A_1531 = arith.addf %add3A_1521, %mul3A_1530 : vector<16xf32>
      %get3A_1532 = arith.index_cast %add3A_1482 : i32 to index
      %get3A_1533 = arith.constant 80 : index
      %get3A_1534 = tpu.vector_load %arg12[%get3A_1532, %get3A_1533] {strides = array<i32>} : memref<128x128xf32, #tpu.memory_space<vmem>>, vector<1x16xf32>,
      %get3A_1535 = vector.shape_cast %get3A_1534 : vector<1x16xf32> to vector<16xf32>
      %get3A_1536 = arith.index_cast %add3A_1482 : i32 to index
      %get3A_1537 = arith.constant 80 : index
      %get3A_1538 = tpu.vector_load %arg11[%get3A_1536, %get3A_1537] {strides = array<i32>} : memref<128x128xf32, #tpu.memory_space<vmem>>, vector<1x16xf32>,
      %get3A_1539 = vector.shape_cast %get3A_1538 : vector<1x16xf32> to vector<16xf32>
      %mul3A_1540 = arith.mulf %get3A_1535, %get3A_1539 : vector<16xf32>
      %add3A_1541 = arith.addf %add3A_1531, %mul3A_1540 : vector<16xf32>
      %get3A_1542 = arith.index_cast %add3A_1482 : i32 to index
      %get3A_1543 = arith.constant 96 : index
      %get3A_1544 = tpu.vector_load %arg12[%get3A_1542, %get3A_1543] {strides = array<i32>} : memref<128x128xf32, #tpu.memory_space<vmem>>, vector<1x16xf32>,
      %get3A_1545 = vector.shape_cast %get3A_1544 : vector<1x16xf32> to vector<16xf32>
      %get3A_1546 = arith.index_cast %add3A_1482 : i32 to index
      %get3A_1547 = arith.constant 96 : index
      %get3A_1548 = tpu.vector_load %arg11[%get3A_1546, %get3A_1547] {strides = array<i32>} : memref<128x128xf32, #tpu.memory_space<vmem>>, vector<1x16xf32>,
      %get3A_1549 = vector.shape_cast %get3A_1548 : vector<1x16xf32> to vector<16xf32>
      %mul3A_1550 = arith.mulf %get3A_1545, %get3A_1549 : vector<16xf32>
      %add3A_1551 = arith.addf %add3A_1541, %mul3A_1550 : vector<16xf32>
      %get3A_1552 = arith.index_cast %add3A_1482 : i32 to index
      %get3A_1553 = arith.constant 112 : index
      %get3A_1554 = tpu.vector_load %arg12[%get3A_1552, %get3A_1553] {strides = array<i32>} : memref<128x128xf32, #tpu.memory_space<vmem>>, vector<1x16xf32>,
      %get3A_1555 = vector.shape_cast %get3A_1554 : vector<1x16xf32> to vector<16xf32>
      %get3A_1556 = arith.index_cast %add3A_1482 : i32 to index
      %get3A_1557 = arith.constant 112 : index
      %get3A_1558 = tpu.vector_load %arg11[%get3A_1556, %get3A_1557] {strides = array<i32>} : memref<128x128xf32, #tpu.memory_space<vmem>>, vector<1x16xf32>,
      %get3A_1559 = vector.shape_cast %get3A_1558 : vector<1x16xf32> to vector<16xf32>
      %mul3A_1560 = arith.mulf %get3A_1555, %get3A_1559 : vector<16xf32>
      %add3A_1561 = arith.addf %add3A_1551, %mul3A_1560 : vector<16xf32>
      %gather3A_1562 = vector.shape_cast %broadcast_in_dim3A : vector<16x1xi32> to vector<16xi32>
      %gather3A_1563 = tpu.dynamic_gather %add3A_1561[%gather3A_1562] in [0] : vector<16xf32>, vector<16xi32> -> vector<16xf32>
      %add3A_1564 = arith.addf %add3A_1561, %gather3A_1563 : vector<16xf32>
      %gather3A_1565 = vector.shape_cast %broadcast_in_dim3A_58 : vector<16x1xi32> to vector<16xi32>
      %gather3A_1566 = tpu.dynamic_gather %add3A_1564[%gather3A_1565] in [0] : vector<16xf32>, vector<16xi32> -> vector<16xf32>
      %add3A_1567 = arith.addf %add3A_1564, %gather3A_1566 : vector<16xf32>
      %gather3A_1568 = vector.shape_cast %broadcast_in_dim3A_62 : vector<16x1xi32> to vector<16xi32>
      %gather3A_1569 = tpu.dynamic_gather %add3A_1567[%gather3A_1568] in [0] : vector<16xf32>, vector<16xi32> -> vector<16xf32>
      %add3A_1570 = arith.addf %add3A_1567, %gather3A_1569 : vector<16xf32>
      %gather3A_1571 = vector.shape_cast %broadcast_in_dim3A_66 : vector<16x1xi32> to vector<16xi32>
      %gather3A_1572 = tpu.dynamic_gather %add3A_1570[%gather3A_1571] in [0] : vector<16xf32>, vector<16xi32> -> vector<16xf32>
      %add3A_1573 = arith.addf %add3A_1570, %gather3A_1572 : vector<16xf32>
      %eq3A_1574 = arith.constant 14 : i32
      %eq3A_1575 = vector.broadcast %eq3A_1574 : i32 to vector<16xi32>
      %eq3A_1576 = arith.cmpi eq, %iota3A, %eq3A_1575 : vector<16xi32>
      %select_n3A_1577 = arith.select %eq3A_1576, %add3A_1573, %select_n3A_1478 : vector<16xi1>, vector<16xf32>
      %mul3A_1578 = arith.constant 16 : i32
      %mul3A_1579 = arith.muli %scan3A_94, %mul3A_1578 : i32
      %add3A_1580 = arith.constant 15 : i32
      %add3A_1581 = arith.addi %mul3A_1579, %add3A_1580 : i32
      %get3A_1582 = arith.index_cast %add3A_1581 : i32 to index
      %get3A_1583 = arith.constant 0 : index
      %get3A_1584 = tpu.vector_load %arg12[%get3A_1582, %get3A_1583] {strides = array<i32>} : memref<128x128xf32, #tpu.memory_space<vmem>>, vector<1x16xf32>,
      %get3A_1585 = vector.shape_cast %get3A_1584 : vector<1x16xf32> to vector<16xf32>
      %get3A_1586 = arith.index_cast %add3A_1581 : i32 to index
      %get3A_1587 = arith.constant 0 : index
      %get3A_1588 = tpu.vector_load %arg11[%get3A_1586, %get3A_1587] {strides = array<i32>} : memref<128x128xf32, #tpu.memory_space<vmem>>, vector<1x16xf32>,
      %get3A_1589 = vector.shape_cast %get3A_1588 : vector<1x16xf32> to vector<16xf32>
      %mul3A_1590 = arith.mulf %get3A_1585, %get3A_1589 : vector<16xf32>
      %get3A_1591 = arith.index_cast %add3A_1581 : i32 to index
      %get3A_1592 = arith.constant 16 : index
      %get3A_1593 = tpu.vector_load %arg12[%get3A_1591, %get3A_1592] {strides = array<i32>} : memref<128x128xf32, #tpu.memory_space<vmem>>, vector<1x16xf32>,
      %get3A_1594 = vector.shape_cast %get3A_1593 : vector<1x16xf32> to vector<16xf32>
      %get3A_1595 = arith.index_cast %add3A_1581 : i32 to index
      %get3A_1596 = arith.constant 16 : index
      %get3A_1597 = tpu.vector_load %arg11[%get3A_1595, %get3A_1596] {strides = array<i32>} : memref<128x128xf32, #tpu.memory_space<vmem>>, vector<1x16xf32>,
      %get3A_1598 = vector.shape_cast %get3A_1597 : vector<1x16xf32> to vector<16xf32>
      %mul3A_1599 = arith.mulf %get3A_1594, %get3A_1598 : vector<16xf32>
      %add3A_1600 = arith.addf %mul3A_1590, %mul3A_1599 : vector<16xf32>
      %get3A_1601 = arith.index_cast %add3A_1581 : i32 to index
      %get3A_1602 = arith.constant 32 : index
      %get3A_1603 = tpu.vector_load %arg12[%get3A_1601, %get3A_1602] {strides = array<i32>} : memref<128x128xf32, #tpu.memory_space<vmem>>, vector<1x16xf32>,
      %get3A_1604 = vector.shape_cast %get3A_1603 : vector<1x16xf32> to vector<16xf32>
      %get3A_1605 = arith.index_cast %add3A_1581 : i32 to index
      %get3A_1606 = arith.constant 32 : index
      %get3A_1607 = tpu.vector_load %arg11[%get3A_1605, %get3A_1606] {strides = array<i32>} : memref<128x128xf32, #tpu.memory_space<vmem>>, vector<1x16xf32>,
      %get3A_1608 = vector.shape_cast %get3A_1607 : vector<1x16xf32> to vector<16xf32>
      %mul3A_1609 = arith.mulf %get3A_1604, %get3A_1608 : vector<16xf32>
      %add3A_1610 = arith.addf %add3A_1600, %mul3A_1609 : vector<16xf32>
      %get3A_1611 = arith.index_cast %add3A_1581 : i32 to index
      %get3A_1612 = arith.constant 48 : index
      %get3A_1613 = tpu.vector_load %arg12[%get3A_1611, %get3A_1612] {strides = array<i32>} : memref<128x128xf32, #tpu.memory_space<vmem>>, vector<1x16xf32>,
      %get3A_1614 = vector.shape_cast %get3A_1613 : vector<1x16xf32> to vector<16xf32>
      %get3A_1615 = arith.index_cast %add3A_1581 : i32 to index
      %get3A_1616 = arith.constant 48 : index
      %get3A_1617 = tpu.vector_load %arg11[%get3A_1615, %get3A_1616] {strides = array<i32>} : memref<128x128xf32, #tpu.memory_space<vmem>>, vector<1x16xf32>,
      %get3A_1618 = vector.shape_cast %get3A_1617 : vector<1x16xf32> to vector<16xf32>
      %mul3A_1619 = arith.mulf %get3A_1614, %get3A_1618 : vector<16xf32>
      %add3A_1620 = arith.addf %add3A_1610, %mul3A_1619 : vector<16xf32>
      %get3A_1621 = arith.index_cast %add3A_1581 : i32 to index
      %get3A_1622 = arith.constant 64 : index
      %get3A_1623 = tpu.vector_load %arg12[%get3A_1621, %get3A_1622] {strides = array<i32>} : memref<128x128xf32, #tpu.memory_space<vmem>>, vector<1x16xf32>,
      %get3A_1624 = vector.shape_cast %get3A_1623 : vector<1x16xf32> to vector<16xf32>
      %get3A_1625 = arith.index_cast %add3A_1581 : i32 to index
      %get3A_1626 = arith.constant 64 : index
      %get3A_1627 = tpu.vector_load %arg11[%get3A_1625, %get3A_1626] {strides = array<i32>} : memref<128x128xf32, #tpu.memory_space<vmem>>, vector<1x16xf32>,
      %get3A_1628 = vector.shape_cast %get3A_1627 : vector<1x16xf32> to vector<16xf32>
      %mul3A_1629 = arith.mulf %get3A_1624, %get3A_1628 : vector<16xf32>
      %add3A_1630 = arith.addf %add3A_1620, %mul3A_1629 : vector<16xf32>
      %get3A_1631 = arith.index_cast %add3A_1581 : i32 to index
      %get3A_1632 = arith.constant 80 : index
      %get3A_1633 = tpu.vector_load %arg12[%get3A_1631, %get3A_1632] {strides = array<i32>} : memref<128x128xf32, #tpu.memory_space<vmem>>, vector<1x16xf32>,
      %get3A_1634 = vector.shape_cast %get3A_1633 : vector<1x16xf32> to vector<16xf32>
      %get3A_1635 = arith.index_cast %add3A_1581 : i32 to index
      %get3A_1636 = arith.constant 80 : index
      %get3A_1637 = tpu.vector_load %arg11[%get3A_1635, %get3A_1636] {strides = array<i32>} : memref<128x128xf32, #tpu.memory_space<vmem>>, vector<1x16xf32>,
      %get3A_1638 = vector.shape_cast %get3A_1637 : vector<1x16xf32> to vector<16xf32>
      %mul3A_1639 = arith.mulf %get3A_1634, %get3A_1638 : vector<16xf32>
      %add3A_1640 = arith.addf %add3A_1630, %mul3A_1639 : vector<16xf32>
      %get3A_1641 = arith.index_cast %add3A_1581 : i32 to index
      %get3A_1642 = arith.constant 96 : index
      %get3A_1643 = tpu.vector_load %arg12[%get3A_1641, %get3A_1642] {strides = array<i32>} : memref<128x128xf32, #tpu.memory_space<vmem>>, vector<1x16xf32>,
      %get3A_1644 = vector.shape_cast %get3A_1643 : vector<1x16xf32> to vector<16xf32>
      %get3A_1645 = arith.index_cast %add3A_1581 : i32 to index
      %get3A_1646 = arith.constant 96 : index
      %get3A_1647 = tpu.vector_load %arg11[%get3A_1645, %get3A_1646] {strides = array<i32>} : memref<128x128xf32, #tpu.memory_space<vmem>>, vector<1x16xf32>,
      %get3A_1648 = vector.shape_cast %get3A_1647 : vector<1x16xf32> to vector<16xf32>
      %mul3A_1649 = arith.mulf %get3A_1644, %get3A_1648 : vector<16xf32>
      %add3A_1650 = arith.addf %add3A_1640, %mul3A_1649 : vector<16xf32>
      %get3A_1651 = arith.index_cast %add3A_1581 : i32 to index
      %get3A_1652 = arith.constant 112 : index
      %get3A_1653 = tpu.vector_load %arg12[%get3A_1651, %get3A_1652] {strides = array<i32>} : memref<128x128xf32, #tpu.memory_space<vmem>>, vector<1x16xf32>,
      %get3A_1654 = vector.shape_cast %get3A_1653 : vector<1x16xf32> to vector<16xf32>
      %get3A_1655 = arith.index_cast %add3A_1581 : i32 to index
      %get3A_1656 = arith.constant 112 : index
      %get3A_1657 = tpu.vector_load %arg11[%get3A_1655, %get3A_1656] {strides = array<i32>} : memref<128x128xf32, #tpu.memory_space<vmem>>, vector<1x16xf32>,
      %get3A_1658 = vector.shape_cast %get3A_1657 : vector<1x16xf32> to vector<16xf32>
      %mul3A_1659 = arith.mulf %get3A_1654, %get3A_1658 : vector<16xf32>
      %add3A_1660 = arith.addf %add3A_1650, %mul3A_1659 : vector<16xf32>
      %gather3A_1661 = vector.shape_cast %broadcast_in_dim3A : vector<16x1xi32> to vector<16xi32>
      %gather3A_1662 = tpu.dynamic_gather %add3A_1660[%gather3A_1661] in [0] : vector<16xf32>, vector<16xi32> -> vector<16xf32>
      %add3A_1663 = arith.addf %add3A_1660, %gather3A_1662 : vector<16xf32>
      %gather3A_1664 = vector.shape_cast %broadcast_in_dim3A_58 : vector<16x1xi32> to vector<16xi32>
      %gather3A_1665 = tpu.dynamic_gather %add3A_1663[%gather3A_1664] in [0] : vector<16xf32>, vector<16xi32> -> vector<16xf32>
      %add3A_1666 = arith.addf %add3A_1663, %gather3A_1665 : vector<16xf32>
      %gather3A_1667 = vector.shape_cast %broadcast_in_dim3A_62 : vector<16x1xi32> to vector<16xi32>
      %gather3A_1668 = tpu.dynamic_gather %add3A_1666[%gather3A_1667] in [0] : vector<16xf32>, vector<16xi32> -> vector<16xf32>
      %add3A_1669 = arith.addf %add3A_1666, %gather3A_1668 : vector<16xf32>
      %gather3A_1670 = vector.shape_cast %broadcast_in_dim3A_66 : vector<16x1xi32> to vector<16xi32>
      %gather3A_1671 = tpu.dynamic_gather %add3A_1669[%gather3A_1670] in [0] : vector<16xf32>, vector<16xi32> -> vector<16xf32>
      %add3A_1672 = arith.addf %add3A_1669, %gather3A_1671 : vector<16xf32>
      %eq3A_1673 = arith.constant 15 : i32
      %eq3A_1674 = vector.broadcast %eq3A_1673 : i32 to vector<16xi32>
      %eq3A_1675 = arith.cmpi eq, %iota3A, %eq3A_1674 : vector<16xi32>
      %select_n3A_1676 = arith.select %eq3A_1675, %add3A_1672, %select_n3A_1577 : vector<16xi1>, vector<16xf32>
      %mul3A_1677 = arith.constant 16 : i32
      %mul3A_1678 = arith.muli %scan3A_94, %mul3A_1677 : i32
      %swap3A = arith.index_cast %mul3A_1678 : i32 to index
      %swap3A_1679 = tpu.vector_load %arg14[%swap3A] {strides = array<i32>} : memref<128xf32, #tpu.memory_space<vmem>>, vector<16xf32>,
      %swap3A_1680 = vector.shape_cast %swap3A_1679 : vector<16xf32> to vector<16xf32>
      %swap3A_1681 = vector.shape_cast %select_n3A_1676 : vector<16xf32> to vector<16xf32>
      tpu.vector_store %arg14[%swap3A], %swap3A_1681 {strides = array<i32>} : memref<128xf32, #tpu.memory_space<vmem>>, vector<16xf32>,
    }
    %scan3A_71 = arith.constant 8 : i32
    %dma_wait3A_72 = arith.constant 0 : i32
    %dma_wait3A_73 = arith.constant 0 : i32
    %dma_wait3A_74 = tpu.memref_slice %arg13[%dma_wait3A_72, %dma_wait3A_73] : memref<136x128xf32, #tpu.memory_space<vmem>> -> memref<128x128xf32, #tpu.memory_space<vmem>>
    %dma_wait3A_75 = arith.constant 0 : i32
    %dma_wait3A_76 = arith.constant 0 : i32
    %dma_wait3A_77 = tpu.memref_slice %arg5[%dma_wait3A_75, %dma_wait3A_76] : memref<100000x128xf32, #tpu.memory_space<hbm>> -> memref<100000x128xf32, #tpu.memory_space<hbm>>
    tpu.wait_indirect_dma semaphore(%arg15 : memref<!tpu.dma_semaphore, #tpu.memory_space<semaphore_mem>>) src(%dma_wait3A_77 : memref<100000x128xf32, #tpu.memory_space<hbm>>) dst(%dma_wait3A_74 : memref<128x128xf32, #tpu.memory_space<vmem>>)
    %dma_wait3A_78 = arith.constant 128 : i32
    %dma_wait3A_79 = arith.constant 0 : i32
    %dma_wait3A_80 = tpu.memref_slice %arg13[%dma_wait3A_78, %dma_wait3A_79] : memref<136x128xf32, #tpu.memory_space<vmem>> -> memref<8x128xf32, #tpu.memory_space<vmem>>
    %dma_wait3A_81 = arith.constant 0 : i32
    %dma_wait3A_82 = tpu.memref_slice %arg10[%dma_wait3A_81] : memref<8xi32, #tpu.memory_space<vmem>> -> memref<8xi32, #tpu.memory_space<vmem>>
    %dma_wait3A_83 = arith.constant 0 : i32
    %dma_wait3A_84 = arith.constant 0 : i32
    %dma_wait3A_85 = tpu.memref_slice %arg5[%dma_wait3A_83, %dma_wait3A_84] : memref<100000x128xf32, #tpu.memory_space<hbm>> -> memref<100000x128xf32, #tpu.memory_space<hbm>>
    tpu.wait_indirect_dma semaphore(%arg15 : memref<!tpu.dma_semaphore, #tpu.memory_space<semaphore_mem>>) src(%dma_wait3A_85 : memref<100000x128xf32, #tpu.memory_space<hbm>>) dst(%dma_wait3A_80 : memref<8x128xf32, #tpu.memory_space<vmem>>)
    %dma_start3A_86 = arith.constant 0 : i32
    %dma_start3A_87 = tpu.memref_slice %arg7[%mul3A_4, %dma_start3A_86] : memref<4352x128xf32, #tpu.memory_space<hbm>> -> memref<136x128xf32, #tpu.memory_space<hbm>>
    %dma_start3A_88 = arith.constant 0 : i32
    %dma_start3A_89 = tpu.memref_slice %arg7[%mul3A_4, %dma_start3A_88] : memref<4352x128xf32, #tpu.memory_space<hbm>> -> memref<136x128xf32, #tpu.memory_space<hbm>>
    tpu.enqueue_dma source(%arg13 : memref<136x128xf32, #tpu.memory_space<vmem>>) target(%dma_start3A_89 : memref<136x128xf32, #tpu.memory_space<hbm>>) target_semaphore(%arg17 : memref<!tpu.dma_semaphore, #tpu.memory_space<semaphore_mem>>)
    "tpu.region"() ({
      %run_scoped3A = tpu.sem_alloc : memref<!tpu.dma_semaphore, #tpu.memory_space<semaphore_mem>>
      %dma_start3A_94 = tpu.memref_slice %arg6[%mul3A_2] : memref<4096xf32, #tpu.memory_space<hbm>> -> memref<128xf32, #tpu.memory_space<hbm>>
      %dma_start3A_95 = tpu.memref_slice %arg6[%mul3A_2] : memref<4096xf32, #tpu.memory_space<hbm>> -> memref<128xf32, #tpu.memory_space<hbm>>
      tpu.enqueue_dma source(%arg14 : memref<128xf32, #tpu.memory_space<vmem>>) target(%dma_start3A_95 : memref<128xf32, #tpu.memory_space<hbm>>) target_semaphore(%run_scoped3A : memref<!tpu.dma_semaphore, #tpu.memory_space<semaphore_mem>>)
      %dma_wait3A_96 = tpu.memref_slice %arg6[%mul3A_2] : memref<4096xf32, #tpu.memory_space<hbm>> -> memref<128xf32, #tpu.memory_space<hbm>>
      %dma_wait3A_97 = tpu.memref_slice %arg6[%mul3A_2] : memref<4096xf32, #tpu.memory_space<hbm>> -> memref<128xf32, #tpu.memory_space<hbm>>
      tpu.wait_dma2 semaphore(%run_scoped3A : memref<!tpu.dma_semaphore, #tpu.memory_space<semaphore_mem>>) src(%arg14 : memref<128xf32, #tpu.memory_space<vmem>>) dst(%dma_wait3A_97 : memref<128xf32, #tpu.memory_space<hbm>>)
      tpu.yield
    }) : () -> ()
    %dma_wait3A_90 = arith.constant 0 : i32
    %dma_wait3A_91 = tpu.memref_slice %arg7[%mul3A_4, %dma_wait3A_90] : memref<4352x128xf32, #tpu.memory_space<hbm>> -> memref<136x128xf32, #tpu.memory_space<hbm>>
    %dma_wait3A_92 = arith.constant 0 : i32
    %dma_wait3A_93 = tpu.memref_slice %arg7[%mul3A_4, %dma_wait3A_92] : memref<4352x128xf32, #tpu.memory_space<hbm>> -> memref<136x128xf32, #tpu.memory_space<hbm>>
    tpu.wait_dma2 semaphore(%arg17 : memref<!tpu.dma_semaphore, #tpu.memory_space<semaphore_mem>>) src(%arg13 : memref<136x128xf32, #tpu.memory_space<vmem>>) dst(%dma_wait3A_93 : memref<136x128xf32, #tpu.memory_space<hbm>>)
    return
  }
}

module attributes {stable_mosaic.version = 14 : i64} {
  func.func @_tc_score_body(%arg0: i32, %arg1: memref<512x1xi32, #tpu.memory_space<vmem>>, %arg2: memref<1x4096xi32, #tpu.memory_space<vmem>>, %arg3: memref<1x4096xf32, #tpu.memory_space<vmem>>, %arg4: memref<4096x128xf32, #tpu.memory_space<vmem>>, %arg5: memref<512x128xf32, #tpu.memory_space<vmem>>, %arg6: memref<512x4096xf32, #tpu.memory_space<vmem>>) attributes {dimension_semantics = [#tpu.dimension_semantics<arbitrary>], iteration_bounds = array<i64: 9>, scalar_prefetch = 0 : i64, scratch_operands = 0 : i64, tpu.core_type = #tpu.core_type<tc>, window_params = [{transform_indices = @transform_0, window_bounds = array<i64: 512, 1>}, {pipeline_mode = #tpu.pipeline_mode<synchronous>, transform_indices = @transform_1, window_bounds = array<i64: 1, 4096>}, {pipeline_mode = #tpu.pipeline_mode<synchronous>, transform_indices = @transform_2, window_bounds = array<i64: 1, 4096>}, {pipeline_mode = #tpu.pipeline_mode<synchronous>, transform_indices = @transform_3, window_bounds = array<i64: 4096, 128>}, {transform_indices = @transform_4, window_bounds = array<i64: 512, 128>}, {transform_indices = @transform_5, window_bounds = array<i64: 512, 4096>}]} {
    %get3A = arith.constant 0 : index
    %get3A_0 = arith.constant 0 : index
    %get3A_1 = vector.load %arg5[%get3A, %get3A_0] : memref<512x128xf32, #tpu.memory_space<vmem>>, vector<512x128xf32>
    %get3A_2 = arith.constant 0 : index
    %get3A_3 = arith.constant 0 : index
    %get3A_4 = vector.load %arg4[%get3A_2, %get3A_3] : memref<4096x128xf32, #tpu.memory_space<vmem>>, vector<4096x128xf32>
    %dot_general3A = arith.constant dense<0.000000e+00> : vector<512x4096xf32>
    %dot_general3A_5 = tpu.matmul %get3A_1, %get3A_4, %dot_general3A {dimension_numbers = #tpu.dot_dimension_numbers<[1], [1], [0], [0], [0, 0, 1, 0], [], []>, transpose_lhs_hint = false} : vector<512x128xf32>, vector<4096x128xf32>, vector<512x4096xf32> -> vector<512x4096xf32>
    %get3A_6 = arith.constant 0 : index
    %get3A_7 = arith.constant 0 : index
    %get3A_8 = vector.load %arg1[%get3A_6, %get3A_7] : memref<512x1xi32, #tpu.memory_space<vmem>>, vector<512x1xi32>
    %get3A_9 = arith.constant 0 : index
    %get3A_10 = arith.constant 0 : index
    %get3A_11 = vector.load %arg2[%get3A_9, %get3A_10] : memref<1x4096xi32, #tpu.memory_space<vmem>>, vector<1x4096xi32>
    %eq3A = vector.broadcast %get3A_8 : vector<512x1xi32> to vector<512x4096xi32>
    %eq3A_12 = vector.broadcast %get3A_11 : vector<1x4096xi32> to vector<512x4096xi32>
    %eq3A_13 = arith.cmpi eq, %eq3A, %eq3A_12 : vector<512x4096xi32>
    %jit3A = arith.constant -3.40282359E+36 : f32
    %broadcast_in_dim3A = vector.broadcast %jit3A : f32 to vector<512x4096xf32>
    %select_n3A = arith.select %eq3A_13, %broadcast_in_dim3A, %dot_general3A_5 : vector<512x4096xi1>, vector<512x4096xf32>
    %mul3A = arith.constant 512 : i32
    %mul3A_14 = arith.muli %arg0, %mul3A : i32
    %iota3A = tpu.iota {dimensions = array<i32: 0>} : vector<512x4096xi32>
    %add3A = vector.broadcast %mul3A_14 : i32 to vector<512x4096xi32>
    %add3A_15 = arith.addi %add3A, %iota3A : vector<512x4096xi32>
    %eq3A_16 = arith.constant 0 : i32
    %eq3A_17 = vector.broadcast %eq3A_16 : i32 to vector<512x4096xi32>
    %eq3A_18 = arith.cmpi eq, %add3A_15, %eq3A_17 : vector<512x4096xi32>
    %get3A_19 = arith.constant 0 : index
    %get3A_20 = arith.constant 0 : index
    %get3A_21 = vector.load %arg3[%get3A_19, %get3A_20] : memref<1x4096xf32, #tpu.memory_space<vmem>>, vector<1x4096xf32>
    %broadcast_in_dim3A_22 = vector.shape_cast %get3A_21 : vector<1x4096xf32> to vector<1x4096xf32>
    %broadcast_in_dim3A_23 = vector.broadcast %broadcast_in_dim3A_22 : vector<1x4096xf32> to vector<512x4096xf32>
    %select_n3A_24 = arith.select %eq3A_18, %broadcast_in_dim3A_23, %select_n3A : vector<512x4096xi1>, vector<512x4096xf32>
    %swap3A = arith.constant 0 : index
    %swap3A_25 = arith.constant 0 : index
    %swap3A_26 = vector.load %arg6[%swap3A, %swap3A_25] : memref<512x4096xf32, #tpu.memory_space<vmem>>, vector<512x4096xf32>
    tpu.vector_store %arg6[%swap3A, %swap3A_25], %select_n3A_24 {strides = array<i32>} : memref<512x4096xf32, #tpu.memory_space<vmem>>, vector<512x4096xf32>,
    return
  }
  func.func @transform_0(%arg0: i32) -> (i32, i32) {
    %c0_i32 = arith.constant 0 : i32
    %c0_i32_0 = arith.constant 0 : i32
    return %arg0, %c0_i32 : i32, i32
  }
  func.func @transform_1(%arg0: i32) -> (i32, i32) {
    %c0_i32 = arith.constant 0 : i32
    %c0_i32_0 = arith.constant 0 : i32
    %c0_i32_1 = arith.constant 0 : i32
    return %c0_i32, %c0_i32_0 : i32, i32
  }
  func.func @transform_2(%arg0: i32) -> (i32, i32) {
    %c0_i32 = arith.constant 0 : i32
    %c0_i32_0 = arith.constant 0 : i32
    %c0_i32_1 = arith.constant 0 : i32
    return %c0_i32, %c0_i32_0 : i32, i32
  }
  func.func @transform_3(%arg0: i32) -> (i32, i32) {
    %c0_i32 = arith.constant 0 : i32
    %c0_i32_0 = arith.constant 0 : i32
    %c0_i32_1 = arith.constant 0 : i32
    return %c0_i32, %c0_i32_0 : i32, i32
  }
  func.func @transform_4(%arg0: i32) -> (i32, i32) {
    %c0_i32 = arith.constant 0 : i32
    %c0_i32_0 = arith.constant 0 : i32
    return %arg0, %c0_i32 : i32, i32
  }
  func.func @transform_5(%arg0: i32) -> (i32, i32) {
    %c0_i32 = arith.constant 0 : i32
    %c0_i32_0 = arith.constant 0 : i32
    return %arg0, %c0_i32 : i32, i32
  }
}

</mosaic_0001>

<sc_bundles>
// kernel: kernel.4.cloned.1.call-start
scs
__scs_entry_jumppad:
0x0: {  	(pc) =	sbr.rel $0x88, $3  }
0x1: {  	(tag) =	ssettag $0x0;
	lr =	simm.s32 $0x1  }
0x2: {  	[smem:$0x3F9D] =	sst lr;
	_ =	strace $0xD0000000  }
0x3: {  	_ = 	snop  }
0x4: {  	_ = 	snop  }
0x5: {  	_ = 	snop  }
0x6: {  	_ = 	snop  }
0x7: {  	_ = 	snop  }
__scs_overlays_trampoline_lowered:
0x8: {  	[smem:$0x3FAC] =	sst s0  }
0x9: {  	[smem:$0x3FAD] =	sst s1  }
0xa: {  	[smem:$0x3FAE] =	sst s2  }
0xb: {  	[smem:$0x3FAF] =	sst s3  }
0xc: {  	[smem:$0x3FB0] =	sst s4  }
0xd: {  	[smem:$0x3FB1] =	sst s5  }
0xe: {  	[smem:$0x3FB2] =	sst s6  }
0xf: {  	[smem:$0x3FB3] =	sst s7  }
0x10: {  	[smem:$0x3FB4] =	sst s8  }
0x11: {  	[smem:$0x3FB5] =	sst s9;
	s0 =	simm.s32 @!p0 $0x0  }
0x12: {  	s1 =	sld [smem:$0x3F9B];
	s0 =	simm.s32 @p0 $0x1  }
0x13: {  	[smem:$0x3FB6] =	sst s0;
	s0 =	simm.s32 @!p1 $0x0  }
0x14: {  	s2 =	sld [smem:$0x3F9A];
	s0 =	simm.s32 @p1 $0x1  }
0x15: {  	[smem:$0x3FB7] =	sst s0;
	s0 =	simm.s32 @!p2 $0x0  }
0x16: {  	s3 =	sld [smem:$0x3FDB];
	s0 =	simm.s32 @p2 $0x1  }
0x17: {  	s4 =	simm.s32 $0x1BF5;
	[smem:$0x3FB9] =	sst s0  }
0x18: {  	s0 =	sld [smem:$0x3F9C];
	_ =	swait.ge [sflag:s4], $0x0  }
0x19: {  	s7 =	sld [smem:$0x3F9D]  }
0x1a: {  	s8 =	sadd.s32 $0xFFFFE003, lr  }
0x1b: {  	s9 =	sadd.s32 $0xFFFFFEF7, lr;
	s5 =	simm.s32 $0xFFFFFFFF;
	p2 =	slt.u32 s8, $0xFFFFF086  }
0x1c: {  	p1 =	slt.u32 s9, $0xF7A;
	s5 =	simm.s32 @!p2 $0x0  }
0x1d: {  	s5 =	simm.s32 @p1 $0x1;
	p0 =	seq.s32 s7, s2  }
0x1e: {  	s7 =	smul.u32 @!p0 $0xF7A, s2;
	p2 =	seq.s32 @!p0 s5, $0x0  }
0x1f: {  	s9 =	smul.u32 $0xF7A, s1;
	s8 =	simm.s32 @!p0 $0x1BF5;
	p2 =	por !p2, p0  }
0x20: {  	[sflag:s8] =	ssyncset.s32 @!p0 $0xFFFFF086;
	s6 =	sadd.s32 @!p0 s3, s7;
	s7 =	simm.s32 @!p0 $0x108  }
0x21: {  	s3 =	sadd.s32 s3, s9;
	s6 =	sadd.s32 @!p0 $0x88, s6;
	s7 =	simm.s32 @p2 $0x1082  }
0x22: {  	[simem:s7], [sflag:s8] =	dma.local @!p0 [hbm:s6], $0xF7A  }
0x23: {  	s9 =	sor.u32 $0xD0000000, s2;
	s6 =	simm.s32 $0x108;
	_ =	swait.ge @!p0 [sflag:s8], $0x0  }
0x24: {  	s3 =	sadd.s32 $0x88, s3;
	s6 =	simm.s32 @!p1 $0x1082;
	[sflag:s4] =	ssyncset.s32 $0xFFFFF086  }
0x25: {  	[simem:s6], [sflag:s4] =	dma.local [hbm:s3], $0xF7A  }
0x26: {  	[smem:$0x3F9D] =	sst s1;
	(tag) =	ssettag s2;
	_ =	strace s9  }
0x27: {  	s1 =	sld [smem:$0x3FAD]  }
0x28: {  	s2 =	sld [smem:$0x3FAE]  }
0x29: {  	s4 =	sld [smem:$0x3FB0]  }
0x2a: {  	p0 =	seq.s32 s5, $0x0;
	s5 =	sld [smem:$0x3FB1]  }
0x2b: {  	s6 =	sld [smem:$0x3FB2]  }
0x2c: {  	s7 =	sld [smem:$0x3FB3]  }
0x2d: {  	s3 =	simm.s32 $0x108;
	s8 =	sld [smem:$0x3FB4]  }
0x2e: {  	s3 =	simm.s32 @!p0 $0x1082;
	s9 =	sld [smem:$0x3FB5]  }
0x2f: {  	lr =	sadd.s32 s0, s3;
	s0 =	sld [smem:$0x3FAC]  }
0x30: {  	s3 =	sld [smem:$0x3FAF]  }
0x31: {  	[smem:$0x3FB8] =	sst s10  }
0x32: {  	s10 =	sld [smem:$0x3FB6];
	_ =	sdelay $0x3  }
0x33: {  	p0 =	seq.s32 s10, $0x1;
	s10 =	sld [smem:$0x3FB8];
	_ =	sdelay $0x3  }
0x34: {  	[smem:$0x3FB8] =	sst s10  }
0x35: {  	s10 =	sld [smem:$0x3FB7];
	_ =	sdelay $0x3  }
0x36: {  	p1 =	seq.s32 s10, $0x1;
	s10 =	sld [smem:$0x3FB8];
	_ =	sdelay $0x3  }
0x37: {  	[smem:$0x3FB8] =	sst s10  }
0x38: {  	s10 =	sld [smem:$0x3FB9]  }
0x39: {  	_ = 	snop;
	(pc) =	sbr.ind lr, $3  }
0x3a: {  	_ = 	snop  }
0x3b: {  	_ = 	snop  }
0x3c: {  	p2 =	seq.s32 s10, $0x1;
	s10 =	sld [smem:$0x3FB8]  }
0x3d: {  	_ =	shalt  }
0x3e: {  	_ =	shalt  }
0x3f: {  	_ =	shalt  }
0x40: {  	_ =	shalt  }
0x41: {  	_ =	shalt  }
0x42: {  	_ =	shalt  }
0x43: {  	_ =	shalt  }
0x44: {  	_ =	shalt  }
0x45: {  	_ =	shalt  }
0x46: {  	_ =	shalt  }
0x47: {  	_ =	shalt  }
0x48: {  	_ =	shalt  }
0x49: {  	_ =	shalt  }
0x4a: {  	_ =	shalt  }
0x4b: {  	_ =	shalt  }
0x4c: {  	_ =	shalt  }
0x4d: {  	_ =	shalt  }
0x4e: {  	_ =	shalt  }
0x4f: {  	_ =	shalt  }
0x50: {  	_ =	shalt  }
0x51: {  	_ =	shalt  }
0x52: {  	_ =	shalt  }
0x53: {  	_ =	shalt  }
0x54: {  	_ =	shalt  }
0x55: {  	_ =	shalt  }
0x56: {  	_ =	shalt  }
0x57: {  	_ =	shalt  }
0x58: {  	_ =	shalt  }
0x59: {  	_ =	shalt  }
0x5a: {  	_ =	shalt  }
0x5b: {  	_ =	shalt  }
0x5c: {  	_ =	shalt  }
0x5d: {  	_ =	shalt  }
0x5e: {  	_ =	shalt  }
0x5f: {  	_ =	shalt  }
0x60: {  	_ =	shalt  }
0x61: {  	_ =	shalt  }
0x62: {  	_ =	shalt  }
0x63: {  	_ =	shalt  }
0x64: {  	_ =	shalt  }
0x65: {  	_ =	shalt  }
0x66: {  	_ =	shalt  }
0x67: {  	_ =	shalt  }
0x68: {  	_ =	shalt  }
0x69: {  	_ =	shalt  }
0x6a: {  	_ =	shalt  }
0x6b: {  	_ =	shalt  }
0x6c: {  	_ =	shalt  }
0x6d: {  	_ =	shalt  }
0x6e: {  	_ =	shalt  }
0x6f: {  	_ =	shalt  }
0x70: {  	_ =	shalt  }
0x71: {  	_ =	shalt  }
0x72: {  	_ =	shalt  }
0x73: {  	_ =	shalt  }
0x74: {  	_ =	shalt  }
0x75: {  	_ =	shalt  }
0x76: {  	_ =	shalt  }
0x77: {  	_ =	shalt  }
0x78: {  	_ =	shalt  }
0x79: {  	_ =	shalt  }
0x7a: {  	_ =	shalt  }
0x7b: {  	_ =	shalt  }
0x7c: {  	_ =	shalt  }
0x7d: {  	_ =	shalt  }
0x7e: {  	_ =	shalt  }
0x7f: {  	_ =	shalt  }
0x80: {  	_ =	shalt  }
0x81: {  	_ =	shalt  }
0x82: {  	_ =	shalt  }
0x83: {  	_ =	shalt  }
0x84: {  	_ =	shalt  }
0x85: {  	_ =	shalt  }
0x86: {  	_ =	shalt  }
0x87: {  	_ =	shalt  }
.Lfunc_end0:
.L_simem_size_0:
called_computation_lowered:
.L_overlay_start_0:
0x88: {  	s2 =	sld [smem:$0x3FD9]  }
0x89: {  	s3 =	sld [smem:$0x3FFE];
	_ =	sdelay $0x1  }
0x8a: {  	s1 =	srdreg.scid  }
0x8b: {  	s0 =	sand.u32 $0x1, s1  }
0x8c: {  	s17 =	sshll.u32 s0, $0xA;
	s2 =	sadd.s32 s3, s2  }
0x8d: {  	s2 =	sadd.s32 s2, s17  }
0x8e: {  	[smem:$0x3FC4] =	sst s2  }
0x8f: {  	_ = 	snop  }
0x90: {  	s2 =	sld [smem:$0x3FC9]  }
0x91: {  	s18 =	sld [smem:$0x3FC8]  }
0x92: {  	s4 =	sld [smem:$0x3FC6]  }
0x93: {  	s5 =	sld [smem:$0x3FD0];
	(tm) =	ssettm $0x1  }
0x94: {  	s6 =	sld [smem:$0x3FFB];
	_ =	sdelay $0x3  }
0x95: {  	_ =	strace s6  }
0x96: {  	s6 =	sld [smem:$0x3FFC];
	_ =	sdelay $0x3  }
0x97: {  	_ =	strace s6  }
0x98: {  	s6 =	sld [smem:$0x3FFD];
	_ =	sdelay $0x3  }
0x99: {  	_ =	strace s6  }
0x9a: {  	_ =	strace $0x8FFFFFFF  }
0x9b: {  	s19 =	sld [smem:$0x3FDB];
	_ =	sdelay $0x1  }
0x9c: {  	s7 =	simm.s32 $_scs_section_size  }
0x9d: {  	s8 =	simm.s32 $_size__tile_overlayer_lowered;
	s9 =	simm.s32 $_tile_overlayer_lowered  }
0x9e: {  	s22 =	simm.s32 $0x1BFF;
	s21 =	sshll.u32 s9, $0x1;
	s6 =	sadd.s32 s7, s19  }
0x9f: {  	s10 =	simm.s32 $0x0;
	s20 =	sshll.u32 s8, $0x1;
	s8 =	sadd.s32 s21, s6  }
0xa0: {  	[timem:s10], [sflag:s22] =	dma.local [hbm:s8], s20  }
0xa1: {  	_ =	swait.ge [sflag:s22], s20  }
0xa2: {  	s7 =	ssub.s32 $0x0, s20;
	[sflag:s22] =	ssyncset.done $0x0  }
0xa3: {  	[sflag:s22] =	ssyncadd.s32 s7;
	_ =	sdelay $0x1  }
0xa4: {  	s23 =	simm.s32 $0x1B8B  }
0xa5: {  	_ =	swait.ge [sflag:s23], $0x1  }
0xa6: {  	[sflag:s23] =	ssyncset.done $0x0  }
0xa7: {  	s25 =	simm.s32 $0x1B8E;
	s24 =	sld [smem:$0x3FFE];
	[sflag:s23] =	ssyncadd.s32 $0xFFFFFFFF  }
0xa8: {  	s26 =	simm.s32 $execute0_lowered;
	[smem:$0x3FD2] =	sst s25  }
0xa9: {  	s8 =	sshll.u32 s26, $0x1;
	_ =	strace $0x80000046;
	[dreg:$0x1] =	wrdreg $0xFFFFFFFF  }
0xaa: {  	s28 =	simm.s32 $_size_execute0_lowered;
	s6 =	sadd.s32 s6, s8;
	[dreg:$0x0] =	wrdreg $0x0  }
0xab: {  	s8 =	sshll.u32 s28, $0x1;
	[dreg:$0x2] =	wrdreg s6  }
0xac: {  	[dreg:$0x3] =	wrdreg s8  }
0xad: {  	[dreg:$0x4] =	wrdreg $0xC0  }
0xae: {  	_ =	task [dreg:s10], $0x5FFFF  }
0xaf: {  	[dreg:$0x1] =	wrdreg $0xFFFFFFFF  }
0xb0: {  	[dreg:$0x0] =	wrdreg $0x60  }
0xb1: {  	[dreg:$0x2] =	wrdreg s18  }
0xb2: {  	[dreg:$0x3] =	wrdreg s24  }
0xb3: {  	[dreg:$0x4] =	wrdreg s2  }
0xb4: {  	[dreg:$0x5] =	wrdreg s4  }
0xb5: {  	[dreg:$0x6] =	wrdreg s5  }
0xb6: {  	[dreg:$0x7] =	wrdreg $0x9  }
0xb7: {  	_ =	task.clear_ibuf [dreg:s10], $0x8FFFF;
	_ =	strace $0x90000046  }
0xb8: {  	s29 =	simm.s32 $0x9;
	_ =	strace $0x80000048  }
0xb9: {  	_ =	swait.ge [sflag:s29], $0x1  }
0xba: {  	[sflag:s29] =	ssyncadd.s32 $0xFFFFFFFF  }
0xbb: {  	_ =	strace $0x90000048  }
0xbc: {  	_ =	sfence  }
0xbd: {  	s30 =	sld [smem:$0x0];
	_ =	sdelay $0x2  }
0xbe: {  	s31 =	sshll.u32 s1, $0xD;
	s1 =	sshrl.u32 s1, $0x2  }
0xbf: {  	s3 =	sand.u32 $0x4000, s31;
	s1 =	sadd.s32 s1, s30  }
0xc0: {  	s0 =	sor.u32 s3, s0;
	s1 =	sshll.u32 s1, $0x11  }
0xc1: {  	s0 =	sor.u32 s1, s0  }
0xc2: {  	s0 =	sadd.s32 $0x8F2B, s0  }
0xc3: {  	[sflag:s0] =	ssyncadd.remote.s32 $0x1  }
0xc4: {  	_ =	sfence.sel $0xFFFF  }
0xc5: {  	[dreg:$0x0] =	wrdreg $0xFFFFFFFF;
	(pc) =	sbr.abs _section_cstart, $3  }
0xc6: {  	[dreg:$0x1] =	wrdreg $0xFFFFFFFF  }
0xc7: {  	_ =	task.clear_ibuf [dreg:s10], $0x2FFFF;
	_ =	strace $0x9FFFFFFF  }
0xc8: {  	(tm) =	ssettm $0x7FFFFFFF  }
0xc9: {  	_ =	shalt  }
tec
execute0_lowered:
.L_overlay_start_1:
0x0: {  	(tag) =	ssettag $0x1  }
0x1: {  	s5 =	rddreg [dreg:$0x0]  }
0x2: {  	v0 =	vimm.s32 $0xFEDCBA98;
	s4 =	rddreg [dreg:$0x1];
	v1 =	vimm.s32 $0x76543210  }
0x3: {  	s1 =	srdreg.scid;
	s6 =	rddreg [dreg:$0x2];
	v2 =	vimm.s32 $0xBA98FEDC;
	v3 =	vimm.s32 $0x32107654;
	v4 =	vimm.s32 $0xDCFE98BA  }
0x4: {  	s0 =	stileid.u32;
	s9 =	rddreg [dreg:$0x4];
	s3 =	simm.s32 $0x0;
	v5 =	vimm.s32 $0x54761032;
	v6 =	vimm.s32 $0xEFCDAB89;
	v7 =	vimm.s32 $0x67452301  }
0x5: {  	vm0 =	vmmov $0x1;
	vm1 =	vmmov $0x3;
	vm2 =	vmmov $0x7;
	s15 =	simm.s32 $0x4180;
	s16 =	simm.s32 $0x8180;
	s17 =	simm.s32 $0x8  }
0x6: {  	vm3 =	vmmov $0xf;
	vm4 =	vmmov $0x1f;
	s18 =	simm.s32 $0xC180;
	s19 =	simm.s32 $0x5;
	s20 =	simm.s32 $0x2;
	v0 =	vunpack.c.l.s4.s8 v0  }
0x7: {  	s21 =	simm.s32 $0x1;
	s22 =	simm.s32 $0xC580;
	s23 =	simm.s32 $0x6;
	v1 =	vunpack.c.l.s4.s8 v1;
	v2 =	vunpack.c.l.s4.s8 v2;
	v3 =	vunpack.c.l.s4.s8 v3  }
0x8: {  	s24 =	simm.s32 $0x3;
	s7 =	sand.u32 $0x1, s1;
	s1 =	rddreg [dreg:$0x3];
	v4 =	vunpack.c.l.s4.s8 v4;
	v5 =	vunpack.c.l.s4.s8 v5;
	v6 =	vunpack.c.l.s4.s8 v6  }
0x9: {  	s25 =	simm.s32 $0x0;
	s2 =	sshll.u32 s0, $0x1;
	[smem:$0x7FF] =	sst s3;
	v7 =	vunpack.c.l.s4.s8 v7;
	v0 =	vunpack.c.0.s8.s32 v0;
	v2 =	vunpack.c.0.s8.s32 v2  }
0xa: {  	s8 =	sor.u32 s7, s2;
	s2 =	rddreg [dreg:$0x5];
	_ =	strace $0x80000047;
	v3 =	vunpack.c.0.s8.s32 v3;
	v4 =	vunpack.c.0.s8.s32 v4;
	v1 =	vunpack.c.0.s8.s32 v1  }
0xb: {  	s7 =	ssub.s32 $0x2, s7;
	s10 =	smul.u32 $0x88, s8;
	s11 =	sshll.u32 s8, $0x4;
	v5 =	vunpack.c.0.s8.s32 v5;
	v6 =	vunpack.c.0.s8.s32 v6;
	v0 =	vand.u32 $0xF, v0  }
0xc: {  	v7 =	vunpack.c.0.s8.s32 v7;
	s31 =	sshrl.u32 s7, $0x1;
	s13 =	sshll.u32 s8, $0xB;
	s8 =	smul.u32 $0x880, s8;
	v2 =	vcombine.low v3, v2;
	v0 =	vcombine.low v0, v1  }
0xd: {  	vm5 =	vmmov $0x3f;
	vm6 =	vmmov $0x7f;
	s12 =	sadd.s32 s11, s4;
	s14 =	ssub.s32 s7, s31;
	s5 =	sadd.s32 s5, s11;
	v60 =	vcombine.low v5, v4  }
0xe: {  	vm7 =	vmmov $0xff;
	s11 =	simm.s32 $0x180;
	s10 =	sshrl.u32 s10, $0x3;
	v61 =	vcombine.low v7, v6;
	s8 =	sadd.s32 s9, s8;
	v62 =	vand.u32 $0xF, v2;
	[tilespmem:$0x1FFC0] =	vst v0  }
0xf: {  	vm8 =	vmmov $0x1ff;
	vm9 =	vmmov $0x3ff;
	s9 =	sadd.s32 $0x1600, s12;
	s12 =	simm.s32 $0x80;
	s10 =	sadd.s32 s10, s4;
	v63 =	vand.u32 $0xF, v60;
	[tilespmem:$0x1FFD0] =	vst v62  }
0x10: {  	vm10 =	vmmov $0x7ff;
	vm11 =	vmmov $0xfff;
	s4 =	sadd.s32 s6, s13;
	s13 =	simm.s32 $0x100;
	s6 =	sadd.s32 $0x1200, s10;
	v53 =	vand.u32 $0xF, v61;
	[tilespmem:$0x1FFE0] =	vst v63  }
0x11: {  	vm12 =	vmmov $0x1fff;
	vm13 =	vmmov $0x3fff;
	vm14 =	vmmov $0x7fff;
	s7 =	sadd.s32 $0x1210, s10;
	s10 =	smax.u32 s14, $0x1;
	s14 =	simm.s32 $0x4;
	[tilespmem:$0x1FFF0] =	vst v53  }
.LBB2_1:
0x12: {  	[tilespmem:s11], [sflag:$0x2] =	stream.linear.gather [hbm4b:s4+s3], $0x4000, $0x38;
	[tilespmem:$0xC600] =	vst v63  }
0x13: {  	_ = 	snop  }
0x14: {  	[tilespmem:s3], [sflag:$0x4] =	stream.linear.gather [hbm4b:s5+s3], $0x80, $0x38;
	[tilespmem:$0xC600] =	vst v63  }
0x15: {  	_ = 	snop  }
0x16: {  	[tilespmem:s12], [sflag:$0x4] =	stream.linear.gather [hbm4b:s6+s3], $0x80, $0x38;
	[tilespmem:$0xC600] =	vst v63  }
0x17: {  	_ = 	snop  }
0x18: {  	[tilespmem:s13], [sflag:$0x4] =	stream.linear.gather [hbm4b:s7+s3], $0x8, $0x38;
	[tilespmem:$0xC600] =	vst v63  }
0x19: {  	_ =	swait.ge [sflag:s14], $0x80  }
0x1a: {  	[sflag:s14] =	ssyncset.done $0x0  }
0x1b: {  	[sflag:s14] =	ssyncadd.s32 $0xFFFFFF80  }
0x1c: {  	_ =	swait.ge [sflag:s14], $0x80  }
0x1d: {  	[sflag:s14] =	ssyncset.done $0x0  }
0x1e: {  	[sflag:s14] =	ssyncadd.s32 $0xFFFFFF80  }
0x1f: {  	_ =	swait.ge [sflag:s14], $0x8  }
0x20: {  	[sflag:s14] =	ssyncset.done $0x0  }
0x21: {  	[sflag:s14] =	ssyncadd.s32 $0xFFFFFFF8  }
0x22: {  	[tilespmem:s15], [sflag:$0x5] =	stream.indirect.gather [hbm4b:s1+s12], $0x80, s3, s12, $0xb8;
	[tilespmem:$0xC600] =	vst v63  }
0x23: {  	_ = 	snop  }
0x24: {  	[tilespmem:s16], [sflag:$0x1] =	stream.indirect.gather [hbm4b:s1+s12], $0x80, s12, s12, $0xb8;
	[tilespmem:$0xC600] =	vst v63  }
0x25: {  	_ = 	snop  }
0x26: {  	[tilespmem:s18], [sflag:$0x1] =	stream.indirect.gather [hbm4b:s1+s17], $0x80, s13, s17, $0xb8;
	[tilespmem:$0xC600] =	vst v63  }
0x27: {  	_ =	swait.ge [sflag:s19], $0x4000  }
0x28: {  	[sflag:s19] =	ssyncset.done $0x0  }
0x29: {  	[sflag:s19] =	ssyncadd.s32 $0xFFFFC000  }
0x2a: {  	_ =	swait.ge [sflag:s20], $0x4000  }
0x2b: {  	[sflag:s20] =	ssyncset.done $0x0  }
0x2c: {  	s26 =	simm.s32 $0x0;
	[sflag:s20] =	ssyncadd.s32 $0xFFFFC000  }
0x2d: {  	v1 =	vld [tilespmem:s26+$0x4470];
	_ =	sdelay $0x4  }
0x2e: {  	[tilespmem:$0x1FB60] =	vst v1;
	v1 =	vld [tilespmem:s26+$0x470];
	_ =	sdelay $0x4  }
0x2f: {  	[tilespmem:$0x1FB70] =	vst v1;
	v1 =	vld [tilespmem:s26+$0x44E0];
	_ =	sdelay $0x4  }
0x30: {  	[tilespmem:$0x1FC00] =	vst v1;
	v1 =	vld [tilespmem:s26+$0x4E0];
	_ =	sdelay $0x4  }
0x31: {  	[tilespmem:$0x1FC10] =	vst v1;
	v1 =	vld [tilespmem:s26+$0x4550];
	_ =	sdelay $0x4  }
0x32: {  	[tilespmem:$0x1FC30] =	vst v1;
	v1 =	vld [tilespmem:s26+$0x550];
	_ =	sdelay $0x4  }
0x33: {  	[tilespmem:$0x1FC40] =	vst v1;
	v1 =	vld [tilespmem:s26+$0x45C0];
	_ =	sdelay $0x4  }
0x34: {  	[tilespmem:$0x1FD50] =	vst v1;
	v1 =	vld [tilespmem:s26+$0x5C0];
	_ =	sdelay $0x4  }
0x35: {  	[tilespmem:$0x1FD60] =	vst v1;
	v1 =	vld [tilespmem:s26+$0x4630];
	_ =	sdelay $0x4  }
0x36: {  	[tilespmem:$0x1FD10] =	vst v1;
	v1 =	vld [tilespmem:s26+$0x630];
	_ =	sdelay $0x4  }
0x37: {  	[tilespmem:$0x1FD20] =	vst v1;
	v1 =	vld [tilespmem:s26+$0x46A0];
	_ =	sdelay $0x4  }
0x38: {  	[tilespmem:$0x1FC60] =	vst v1;
	v1 =	vld [tilespmem:s26+$0x6A0];
	_ =	sdelay $0x4  }
0x39: {  	[tilespmem:$0x1FC70] =	vst v1;
	v1 =	vld [tilespmem:s26+$0x43F0];
	_ =	sdelay $0x4  }
0x3a: {  	[tilespmem:$0x1FD70] =	vst v1;
	v1 =	vld [tilespmem:s26+$0x3F0];
	_ =	sdelay $0x3  }
0x3b: {  	v0 =	vld [tilespmem:s26+$0x4860]  }
0x3c: {  	[tilespmem:$0x1FD80] =	vst v1;
	v1 =	vld [tilespmem:s26+$0x4460];
	_ =	sdelay $0x3  }
0x3d: {  	[tilespmem:$0x1F840] =	vst v0;
	v0 =	vld [tilespmem:s26+$0x47E0]  }
0x3e: {  	[tilespmem:$0x1FDA0] =	vst v1;
	v1 =	vld [tilespmem:s26+$0x460];
	_ =	sdelay $0x3  }
0x3f: {  	[tilespmem:$0x1F850] =	vst v0;
	v0 =	vld [tilespmem:s26+$0x7E0]  }
0x40: {  	[tilespmem:$0x1FDB0] =	vst v1;
	v1 =	vld [tilespmem:s26+$0x44D0];
	_ =	sdelay $0x3  }
0x41: {  	[tilespmem:$0x1F860] =	vst v0;
	v0 =	vld [tilespmem:s26+$0x4850]  }
0x42: {  	[tilespmem:$0x1FE40] =	vst v1;
	v1 =	vld [tilespmem:s26+$0x4D0];
	_ =	sdelay $0x3  }
0x43: {  	[tilespmem:$0x1F870] =	vst v0;
	v0 =	vld [tilespmem:s26+$0x850]  }
0x44: {  	[tilespmem:$0x1FE50] =	vst v1;
	v1 =	vld [tilespmem:s26+$0x4540];
	_ =	sdelay $0x3  }
0x45: {  	[tilespmem:$0x1F880] =	vst v0;
	v0 =	vld [tilespmem:s26+$0x48C0]  }
0x46: {  	[tilespmem:$0x1FDE0] =	vst v1;
	v1 =	vld [tilespmem:s26+$0x540];
	_ =	sdelay $0x3  }
0x47: {  	[tilespmem:$0x1F890] =	vst v0;
	v0 =	vld [tilespmem:s26+$0x8C0]  }
0x48: {  	[tilespmem:$0x1FDF0] =	vst v1;
	v1 =	vld [tilespmem:s26+$0x45B0];
	_ =	sdelay $0x3  }
0x49: {  	[tilespmem:$0x1F8A0] =	vst v0;
	v0 =	vld [tilespmem:s26+$0x4760]  }
0x4a: {  	[tilespmem:$0x1FD30] =	vst v1;
	v1 =	vld [tilespmem:s26+$0x5B0];
	_ =	sdelay $0x3  }
0x4b: {  	[tilespmem:$0x1F8D0] =	vst v0;
	v0 =	vld [tilespmem:s26+$0x760]  }
0x4c: {  	[tilespmem:$0x1FD40] =	vst v1;
	v1 =	vld [tilespmem:s26+$0x4620];
	_ =	sdelay $0x3  }
0x4d: {  	[tilespmem:$0x1F8E0] =	vst v0;
	v0 =	vld [tilespmem:s26+$0x47D0]  }
0x4e: {  	[tilespmem:$0x1FCD0] =	vst v1;
	v1 =	vld [tilespmem:s26+$0x620];
	_ =	sdelay $0x3  }
0x4f: {  	[tilespmem:$0x1F910] =	vst v0;
	v0 =	vld [tilespmem:s26+$0x7D0]  }
0x50: {  	[tilespmem:$0x1FCE0] =	vst v1;
	v1 =	vld [tilespmem:s26+$0x4680];
	_ =	sdelay $0x3  }
0x51: {  	[tilespmem:$0x1F920] =	vst v0;
	v0 =	vld [tilespmem:s26+$0x840]  }
0x52: {  	[tilespmem:$0x1FB90] =	vst v1;
	v1 =	vld [tilespmem:s26+$0x680];
	_ =	sdelay $0x3  }
0x53: {  	[tilespmem:$0x1F8C0] =	vst v0;
	v0 =	vld [tilespmem:s26+$0x48B0]  }
0x54: {  	[tilespmem:$0x1FBA0] =	vst v1;
	v1 =	vld [tilespmem:s26+$0x4690];
	_ =	sdelay $0x3  }
0x55: {  	[tilespmem:$0x1F8B0] =	vst v0;
	v0 =	vld [tilespmem:s26+$0x4670]  }
0x56: {  	[tilespmem:$0x1FBC0] =	vst v1;
	v1 =	vld [tilespmem:s26+$0x690];
	_ =	sdelay $0x3  }
0x57: {  	[tilespmem:$0x1F930] =	vst v0;
	v0 =	vld [tilespmem:s26+$0x670]  }
0x58: {  	[tilespmem:$0x1FBD0] =	vst v1;
	v1 =	vld [tilespmem:s26+$0x4370];
	_ =	sdelay $0x3  }
0x59: {  	[tilespmem:$0x1F940] =	vst v0;
	v0 =	vld [tilespmem:s26+$0x46E0]  }
0x5a: {  	[tilespmem:$0x1F820] =	vst v1;
	v1 =	vld [tilespmem:s26+$0x43E0];
	_ =	sdelay $0x3  }
0x5b: {  	[tilespmem:$0x1F950] =	vst v0;
	v0 =	vld [tilespmem:s26+$0x6E0]  }
0x5c: {  	[tilespmem:$0x1FE60] =	vst v1;
	v1 =	vld [tilespmem:s26+$0x3E0];
	_ =	sdelay $0x3  }
0x5d: {  	[tilespmem:$0x1F960] =	vst v0;
	v0 =	vld [tilespmem:s26+$0x4750]  }
0x5e: {  	[tilespmem:$0x1FE70] =	vst v1;
	v1 =	vld [tilespmem:s26+$0x4450];
	_ =	sdelay $0x3  }
0x5f: {  	[tilespmem:$0x1F980] =	vst v0;
	v0 =	vld [tilespmem:s26+$0x750]  }
0x60: {  	[tilespmem:$0x1FE80] =	vst v1;
	v1 =	vld [tilespmem:s26+$0x450];
	_ =	sdelay $0x3  }
0x61: {  	[tilespmem:$0x1F990] =	vst v0;
	v0 =	vld [tilespmem:s26+$0x47C0]  }
0x62: {  	[tilespmem:$0x1FE90] =	vst v1;
	v1 =	vld [tilespmem:s26+$0x44C0];
	_ =	sdelay $0x3  }
0x63: {  	[tilespmem:$0x1F8F0] =	vst v0;
	v0 =	vld [tilespmem:s26+$0x7C0]  }
0x64: {  	[tilespmem:$0x1FE20] =	vst v1;
	v1 =	vld [tilespmem:s26+$0x4C0];
	_ =	sdelay $0x3  }
0x65: {  	[tilespmem:$0x1F900] =	vst v0;
	v0 =	vld [tilespmem:s26+$0x45F0]  }
0x66: {  	[tilespmem:$0x1FE30] =	vst v1;
	v1 =	vld [tilespmem:s26+$0x4530];
	_ =	sdelay $0x3  }
0x67: {  	[tilespmem:$0x1F9D0] =	vst v0;
	v0 =	vld [tilespmem:s26+$0x5F0]  }
0x68: {  	[tilespmem:$0x1FDC0] =	vst v1;
	v1 =	vld [tilespmem:s26+$0x530];
	_ =	sdelay $0x3  }
0x69: {  	[tilespmem:$0x1F9E0] =	vst v0;
	v0 =	vld [tilespmem:s26+$0x660]  }
0x6a: {  	[tilespmem:$0x1FDD0] =	vst v1;
	v1 =	vld [tilespmem:s26+$0x45A0];
	_ =	sdelay $0x3  }
0x6b: {  	[tilespmem:$0x1FA10] =	vst v0;
	v0 =	vld [tilespmem:s26+$0x46D0]  }
0x6c: {  	[tilespmem:$0x1FCF0] =	vst v1;
	v1 =	vld [tilespmem:s26+$0x5A0];
	_ =	sdelay $0x3  }
0x6d: {  	[tilespmem:$0x1FA20] =	vst v0;
	v0 =	vld [tilespmem:s26+$0x6D0]  }
0x6e: {  	[tilespmem:$0x1FD00] =	vst v1;
	v1 =	vld [tilespmem:s26+$0x4600];
	_ =	sdelay $0x3  }
0x6f: {  	[tilespmem:$0x1FA30] =	vst v0;
	v0 =	vld [tilespmem:s26+$0x4740]  }
0x70: {  	[tilespmem:$0x1FC80] =	vst v1;
	v1 =	vld [tilespmem:s26+$0x600];
	_ =	sdelay $0x3  }
0x71: {  	[tilespmem:$0x1F9F0] =	vst v0;
	v0 =	vld [tilespmem:s26+$0x740]  }
0x72: {  	[tilespmem:$0x1FC90] =	vst v1;
	v1 =	vld [tilespmem:s26+$0x4610];
	_ =	sdelay $0x3  }
0x73: {  	[tilespmem:$0x1FA00] =	vst v0;
	v0 =	vld [tilespmem:s26+$0x4570]  }
0x74: {  	[tilespmem:$0x1FCA0] =	vst v1;
	v1 =	vld [tilespmem:s26+$0x610];
	_ =	sdelay $0x3  }
0x75: {  	[tilespmem:$0x1FA40] =	vst v0;
	v0 =	vld [tilespmem:s26+$0x570]  }
0x76: {  	[tilespmem:$0x1FCB0] =	vst v1;
	v1 =	vld [tilespmem:s26+$0x42F0];
	_ =	sdelay $0x3  }
0x77: {  	[tilespmem:$0x1FA50] =	vst v0;
	v0 =	vld [tilespmem:s26+$0x45E0]  }
0x78: {  	[tilespmem:$0x1F830] =	vst v1;
	v1 =	vld [tilespmem:s26+$0x4360];
	_ =	sdelay $0x3  }
0x79: {  	[tilespmem:$0x1FA60] =	vst v0;
	v0 =	vld [tilespmem:s26+$0x5E0]  }
0x7a: {  	[tilespmem:$0x1FEA0] =	vst v1;
	v1 =	vld [tilespmem:s26+$0x360];
	_ =	sdelay $0x3  }
0x7b: {  	[tilespmem:$0x1FA70] =	vst v0;
	v0 =	vld [tilespmem:s26+$0x4650]  }
0x7c: {  	[tilespmem:$0x1FEB0] =	vst v1;
	v1 =	vld [tilespmem:s26+$0x43D0];
	_ =	sdelay $0x3  }
0x7d: {  	[tilespmem:$0x1FA80] =	vst v0;
	v0 =	vld [tilespmem:s26+$0x650]  }
0x7e: {  	[tilespmem:$0x1FEC0] =	vst v1;
	v1 =	vld [tilespmem:s26+$0x3D0]  }
0x7f: {  	v52 =	vld [tilespmem:s26+$0x4970]  }
0x80: {  	v54 =	vld [tilespmem:s26+$0x48F0]  }
0x81: {  	v41 =	vld [tilespmem:s26+$0x8F0]  }
0x82: {  	[tilespmem:$0x1FA90] =	vst v0;
	v0 =	vld [tilespmem:s26+$0x46C0]  }
0x83: {  	[tilespmem:$0x1FED0] =	vst v1;
	v1 =	vld [tilespmem:s26+$0x4440]  }
0x84: {  	v62 =	vld [tilespmem:s26+$0x4960]  }
0x85: {  	v38 =	vld [tilespmem:s26+$0x960]  }
0x86: {  	v32 =	vld [tilespmem:s26+$0x4930]  }
0x87: {  	[tilespmem:$0x1FAA0] =	vst v0;
	v0 =	vld [tilespmem:s26+$0x6C0]  }
0x88: {  	[tilespmem:$0x1FEE0] =	vst v1;
	v1 =	vld [tilespmem:s26+$0x440]  }
0x89: {  	v24 =	vld [tilespmem:s26+$0x4920]  }
0x8a: {  	v10 =	vld [tilespmem:s26+$0x4900]  }
0x8b: {  	v8 =	vld [tilespmem:s26+$0x900]  }
0x8c: {  	[tilespmem:$0x1FAB0] =	vst v0;
	v0 =	vld [tilespmem:s26+$0x4730]  }
0x8d: {  	[tilespmem:$0x1FEF0] =	vst v1;
	v1 =	vld [tilespmem:s26+$0x44B0]  }
0x8e: {  	v7 =	vld [tilespmem:s26+$0x4910]  }
0x8f: {  	v6 =	vld [tilespmem:s26+$0x910]  }
0x90: {  	v23 =	vld [tilespmem:s26+$0x920]  }
0x91: {  	[tilespmem:$0x1F9B0] =	vst v0;
	v0 =	vld [tilespmem:s26+$0x730]  }
0x92: {  	[tilespmem:$0x1FE00] =	vst v1;
	v1 =	vld [tilespmem:s26+$0x4B0]  }
0x93: {  	v31 =	vld [tilespmem:s26+$0x930]  }
0x94: {  	v61 =	vld [tilespmem:s26+$0x860];
	v8 =	vmul.f32 v8, v10;
	v6 =	vmul.f32 v6, v7  }
0x95: {  	v19 =	vld [tilespmem:s26+$0x4880]  }
0x96: {  	v6 =	vadd.f32 v6, v8;
	v8 =	vmul.f32 v23, v24;
	[tilespmem:$0x1F9C0] =	vst v0;
	v0 =	vld [tilespmem:s26+$0x44F0]  }
0x97: {  	[tilespmem:$0x1FE10] =	vst v1;
	v1 =	vld [tilespmem:$0x1F840]  }
0x98: {  	v16 =	vld [tilespmem:s26+$0x4890];
	v10 =	vmul.f32 v31, v32;
	v6 =	vadd.f32 v8, v6  }
0x99: {  	v15 =	vld [tilespmem:s26+$0x890]  }
0x9a: {  	v6 =	vadd.f32 v10, v6;
	v10 =	vld [tilespmem:$0x1F860]  }
0x9b: {  	[tilespmem:$0x1FAC0] =	vst v0;
	v0 =	vld [tilespmem:s26+$0x4F0]  }
0x9c: {  	v31 =	vmul.f32 v61, v1;
	v1 =	vld [tilespmem:$0x1F850]  }
0x9d: {  	v17 =	vld [tilespmem:s26+$0x880]  }
0x9e: {  	v12 =	vld [tilespmem:s26+$0x4810]  }
0x9f: {  	v11 =	vld [tilespmem:s26+$0x810]  }
0xa0: {  	[tilespmem:$0x1FAD0] =	vst v0;
	v0 =	vld [tilespmem:s26+$0x4560]  }
0xa1: {  	v15 =	vmul.f32 v15, v16;
	v16 =	vmul.f32 v10, v1;
	v1 =	vld [tilespmem:$0x1F870]  }
0xa2: {  	v10 =	vld [tilespmem:$0x1F880]  }
0xa3: {  	v58 =	vld [tilespmem:s26+$0x8B0]  }
0xa4: {  	v30 =	vld [tilespmem:s26+$0x48A0]  }
0xa5: {  	[tilespmem:$0x1FAE0] =	vst v0;
	v0 =	vld [tilespmem:s26+$0x560]  }
0xa6: {  	v11 =	vmul.f32 v11, v12;
	v12 =	vld [tilespmem:$0x1F8A0]  }
0xa7: {  	v17 =	vmul.f32 v17, v19;
	v19 =	vmul.f32 v10, v1;
	v1 =	vld [tilespmem:$0x1F890]  }
0xa8: {  	v29 =	vld [tilespmem:s26+$0x8A0]  }
0xa9: {  	v14 =	vld [tilespmem:s26+$0x4800]  }
0xaa: {  	[tilespmem:$0x1FAF0] =	vst v0;
	v0 =	vld [tilespmem:s26+$0x45D0]  }
0xab: {  	v13 =	vld [tilespmem:s26+$0x800]  }
0xac: {  	v12 =	vmul.f32 v12, v1;
	v1 =	vld [tilespmem:$0x1F8B0]  }
0xad: {  	v46 =	vld [tilespmem:s26+$0x4870]  }
0xae: {  	v40 =	vld [tilespmem:s26+$0x870]  }
0xaf: {  	v15 =	vadd.f32 v15, v17;
	v17 =	vmul.f32 v29, v30;
	[tilespmem:$0x1FB00] =	vst v0;
	v0 =	vld [tilespmem:s26+$0x5D0]  }
0xb0: {  	v45 =	vld [tilespmem:s26+$0x4950]  }
0xb1: {  	v13 =	vmul.f32 v13, v14;
	v14 =	vadd.f32 v17, v15;
	v15 =	vmul.f32 v58, v1;
	v1 =	vld [tilespmem:s26+$0x350]  }
0xb2: {  	v42 =	vld [tilespmem:s26+$0x950]  }
0xb3: {  	v56 =	vld [tilespmem:s26+$0x47F0]  }
0xb4: {  	[tilespmem:$0x1FB10] =	vst v0;
	v0 =	vld [tilespmem:s26+$0x4640]  }
0xb5: {  	v47 =	vld [tilespmem:s26+$0x7F0]  }
0xb6: {  	[tilespmem:$0x1FF00] =	vst v1;
	v1 =	vld [tilespmem:s26+$0x43C0]  }
0xb7: {  	v63 =	vld [tilespmem:s26+$0x4940]  }
0xb8: {  	v57 =	vld [tilespmem:s26+$0x940]  }
0xb9: {  	[tilespmem:$0x1FB20] =	vst v0;
	v0 =	vld [tilespmem:s26+$0x640]  }
0xba: {  	v2 =	vld [tilespmem:s26+$0x4840]  }
0xbb: {  	[tilespmem:$0x1FF10] =	vst v1;
	v1 =	vld [tilespmem:s26+$0x3C0]  }
0xbc: {  	v59 =	vld [tilespmem:s26+$0x4830]  }
0xbd: {  	v55 =	vld [tilespmem:s26+$0x830]  }
0xbe: {  	[tilespmem:$0x1FB30] =	vst v0;
	v0 =	vld [tilespmem:s26+$0x46B0]  }
0xbf: {  	v28 =	vld [tilespmem:s26+$0x4820]  }
0xc0: {  	[tilespmem:$0x1FF20] =	vst v1;
	v1 =	vld [tilespmem:s26+$0x4430]  }
0xc1: {  	v27 =	vld [tilespmem:s26+$0x820]  }
0xc2: {  	v26 =	vld [tilespmem:s26+$0x47A0]  }
0xc3: {  	[tilespmem:$0x1FB40] =	vst v0;
	v0 =	vld [tilespmem:s26+$0x6B0]  }
0xc4: {  	v9 =	vld [tilespmem:s26+$0x4780]  }
0xc5: {  	[tilespmem:$0x1FF30] =	vst v1;
	v1 =	vld [tilespmem:s26+$0x430]  }
0xc6: {  	v4 =	vld [tilespmem:s26+$0x780]  }
0xc7: {  	v5 =	vld [tilespmem:s26+$0x4790]  }
0xc8: {  	[tilespmem:$0x1FB50] =	vst v0;
	v0 =	vld [tilespmem:s26+$0x790]  }
0xc9: {  	v25 =	vld [tilespmem:s26+$0x7A0];
	v11 =	vadd.f32 v11, v13;
	v13 =	vmul.f32 v27, v28  }
0xca: {  	v40 =	vmul.f32 v40, v46;
	[tilespmem:$0x1FF40] =	vst v1;
	v1 =	vld [tilespmem:$0x1F8C0]  }
0xcb: {  	v37 =	vld [tilespmem:s26+$0x47B0];
	v4 =	vmul.f32 v4, v9;
	v9 =	vadd.f32 v13, v11;
	v11 =	vmul.f32 v55, v59  }
0xcc: {  	v36 =	vld [tilespmem:s26+$0x7B0];
	v46 =	vmul.f32 v47, v56;
	v56 =	vmul.f32 v57, v63  }
0xcd: {  	v35 =	vld [tilespmem:s26+$0x970];
	v9 =	vadd.f32 v11, v9;
	v0 =	vmul.f32 v0, v5  }
0xce: {  	v42 =	vmul.f32 v42, v45;
	v6 =	vadd.f32 v56, v6;
	v5 =	vadd.f32 v15, v14;
	v15 =	vld [tilespmem:$0x1F8E0]  }
0xcf: {  	v0 =	vadd.f32 v0, v4;
	v4 =	vmul.f32 v25, v26;
	v11 =	vmul.f32 v1, v2;
	v1 =	vld [tilespmem:$0x1F8D0]  }
0xd0: {  	v41 =	vmul.f32 v41, v54;
	v54 =	vmul.f32 v38, v62  }
0xd1: {  	v6 =	vadd.f32 v42, v6;
	v0 =	vadd.f32 v4, v0;
	v4 =	vmul.f32 v36, v37  }
0xd2: {  	v2 =	vld [tilespmem:$0x1FFC0]  }
0xd3: {  	v35 =	vmul.f32 v35, v52;
	v6 =	vadd.f32 v54, v6;
	v0 =	vadd.f32 v4, v0;
	v4 =	vld [tilespmem:$0x1F900]  }
0xd4: {  	v15 =	vmul.f32 v15, v1;
	v1 =	vld [tilespmem:$0x1F8F0]  }
0xd5: {  	v14 =	vadd.f32 v35, v6;
	_ =	sdelay $0x1  }
0xd6: {  	v5 =	vadd.f32 v12, v5;
	v12 =	vperm.xlane v14, v2;
	_ =	sdelay $0x1  }
0xd7: {  	v9 =	vadd.f32 v11, v9;
	v11 =	vadd.f32 v14, v12;
	v12 =	vmul.f32 v4, v1;
	v1 =	vld [tilespmem:$0x1F910]  }
0xd8: {  	v4 =	vld [tilespmem:$0x1F920];
	_ =	sdelay $0x4  }
0xd9: {  	v14 =	vmul.f32 v4, v1;
	v1 =	vld [tilespmem:$0x1F930]  }
0xda: {  	v4 =	vld [tilespmem:$0x1F940];
	_ =	sdelay $0x2  }
0xdb: {  	v20 =	vld [tilespmem:s26+$0x4710]  }
0xdc: {  	v18 =	vld [tilespmem:s26+$0x710]  }
0xdd: {  	v4 =	vmul.f32 v4, v1;
	v1 =	vld [tilespmem:s26+$0x41E0];
	_ =	sdelay $0x1  }
0xde: {  	v22 =	vld [tilespmem:s26+$0x4700]  }
0xdf: {  	v21 =	vld [tilespmem:s26+$0x700]  }
0xe0: {  	v18 =	vmul.f32 v18, v20;
	v20 =	vld [tilespmem:$0x1F960]  }
0xe1: {  	[tilespmem:$0x1FF60] =	vst v1;
	v1 =	vld [tilespmem:$0x1F950];
	_ =	sdelay $0x3  }
0xe2: {  	v60 =	vld [tilespmem:s26+$0x48E0]  }
0xe3: {  	v21 =	vmul.f32 v21, v22;
	v22 =	vmul.f32 v20, v1;
	v1 =	vld [tilespmem:s26+$0x1E0]  }
0xe4: {  	v50 =	vld [tilespmem:s26+$0x48D0]  }
0xe5: {  	v49 =	vld [tilespmem:s26+$0x46F0]  }
0xe6: {  	v44 =	vld [tilespmem:s26+$0x6F0]  }
0xe7: {  	v51 =	vld [tilespmem:s26+$0x8D0]  }
0xe8: {  	[tilespmem:$0x1FF70] =	vst v1;
	v1 =	vld [tilespmem:s26+$0x4260]  }
0xe9: {  	v48 =	vld [tilespmem:s26+$0x8E0];
	_ =	sdelay $0x1  }
0xea: {  	v10 =	vmul.f32 v44, v49;
	v49 =	vld [tilespmem:$0x1FFD0]  }
0xeb: {  	v47 =	vmul.f32 v51, v50;
	v20 =	vld [tilespmem:$0x1F990]  }
0xec: {  	[tilespmem:$0x1F970] =	vst v1;
	v1 =	vld [tilespmem:$0x1F980]  }
0xed: {  	v23 =	vmul.f32 v48, v60;
	v5 =	vadd.f32 v47, v5;
	_ =	sdelay $0x1  }
0xee: {  	v5 =	vadd.f32 v23, v5  }
0xef: {  	v0 =	vadd.f32 v12, v0;
	v12 =	vperm.xlane v11, v49  }
0xf0: {  	v5 =	vadd.f32 v41, v5;
	v20 =	vmul.f32 v20, v1;
	v1 =	vld [tilespmem:s26+$0x42D0]  }
0xf1: {  	v11 =	vadd.f32 v11, v12  }
0xf2: {  	v34 =	vld [tilespmem:s26+$0x4720];
	v12 =	vadd.f32 v18, v21;
	v18 =	vperm.xlane v5, v2;
	v0 =	vadd.f32 v14, v0  }
0xf3: {  	v33 =	vld [tilespmem:s26+$0x720]  }
0xf4: {  	v0 =	vadd.f32 v16, v0;
	v16 =	vadd.f32 v5, v18;
	v5 =	vld [tilespmem:$0x1F9C0]  }
0xf5: {  	[tilespmem:$0x1F9A0] =	vst v1;
	v1 =	vld [tilespmem:$0x1F9B0];
	_ =	sdelay $0x2  }
0xf6: {  	v14 =	vmul.f32 v33, v34;
	_ =	sdelay $0x1  }
0xf7: {  	v12 =	vadd.f32 v14, v12;
	v14 =	vmul.f32 v5, v1;
	v1 =	vld [tilespmem:$0x1F9D0]  }
0xf8: {  	v5 =	vld [tilespmem:$0x1F9E0];
	_ =	sdelay $0x4  }
0xf9: {  	v30 =	vmul.f32 v5, v1;
	v1 =	vld [tilespmem:s26+$0x340]  }
0xfa: {  	v9 =	vadd.f32 v19, v9;
	_ =	sdelay $0x1  }
0xfb: {  	v9 =	vadd.f32 v31, v9  }
0xfc: {  	v5 =	vld [tilespmem:$0x1FA00]  }
0xfd: {  	v9 =	vadd.f32 v40, v9;
	[tilespmem:$0x1FF80] =	vst v1;
	v1 =	vld [tilespmem:$0x1F9F0];
	_ =	sdelay $0x1  }
0xfe: {  	v18 =	vadd.f32 v46, v0;
	v0 =	vperm.xlane v9, v2  }
0xff: {  	v3 =	vld [tilespmem:s26+$0x4660]  }
0x100: {  	v9 =	vadd.f32 v9, v0;
	v0 =	vld [tilespmem:$0x1FA10]  }
0x101: {  	v21 =	vmul.f32 v5, v1;
	v1 =	vld [tilespmem:s26+$0x43B0];
	_ =	sdelay $0x3  }
0x102: {  	v34 =	vmul.f32 v0, v3;
	v0 =	vld [tilespmem:$0x1FA20]  }
0x103: {  	[tilespmem:$0x1FFA0] =	vst v1;
	v1 =	vld [tilespmem:$0x1FA30];
	_ =	sdelay $0x4  }
0x104: {  	v28 =	vmul.f32 v1, v0;
	v0 =	vld [tilespmem:s26+$0x3B0];
	_ =	sdelay $0x3  }
0x105: {  	v1 =	vld [tilespmem:$0x1FA50]  }
0x106: {  	[tilespmem:$0x1FFB0] =	vst v0;
	v0 =	vld [tilespmem:$0x1FA40];
	_ =	sdelay $0x2  }
0x107: {  	v14 =	vadd.f32 v14, v12;
	v12 =	vperm.xlane v16, v49;
	_ =	sdelay $0x1  }
0x108: {  	v16 =	vadd.f32 v16, v12;
	v12 =	vmul.f32 v1, v0;
	v0 =	vld [tilespmem:s26+$0x4420];
	_ =	sdelay $0x3  }
0x109: {  	v1 =	vld [tilespmem:$0x1FA70]  }
0x10a: {  	[tilespmem:$0x1FF50] =	vst v0;
	v0 =	vld [tilespmem:$0x1FA60];
	_ =	sdelay $0x4  }
0x10b: {  	v35 =	vmul.f32 v1, v0;
	v0 =	vld [tilespmem:$0x1FA80]  }
0x10c: {  	v1 =	vld [tilespmem:$0x1FA90];
	_ =	sdelay $0x4  }
0x10d: {  	v36 =	vmul.f32 v1, v0;
	v0 =	vld [tilespmem:$0x1FAA0]  }
0x10e: {  	v1 =	vld [tilespmem:$0x1FAB0];
	_ =	sdelay $0x4  }
0x10f: {  	v31 =	vmul.f32 v1, v0;
	v0 =	vld [tilespmem:$0x1FAC0]  }
0x110: {  	v1 =	vld [tilespmem:$0x1FAD0];
	_ =	sdelay $0x2  }
0x111: {  	v21 =	vadd.f32 v21, v14;
	_ =	sdelay $0x1  }
0x112: {  	v21 =	vadd.f32 v20, v21;
	v20 =	vmul.f32 v1, v0;
	v0 =	vld [tilespmem:$0x1FAE0]  }
0x113: {  	v1 =	vld [tilespmem:$0x1FAF0];
	_ =	sdelay $0x4  }
0x114: {  	v42 =	vmul.f32 v1, v0;
	v0 =	vld [tilespmem:$0x1FB00]  }
0x115: {  	v1 =	vld [tilespmem:$0x1FB10];
	_ =	sdelay $0x4  }
0x116: {  	v44 =	vmul.f32 v1, v0;
	v0 =	vld [tilespmem:$0x1FB20]  }
0x117: {  	v1 =	vld [tilespmem:$0x1FB30];
	_ =	sdelay $0x4  }
0x118: {  	v48 =	vmul.f32 v1, v0;
	v0 =	vld [tilespmem:$0x1FB40]  }
0x119: {  	v1 =	vld [tilespmem:$0x1FB50];
	_ =	sdelay $0x3  }
0x11a: {  	v3 =	vld [tilespmem:$0x1FB70]  }
0x11b: {  	v0 =	vmul.f32 v1, v0;
	v1 =	vld [tilespmem:$0x1FB60];
	_ =	sdelay $0x4  }
0x11c: {  	v1 =	vmul.f32 v3, v1;
	v3 =	vld [tilespmem:$0x1FFE0]  }
0x11d: {  	v5 =	vld [tilespmem:$0x1FBA0]  }
0x11e: {  	[tilespmem:$0x1FB80] =	vst v1;
	v1 =	vld [tilespmem:$0x1FB90];
	_ =	sdelay $0x2  }
0x11f: {  	v27 =	vperm.xlane v11, v3;
	_ =	sdelay $0x1  }
0x120: {  	v29 =	vmul.f32 v5, v1;
	v1 =	vadd.f32 v11, v27  }
0x121: {  	v5 =	vld [tilespmem:$0x1FBD0]  }
0x122: {  	[tilespmem:$0x1FBB0] =	vst v1;
	v1 =	vld [tilespmem:$0x1FBC0];
	_ =	sdelay $0x4  }
0x123: {  	v11 =	vmul.f32 v5, v1;
	v1 =	vld [tilespmem:s26+$0x4250];
	_ =	sdelay $0x2  }
0x124: {  	v57 =	vperm.xlane v16, v3  }
0x125: {  	v43 =	vld [tilespmem:s26+$0x4770]  }
0x126: {  	v39 =	vld [tilespmem:s26+$0x770];
	[tilespmem:$0x1FBE0] =	vst v1;
	v1 =	vadd.f32 v16, v57  }
0x127: {  	v5 =	vld [tilespmem:$0x1FC10]  }
0x128: {  	[tilespmem:$0x1FBF0] =	vst v1;
	v1 =	vld [tilespmem:$0x1FC00];
	_ =	sdelay $0x2  }
0x129: {  	v39 =	vmul.f32 v39, v43;
	v15 =	vadd.f32 v15, v21;
	_ =	sdelay $0x1  }
0x12a: {  	v15 =	vadd.f32 v39, v15;
	v39 =	vmul.f32 v5, v1;
	v1 =	vld [tilespmem:s26+$0x42C0];
	_ =	sdelay $0x1  }
0x12b: {  	v23 =	vperm.xlane v18, v2;
	_ =	sdelay $0x1  }
0x12c: {  	v18 =	vadd.f32 v18, v23;
	v23 =	vperm.xlane v9, v49;
	v5 =	vld [tilespmem:$0x1FC40]  }
0x12d: {  	[tilespmem:$0x1FC20] =	vst v1;
	v1 =	vld [tilespmem:$0x1FC30]  }
0x12e: {  	v9 =	vadd.f32 v9, v23;
	_ =	sdelay $0x1  }
0x12f: {  	v27 =	vperm.xlane v9, v3;
	_ =	sdelay $0x1  }
0x130: {  	v1 =	vmul.f32 v5, v1;
	v5 =	vadd.f32 v9, v27  }
0x131: {  	v14 =	vld [tilespmem:$0x1FC70]  }
0x132: {  	[tilespmem:$0x1FC50] =	vst v5;
	v5 =	vld [tilespmem:$0x1FC60];
	_ =	sdelay $0x4  }
0x133: {  	v59 =	vmul.f32 v14, v5;
	v5 =	vld [tilespmem:$0x1FC80]  }
0x134: {  	v14 =	vld [tilespmem:$0x1FC90];
	_ =	sdelay $0x4  }
0x135: {  	v23 =	vperm.xlane v18, v49;
	v61 =	vmul.f32 v14, v5;
	v5 =	vld [tilespmem:$0x1FCA0]  }
0x136: {  	v14 =	vld [tilespmem:$0x1FCB0]  }
0x137: {  	v18 =	vadd.f32 v18, v23;
	_ =	sdelay $0x1  }
0x138: {  	v9 =	vperm.xlane v18, v3;
	_ =	sdelay $0x1  }
0x139: {  	v63 =	vmul.f32 v14, v5;
	v5 =	vadd.f32 v18, v9;
	_ =	sdelay $0x1  }
0x13a: {  	[tilespmem:$0x1FCC0] =	vst v5;
	v5 =	vld [tilespmem:s26+$0x43A0];
	_ =	sdelay $0x1  }
0x13b: {  	v11 =	vadd.f32 v11, v29  }
0x13c: {  	v7 =	vld [tilespmem:s26+$0x4580]  }
0x13d: {  	v9 =	vadd.f32 v59, v11;
	v11 =	vld [tilespmem:$0x1FCE0]  }
0x13e: {  	[tilespmem:$0x1FF90] =	vst v5;
	v5 =	vld [tilespmem:$0x1FCD0]  }
0x13f: {  	v32 =	vld [tilespmem:s26+$0x590]  }
0x140: {  	v24 =	vld [tilespmem:s26+$0x580]  }
0x141: {  	v8 =	vld [tilespmem:s26+$0x4590]  }
0x142: {  	v9 =	vadd.f32 v0, v9;
	v0 =	vld [tilespmem:$0x1FCF0]  }
0x143: {  	v11 =	vmul.f32 v11, v5;
	v5 =	vld [tilespmem:$0x1FD00];
	_ =	sdelay $0x2  }
0x144: {  	v7 =	vmul.f32 v24, v7;
	v8 =	vmul.f32 v32, v8  }
0x145: {  	v14 =	vld [tilespmem:$0x1FD20]  }
0x146: {  	v7 =	vadd.f32 v8, v7;
	v8 =	vmul.f32 v5, v0;
	v0 =	vld [tilespmem:$0x1FD10];
	_ =	sdelay $0x3  }
0x147: {  	v8 =	vadd.f32 v8, v7;
	v7 =	vld [tilespmem:$0x1FD40]  }
0x148: {  	v43 =	vmul.f32 v14, v0;
	v0 =	vld [tilespmem:$0x1FD30];
	_ =	sdelay $0x1  }
0x149: {  	v17 =	vld [tilespmem:s26+$0x4500]  }
0x14a: {  	v25 =	vld [tilespmem:s26+$0x500];
	v18 =	vadd.f32 v63, v61  }
0x14b: {  	v14 =	vld [tilespmem:$0x1FD60]  }
0x14c: {  	v11 =	vadd.f32 v11, v18;
	v18 =	vmul.f32 v7, v0;
	v0 =	vld [tilespmem:$0x1FD50];
	_ =	sdelay $0x4  }
0x14d: {  	v17 =	vmul.f32 v25, v17;
	v25 =	vmul.f32 v14, v0;
	v0 =	vld [tilespmem:$0x1FD70]  }
0x14e: {  	v14 =	vld [tilespmem:$0x1FD80];
	_ =	sdelay $0x1  }
0x14f: {  	v52 =	vld [tilespmem:s26+$0x4520];
	v9 =	vadd.f32 v31, v9  }
0x150: {  	v38 =	vld [tilespmem:s26+$0x520]  }
0x151: {  	v51 =	vld [tilespmem:s26+$0x490];
	v9 =	vadd.f32 v28, v9;
	v8 =	vadd.f32 v18, v8  }
0x152: {  	v26 =	vld [tilespmem:s26+$0x510];
	v0 =	vmul.f32 v14, v0  }
0x153: {  	v9 =	vadd.f32 v22, v9;
	v22 =	vadd.f32 v25, v8;
	v8 =	vld [tilespmem:$0x1FDB0]  }
0x154: {  	[tilespmem:$0x1FD90] =	vst v0;
	v0 =	vld [tilespmem:$0x1FDA0]  }
0x155: {  	v19 =	vld [tilespmem:s26+$0x4510]  }
0x156: {  	v47 =	vld [tilespmem:s26+$0x4490]  }
0x157: {  	v41 =	vld [tilespmem:s26+$0x480]  }
0x158: {  	v14 =	vld [tilespmem:$0x1FDD0]  }
0x159: {  	v11 =	vadd.f32 v43, v11;
	v28 =	vmul.f32 v8, v0;
	v0 =	vld [tilespmem:$0x1FDC0]  }
0x15a: {  	v40 =	vld [tilespmem:s26+$0x4480];
	v19 =	vmul.f32 v26, v19  }
0x15b: {  	v13 =	vld [tilespmem:s26+$0x44A0];
	v11 =	vadd.f32 v48, v11  }
0x15c: {  	v6 =	vld [tilespmem:s26+$0x4A0];
	v17 =	vadd.f32 v19, v17;
	v19 =	vmul.f32 v38, v52  }
0x15d: {  	v11 =	vadd.f32 v36, v11  }
0x15e: {  	v17 =	vadd.f32 v19, v17;
	v19 =	vmul.f32 v14, v0;
	v0 =	vld [tilespmem:$0x1FDE0]  }
0x15f: {  	v55 =	vmul.f32 v51, v47;
	v11 =	vadd.f32 v34, v11;
	v25 =	vmul.f32 v41, v40;
	v14 =	vld [tilespmem:$0x1FDF0];
	_ =	sdelay $0x1  }
0x160: {  	v6 =	vmul.f32 v6, v13;
	v4 =	vadd.f32 v4, v11;
	v11 =	vadd.f32 v55, v25;
	_ =	sdelay $0x1  }
0x161: {  	v6 =	vadd.f32 v6, v11;
	v11 =	vld [tilespmem:$0x1FE10]  }
0x162: {  	v17 =	vadd.f32 v19, v17;
	v57 =	vmul.f32 v14, v0;
	v0 =	vld [tilespmem:$0x1FE00];
	_ =	sdelay $0x1  }
0x163: {  	v13 =	vadd.f32 v57, v17;
	_ =	sdelay $0x1  }
0x164: {  	v13 =	vadd.f32 v1, v13;
	v1 =	vld [tilespmem:$0x1FE30]  }
0x165: {  	v11 =	vmul.f32 v11, v0;
	v0 =	vld [tilespmem:$0x1FE20];
	_ =	sdelay $0x4  }
0x166: {  	v6 =	vadd.f32 v11, v6;
	v11 =	vmul.f32 v1, v0;
	v0 =	vld [tilespmem:$0x1FE40]  }
0x167: {  	v1 =	vld [tilespmem:$0x1FE50]  }
0x168: {  	v45 =	vld [tilespmem:s26+$0x41F0];
	v22 =	vadd.f32 v44, v22  }
0x169: {  	v50 =	vld [tilespmem:s26+$0x1F0]  }
0x16a: {  	v62 =	vld [tilespmem:s26+$0x42E0];
	v9 =	vadd.f32 v10, v9;
	v19 =	vadd.f32 v35, v22  }
0x16b: {  	v60 =	vld [tilespmem:s26+$0x4350];
	v22 =	vperm.xlane v4, v2  }
0x16c: {  	v17 =	vadd.f32 v30, v19;
	v19 =	vperm.xlane v9, v2;
	v63 =	vmul.f32 v1, v0;
	v0 =	vld [tilespmem:$0x1FE60]  }
0x16d: {  	v1 =	vld [tilespmem:$0x1FE70]  }
0x16e: {  	v56 =	vld [tilespmem:s26+$0x4270];
	v4 =	vadd.f32 v4, v22;
	v19 =	vadd.f32 v9, v19  }
0x16f: {  	v32 =	vld [tilespmem:s26+$0x4400]  }
0x170: {  	v54 =	vld [tilespmem:s26+$0x310];
	v44 =	vperm.xlane v4, v49;
	v22 =	vperm.xlane v19, v49  }
0x171: {  	v37 =	vld [tilespmem:s26+$0x420]  }
0x172: {  	v19 =	vadd.f32 v19, v22;
	v22 =	vadd.f32 v4, v44;
	v4 =	vmul.f32 v1, v0;
	v0 =	vld [tilespmem:$0x1FE80]  }
0x173: {  	v1 =	vld [tilespmem:$0x1FE90]  }
0x174: {  	v38 =	vld [tilespmem:s26+$0x300]  }
0x175: {  	v52 =	vld [tilespmem:s26+$0x4290]  }
0x176: {  	v33 =	vld [tilespmem:s26+$0x4340]  }
0x177: {  	v46 =	vld [tilespmem:s26+$0x3A0];
	v58 =	vperm.xlane v15, v2  }
0x178: {  	v59 =	vperm.xlane v17, v2;
	v40 =	vmul.f32 v1, v0;
	v0 =	vld [tilespmem:$0x1FEA0]  }
0x179: {  	v15 =	vadd.f32 v15, v58;
	v1 =	vld [tilespmem:$0x1FEB0]  }
0x17a: {  	v23 =	vld [tilespmem:s26+$0x1D0];
	v13 =	vadd.f32 v42, v13;
	v17 =	vadd.f32 v17, v59  }
0x17b: {  	v21 =	vld [tilespmem:s26+$0x41D0];
	v24 =	vperm.xlane v15, v49  }
0x17c: {  	v58 =	vld [tilespmem:s26+$0x4410];
	v13 =	vadd.f32 v12, v13;
	v12 =	vperm.xlane v17, v49  }
0x17d: {  	v15 =	vadd.f32 v15, v24;
	v24 =	vld [tilespmem:s26+$0x4240]  }
0x17e: {  	v34 =	vadd.f32 v17, v12;
	v12 =	vmul.f32 v1, v0;
	v0 =	vld [tilespmem:$0x1FEC0]  }
0x17f: {  	v1 =	vld [tilespmem:$0x1FED0]  }
0x180: {  	v29 =	vld [tilespmem:s26+$0x330]  }
0x181: {  	v16 =	vld [tilespmem:$0x1FF40]  }
0x182: {  	v61 =	vld [tilespmem:s26+$0x410]  }
0x183: {  	v5 =	vld [tilespmem:s26+$0x400]  }
0x184: {  	v51 =	vmul.f32 v1, v0;
	v0 =	vld [tilespmem:$0x1FEE0]  }
0x185: {  	v6 =	vadd.f32 v11, v6;
	v1 =	vld [tilespmem:$0x1FEF0]  }
0x186: {  	v27 =	vld [tilespmem:s26+$0x4330]  }
0x187: {  	v31 =	vld [tilespmem:s26+$0x42B0];
	v6 =	vadd.f32 v63, v6  }
0x188: {  	v47 =	vperm.xlane v15, v3;
	v10 =	vld [tilespmem:s26+$0x320]  }
0x189: {  	v32 =	vmul.f32 v5, v32;
	v5 =	vmul.f32 v61, v58;
	v61 =	vld [tilespmem:s26+$0x4180];
	v6 =	vadd.f32 v39, v6  }
0x18a: {  	v17 =	vperm.xlane v13, v2;
	v59 =	vmul.f32 v1, v0;
	v0 =	vld [tilespmem:$0x1FF00]  }
0x18b: {  	v48 =	vld [tilespmem:s26+$0x4380];
	v1 =	vadd.f32 v20, v6  }
0x18c: {  	v7 =	vld [tilespmem:s26+$0x41C0];
	v42 =	vadd.f32 v13, v17;
	v17 =	vadd.f32 v15, v47;
	v15 =	vperm.xlane v19, v3  }
0x18d: {  	v58 =	vperm.xlane v1, v2;
	v2 =	vld [tilespmem:$0x1FF30]  }
0x18e: {  	v19 =	vadd.f32 v19, v15;
	v15 =	vld [tilespmem:$0x1FF20]  }
0x18f: {  	v6 =	vmul.f32 v0, v60;
	v0 =	vld [tilespmem:$0x1FF10]  }
0x190: {  	v36 =	vld [tilespmem:s26+$0x42A0]  }
0x191: {  	v18 =	vld [tilespmem:s26+$0x1C0]  }
0x192: {  	v20 =	vperm.xlane v42, v49;
	v43 =	vmul.f32 v16, v2;
	v2 =	vld [tilespmem:$0x1FF50]  }
0x193: {  	v41 =	vld [tilespmem:s26+$0x41B0]  }
0x194: {  	v25 =	vld [tilespmem:s26+$0x4390];
	v60 =	vmul.f32 v15, v0;
	v0 =	vadd.f32 v42, v20  }
0x195: {  	v55 =	vld [tilespmem:s26+$0x4280]  }
0x196: {  	v8 =	vld [tilespmem:s26+$0x4320];
	v13 =	vmul.f32 v50, v45;
	v45 =	vperm.xlane v0, v3  }
0x197: {  	v37 =	vmul.f32 v37, v2;
	v2 =	vld [tilespmem:$0x1FF70]  }
0x198: {  	v45 =	vadd.f32 v0, v45;
	v0 =	vld [tilespmem:$0x1FF60]  }
0x199: {  	v35 =	vld [tilespmem:s26+$0x4230]  }
0x19a: {  	v14 =	vld [tilespmem:s26+$0x380]  }
0x19b: {  	v30 =	vld [tilespmem:s26+$0x390]  }
0x19c: {  	v57 =	vld [tilespmem:s26+$0x41A0]  }
0x19d: {  	v0 =	vmul.f32 v2, v0;
	v2 =	vld [tilespmem:$0x1FF80]  }
0x19e: {  	v9 =	vld [tilespmem:s26+$0x1B0]  }
0x19f: {  	v44 =	vld [tilespmem:s26+$0x4310]  }
0x1a0: {  	v11 =	vld [tilespmem:s26+$0x4300]  }
0x1a1: {  	v47 =	vld [tilespmem:s26+$0x4220];
	v50 =	vperm.xlane v34, v3;
	v15 =	vperm.xlane v22, v3  }
0x1a2: {  	v3 =	vmul.f32 v14, v48;
	v14 =	vmul.f32 v2, v33;
	v2 =	vld [tilespmem:$0x1FF90]  }
0x1a3: {  	v50 =	vadd.f32 v34, v50;
	v34 =	vld [tilespmem:s26+$0x190]  }
0x1a4: {  	v30 =	vmul.f32 v30, v25;
	v63 =	vld [tilespmem:s26+$0x1A0]  }
0x1a5: {  	v39 =	vld [tilespmem:s26+$0x280]  }
0x1a6: {  	v1 =	vadd.f32 v1, v58;
	v58 =	vadd.f32 v30, v3;
	v3 =	vld [tilespmem:$0x1FFB0]  }
0x1a7: {  	v32 =	vadd.f32 v5, v32;
	v30 =	vmul.f32 v46, v2;
	v2 =	vld [tilespmem:$0x1FFA0]  }
0x1a8: {  	v42 =	vld [tilespmem:s26+$0x4190]  }
0x1a9: {  	v20 =	vadd.f32 v22, v15;
	v15 =	vld [tilespmem:s26+$0x180];
	v32 =	vadd.f32 v37, v32  }
0x1aa: {  	v5 =	vperm.xlane v1, v49;
	v48 =	vld [tilespmem:s26+$0x4200]  }
0x1ab: {  	v43 =	vadd.f32 v43, v32;
	v32 =	vld [tilespmem:s26+$0x4210]  }
0x1ac: {  	s29 =	simm.s32 $0x1;
	s28 =	simm.s32 $0x0;
	v5 =	vadd.f32 v1, v5;
	v46 =	vld [tilespmem:s26+$0x200];
	v37 =	vmul.f32 v3, v2  }
.LBB2_2:
0x1ad: {  	v26 =	vld [tilespmem:s26+$0x290]  }
0x1ae: {  	v1 =	vld [tilespmem:$0x1FC20]  }
0x1af: {  	v21 =	vmul.f32 v23, v21;
	v23 =	vld [tilespmem:s26+$0x210]  }
0x1b0: {  	v27 =	vmul.f32 v29, v27;
	v29 =	vadd.f32 v30, v58;
	v8 =	vmul.f32 v10, v8;
	v30 =	vld [tilespmem:s26+$0x220]  }
0x1b1: {  	v10 =	vadd.f32 v59, v43;
	v58 =	vld [tilespmem:s26+$0x2A0];
	v59 =	vmul.f32 v54, v44;
	v15 =	vmul.f32 v15, v61  }
0x1b2: {  	v34 =	vmul.f32 v34, v42;
	v39 =	vmul.f32 v39, v55;
	v55 =	vld [tilespmem:s26+$0x2C0]  }
0x1b3: {  	v29 =	vadd.f32 v37, v29;
	v37 =	vmul.f32 v63, v57;
	v10 =	vadd.f32 v40, v10;
	v63 =	vld [tilespmem:s26+$0x230]  }
0x1b4: {  	v49 =	vmul.f32 v46, v48;
	v54 =	vld [tilespmem:s26+$0x2B0];
	v23 =	vmul.f32 v23, v32  }
0x1b5: {  	v11 =	vmul.f32 v38, v11;
	v15 =	vadd.f32 v34, v15;
	v10 =	vadd.f32 v28, v10;
	v28 =	vld [tilespmem:s26+$0x240]  }
0x1b6: {  	v7 =	vmul.f32 v18, v7;
	v57 =	vld [tilespmem:s26+$0x250];
	v30 =	vmul.f32 v30, v47;
	v23 =	vadd.f32 v23, v49  }
0x1b7: {  	v9 =	vmul.f32 v9, v41;
	v11 =	vadd.f32 v59, v11;
	v59 =	vld [tilespmem:s26+$0x260];
	v15 =	vadd.f32 v37, v15  }
0x1b8: {  	v16 =	vmul.f32 v55, v1;
	v1 =	vld [tilespmem:$0x1FBE0];
	v23 =	vadd.f32 v30, v23;
	v30 =	vmul.f32 v63, v35  }
0x1b9: {  	v26 =	vmul.f32 v26, v52;
	v8 =	vadd.f32 v8, v11;
	v36 =	vmul.f32 v58, v36;
	v58 =	vld [tilespmem:s26+$0x2D0]  }
0x1ba: {  	v9 =	vadd.f32 v9, v15;
	v15 =	vmul.f32 v28, v24;
	v24 =	vld [tilespmem:s26+$0x270];
	v11 =	vadd.f32 v30, v23  }
0x1bb: {  	v26 =	vadd.f32 v26, v39;
	v23 =	vld [tilespmem:s26+$0x2E0]  }
0x1bc: {  	v7 =	vadd.f32 v7, v9;
	v9 =	vadd.f32 v15, v11;
	v15 =	vld [tilespmem:s26+$0x2F0]  }
0x1bd: {  	v11 =	vmul.f32 v57, v1;
	v1 =	vld [tilespmem:$0x1F9A0]  }
0x1be: {  	v31 =	vmul.f32 v54, v31;
	v26 =	vadd.f32 v36, v26;
	_ =	sdelay $0x1  }
0x1bf: {  	v26 =	vadd.f32 v31, v26;
	_ =	sdelay $0x1  }
0x1c0: {  	v16 =	vadd.f32 v16, v26;
	v26 =	vmul.f32 v58, v1;
	v1 =	vld [tilespmem:$0x1F970];
	_ =	sdelay $0x4  }
0x1c1: {  	v9 =	vadd.f32 v11, v9;
	v11 =	vmul.f32 v59, v1;
	v1 =	vld [tilespmem:$0x1F830];
	_ =	sdelay $0x1  }
0x1c2: {  	v8 =	vadd.f32 v27, v8  }
0x1c3: {  	v7 =	vadd.f32 v21, v7  }
0x1c4: {  	v8 =	vadd.f32 v14, v8;
	v14 =	vld [tilespmem:s26+$0x370]  }
0x1c5: {  	v0 =	vadd.f32 v0, v7;
	v7 =	vadd.f32 v11, v9;
	v11 =	vmul.f32 v15, v1;
	v1 =	vld [tilespmem:$0x1F820];
	_ =	sdelay $0x2  }
0x1c6: {  	v6 =	vadd.f32 v6, v8;
	v8 =	vmul.f32 v24, v56  }
0x1c7: {  	v29 =	vadd.f32 v60, v29  }
0x1c8: {  	v7 =	vadd.f32 v8, v7;
	v8 =	vmul.f32 v14, v1;
	v1 =	vld [tilespmem:$0x1FD90]  }
0x1c9: {  	v29 =	vadd.f32 v51, v29  }
0x1ca: {  	v22 =	vld [tilespmem:$0x1FFC0]  }
0x1cb: {  	v4 =	vadd.f32 v4, v29;
	v21 =	vmul.f32 v23, v62;
	v16 =	vadd.f32 v26, v16  }
0x1cc: {  	v0 =	vadd.f32 v13, v0;
	v26 =	vld [tilespmem:$0x1FFE0]  }
0x1cd: {  	v9 =	vadd.f32 v21, v16;
	v4 =	vadd.f32 v1, v4;
	v1 =	vld [tilespmem:$0x1FB80]  }
0x1ce: {  	v6 =	vadd.f32 v12, v6;
	v25 =	vld [tilespmem:$0x1FFD0]  }
0x1cf: {  	v12 =	vperm.xlane v0, v22;
	v9 =	vadd.f32 v11, v9  }
0x1d0: {  	v13 =	vperm.xlane v7, v22;
	v6 =	vadd.f32 v8, v6  }
0x1d1: {  	v0 =	vadd.f32 v0, v12;
	v11 =	vperm.xlane v5, v26;
	v8 =	vperm.xlane v9, v22  }
0x1d2: {  	v7 =	vadd.f32 v7, v13;
	v12 =	vperm.xlane v6, v22;
	v10 =	vadd.f32 v1, v10  }
0x1d3: {  	v14 =	vperm.xlane v0, v25;
	v8 =	vadd.f32 v9, v8;
	v9 =	vperm.xlane v4, v22  }
0x1d4: {  	v15 =	vperm.xlane v7, v25;
	v6 =	vadd.f32 v6, v12;
	v13 =	vperm.xlane v10, v22  }
0x1d5: {  	v0 =	vadd.f32 v0, v14;
	v12 =	vperm.xlane v8, v25;
	v4 =	vadd.f32 v4, v9  }
0x1d6: {  	v7 =	vadd.f32 v7, v15;
	v9 =	vadd.f32 v10, v13;
	v10 =	vperm.xlane v6, v25  }
0x1d7: {  	v14 =	vperm.xlane v0, v26;
	v8 =	vadd.f32 v8, v12;
	v12 =	vperm.xlane v4, v25  }
0x1d8: {  	v15 =	vperm.xlane v7, v26;
	v13 =	vperm.xlane v9, v25;
	v6 =	vadd.f32 v6, v10  }
0x1d9: {  	v0 =	vadd.f32 v0, v14;
	v4 =	vadd.f32 v4, v12;
	v10 =	vperm.xlane v8, v26  }
0x1da: {  	v7 =	vadd.f32 v7, v15;
	v9 =	vadd.f32 v9, v13;
	v12 =	vperm.xlane v6, v26  }
0x1db: {  	v14 =	vperm.xlane v0, v53;
	v8 =	vadd.f32 v8, v10;
	v10 =	vperm.xlane v4, v26  }
0x1dc: {  	v15 =	vperm.xlane v7, v53;
	v13 =	vperm.xlane v9, v26;
	v6 =	vadd.f32 v6, v12  }
0x1dd: {  	v0 =	vadd.f32 v0, v14;
	v12 =	vperm.xlane v8, v53;
	v4 =	vadd.f32 v4, v10  }
0x1de: {  	v7 =	vadd.f32 v7, v15;
	v9 =	vadd.f32 v9, v13;
	v10 =	vperm.xlane v6, v53  }
0x1df: {  	v5 =	vadd.f32 v5, v11;
	v8 =	vadd.f32 v8, v12;
	v12 =	vperm.xlane v4, v53  }
0x1e0: {  	v0 =	vsel vm0, v0, v7;
	v6 =	vadd.f32 v6, v10;
	v7 =	vperm.xlane v9, v53  }
0x1e1: {  	v0 =	vsel vm1, v0, v8;
	v4 =	vadd.f32 v4, v12;
	v8 =	vperm.xlane v5, v53  }
0x1e2: {  	v2 =	vld [tilespmem:$0x1FCC0];
	v0 =	vsel vm2, v0, v6;
	v6 =	vadd.f32 v9, v7;
	v7 =	vperm.xlane v45, v53  }
0x1e3: {  	v1 =	vld [tilespmem:$0x1FC50];
	v0 =	vsel vm3, v0, v4;
	v4 =	vadd.f32 v5, v8;
	v5 =	vperm.xlane v50, v53  }
0x1e4: {  	v0 =	vsel vm4, v0, v6;
	v6 =	vadd.f32 v45, v7;
	v7 =	vperm.xlane v20, v53  }
0x1e5: {  	v0 =	vsel vm5, v0, v4;
	v4 =	vadd.f32 v50, v5;
	v5 =	vperm.xlane v19, v53  }
0x1e6: {  	v0 =	vsel vm6, v0, v6;
	v6 =	vadd.f32 v20, v7;
	v7 =	vperm.xlane v17, v53  }
0x1e7: {  	v0 =	vsel vm7, v0, v4;
	v4 =	vadd.f32 v19, v5;
	v5 =	vperm.xlane v2, v53  }
0x1e8: {  	v0 =	vsel vm8, v0, v6;
	v6 =	vadd.f32 v17, v7;
	v7 =	vperm.xlane v1, v53  }
0x1e9: {  	v0 =	vsel vm9, v0, v4;
	v4 =	vadd.f32 v2, v5;
	v2 =	vld [tilespmem:$0x1FBF0]  }
0x1ea: {  	v0 =	vsel vm10, v0, v6;
	v6 =	vadd.f32 v1, v7;
	v1 =	vld [tilespmem:$0x1FBB0];
	_ =	sdelay $0x3  }
0x1eb: {  	v5 =	vperm.xlane v2, v53  }
0x1ec: {  	v7 =	vperm.xlane v1, v53  }
0x1ed: {  	v0 =	vsel vm11, v0, v4;
	v4 =	vadd.f32 v2, v5  }
0x1ee: {  	v0 =	vsel vm12, v0, v6;
	v5 =	vadd.f32 v1, v7  }
0x1ef: {  	s31 =	sshll.u32 s28, $0x4;
	v0 =	vsel vm13, v0, v4  }
0x1f0: {  	s30 =	sand.u32 $0x3FFFFFF0, s31;
	v0 =	vsel vm14, v0, v5  }
0x1f1: {  	s26 =	sshll.u32 s29, $0xB;
	[tilespmem:s30+$0xC580] =	vst v0  }
0x1f2: {  	v2 =	vld [tilespmem:s26+$0x45F0];
	_ =	sdelay $0x4  }
0x1f3: {  	[tilespmem:$0x1F350] =	vst v2;
	v2 =	vld [tilespmem:s26+$0x5F0];
	_ =	sdelay $0x4  }
0x1f4: {  	[tilespmem:$0x1F360] =	vst v2;
	v2 =	vld [tilespmem:s26+$0x4660];
	_ =	sdelay $0x4  }
0x1f5: {  	[tilespmem:$0x1F390] =	vst v2;
	v2 =	vld [tilespmem:s26+$0x660];
	_ =	sdelay $0x4  }
0x1f6: {  	[tilespmem:$0x1F3A0] =	vst v2;
	v2 =	vld [tilespmem:s26+$0x46D0];
	_ =	sdelay $0x4  }
0x1f7: {  	[tilespmem:$0x1F3B0] =	vst v2;
	v2 =	vld [tilespmem:s26+$0x6D0];
	_ =	sdelay $0x4  }
0x1f8: {  	[tilespmem:$0x1F3C0] =	vst v2;
	v2 =	vld [tilespmem:s26+$0x4740];
	_ =	sdelay $0x4  }
0x1f9: {  	[tilespmem:$0x1F370] =	vst v2;
	v2 =	vld [tilespmem:s26+$0x740];
	_ =	sdelay $0x4  }
0x1fa: {  	[tilespmem:$0x1F380] =	vst v2;
	v2 =	vld [tilespmem:s26+$0x4570];
	_ =	sdelay $0x4  }
0x1fb: {  	[tilespmem:$0x1F3D0] =	vst v2;
	v2 =	vld [tilespmem:s26+$0x570];
	_ =	sdelay $0x4  }
0x1fc: {  	[tilespmem:$0x1F3E0] =	vst v2;
	v2 =	vld [tilespmem:s26+$0x45E0];
	_ =	sdelay $0x4  }
0x1fd: {  	[tilespmem:$0x1F3F0] =	vst v2;
	v2 =	vld [tilespmem:s26+$0x5E0];
	_ =	sdelay $0x4  }
0x1fe: {  	[tilespmem:$0x1F400] =	vst v2;
	v2 =	vld [tilespmem:s26+$0x4650];
	_ =	sdelay $0x4  }
0x1ff: {  	[tilespmem:$0x1F410] =	vst v2;
	v2 =	vld [tilespmem:s26+$0x650];
	_ =	sdelay $0x4  }
0x200: {  	[tilespmem:$0x1F420] =	vst v2;
	v2 =	vld [tilespmem:s26+$0x46C0];
	_ =	sdelay $0x4  }
0x201: {  	[tilespmem:$0x1F430] =	vst v2;
	v2 =	vld [tilespmem:s26+$0x6C0];
	_ =	sdelay $0x4  }
0x202: {  	[tilespmem:$0x1F440] =	vst v2;
	v2 =	vld [tilespmem:s26+$0x44F0];
	_ =	sdelay $0x4  }
0x203: {  	[tilespmem:$0x1F450] =	vst v2;
	v2 =	vld [tilespmem:s26+$0x4F0];
	_ =	sdelay $0x4  }
0x204: {  	[tilespmem:$0x1F460] =	vst v2;
	v2 =	vld [tilespmem:s26+$0x4560];
	_ =	sdelay $0x4  }
0x205: {  	[tilespmem:$0x1F470] =	vst v2;
	v2 =	vld [tilespmem:s26+$0x560];
	_ =	sdelay $0x4  }
0x206: {  	[tilespmem:$0x1F480] =	vst v2;
	v2 =	vld [tilespmem:s26+$0x45D0];
	_ =	sdelay $0x4  }
0x207: {  	[tilespmem:$0x1F490] =	vst v2;
	v2 =	vld [tilespmem:s26+$0x5D0];
	_ =	sdelay $0x4  }
0x208: {  	[tilespmem:$0x1F4A0] =	vst v2;
	v2 =	vld [tilespmem:s26+$0x4640];
	_ =	sdelay $0x4  }
0x209: {  	[tilespmem:$0x1F4B0] =	vst v2;
	v2 =	vld [tilespmem:s26+$0x640];
	_ =	sdelay $0x4  }
0x20a: {  	[tilespmem:$0x1F4C0] =	vst v2;
	v2 =	vld [tilespmem:s26+$0x46B0];
	_ =	sdelay $0x4  }
0x20b: {  	[tilespmem:$0x1F4D0] =	vst v2;
	v2 =	vld [tilespmem:s26+$0x6B0];
	_ =	sdelay $0x3  }
0x20c: {  	v0 =	vld [tilespmem:s26+$0x8E0]  }
0x20d: {  	[tilespmem:$0x1F4E0] =	vst v2;
	v2 =	vld [tilespmem:s26+$0x4470];
	_ =	sdelay $0x3  }
0x20e: {  	[tilespmem:$0x1F0F0] =	vst v0;
	v0 =	vld [tilespmem:s26+$0x950]  }
0x20f: {  	[tilespmem:$0x1F4F0] =	vst v2;
	v2 =	vld [tilespmem:s26+$0x470];
	_ =	sdelay $0x3  }
0x210: {  	[tilespmem:$0x1F100] =	vst v0;
	v0 =	vld [tilespmem:s26+$0x47F0]  }
0x211: {  	[tilespmem:$0x1F500] =	vst v2;
	v2 =	vld [tilespmem:s26+$0x44E0];
	_ =	sdelay $0x3  }
0x212: {  	[tilespmem:$0x1F110] =	vst v0;
	v0 =	vld [tilespmem:s26+$0x7F0]  }
0x213: {  	[tilespmem:$0x1F510] =	vst v2;
	v2 =	vld [tilespmem:s26+$0x4E0];
	_ =	sdelay $0x3  }
0x214: {  	[tilespmem:$0x1F120] =	vst v0;
	v0 =	vld [tilespmem:s26+$0x4860]  }
0x215: {  	[tilespmem:$0x1F520] =	vst v2;
	v2 =	vld [tilespmem:s26+$0x4550];
	_ =	sdelay $0x3  }
0x216: {  	[tilespmem:$0x1F130] =	vst v0;
	v0 =	vld [tilespmem:s26+$0x860]  }
0x217: {  	[tilespmem:$0x1F530] =	vst v2;
	v2 =	vld [tilespmem:s26+$0x550];
	_ =	sdelay $0x3  }
0x218: {  	[tilespmem:$0x1F140] =	vst v0;
	v0 =	vld [tilespmem:s26+$0x48D0]  }
0x219: {  	[tilespmem:$0x1F540] =	vst v2;
	v2 =	vld [tilespmem:s26+$0x45C0];
	_ =	sdelay $0x3  }
0x21a: {  	[tilespmem:$0x1F150] =	vst v0;
	v0 =	vld [tilespmem:s26+$0x8D0]  }
0x21b: {  	[tilespmem:$0x1F5A0] =	vst v2;
	v2 =	vld [tilespmem:s26+$0x5C0];
	_ =	sdelay $0x3  }
0x21c: {  	[tilespmem:$0x1F160] =	vst v0;
	v0 =	vld [tilespmem:s26+$0x4940]  }
0x21d: {  	[tilespmem:$0x1F5B0] =	vst v2;
	v2 =	vld [tilespmem:s26+$0x4630];
	_ =	sdelay $0x3  }
0x21e: {  	[tilespmem:$0x1F190] =	vst v0;
	v0 =	vld [tilespmem:s26+$0x940]  }
0x21f: {  	[tilespmem:$0x1F580] =	vst v2;
	v2 =	vld [tilespmem:s26+$0x630];
	_ =	sdelay $0x3  }
0x220: {  	[tilespmem:$0x1F1A0] =	vst v0;
	v0 =	vld [tilespmem:s26+$0x4770]  }
0x221: {  	[tilespmem:$0x1F590] =	vst v2;
	v2 =	vld [tilespmem:s26+$0x46A0];
	_ =	sdelay $0x3  }
0x222: {  	[tilespmem:$0x1F170] =	vst v0;
	v0 =	vld [tilespmem:s26+$0x770]  }
0x223: {  	[tilespmem:$0x1F550] =	vst v2;
	v2 =	vld [tilespmem:s26+$0x6A0];
	_ =	sdelay $0x3  }
0x224: {  	[tilespmem:$0x1F180] =	vst v0;
	v0 =	vld [tilespmem:s26+$0x47E0]  }
0x225: {  	[tilespmem:$0x1F560] =	vst v2;
	v2 =	vld [tilespmem:s26+$0x43F0];
	_ =	sdelay $0x3  }
0x226: {  	[tilespmem:$0x1F1B0] =	vst v0;
	v0 =	vld [tilespmem:s26+$0x7E0]  }
0x227: {  	[tilespmem:$0x1F5E0] =	vst v2;
	v2 =	vld [tilespmem:s26+$0x3F0];
	_ =	sdelay $0x3  }
0x228: {  	[tilespmem:$0x1F1C0] =	vst v0;
	v0 =	vld [tilespmem:s26+$0x4850]  }
0x229: {  	[tilespmem:$0x1F5F0] =	vst v2;
	v2 =	vld [tilespmem:s26+$0x4460];
	_ =	sdelay $0x3  }
0x22a: {  	[tilespmem:$0x1F1D0] =	vst v0;
	v0 =	vld [tilespmem:s26+$0x850]  }
0x22b: {  	[tilespmem:$0x1F600] =	vst v2;
	v2 =	vld [tilespmem:s26+$0x460];
	_ =	sdelay $0x3  }
0x22c: {  	[tilespmem:$0x1F1E0] =	vst v0;
	v0 =	vld [tilespmem:s26+$0x48C0]  }
0x22d: {  	[tilespmem:$0x1F610] =	vst v2;
	v2 =	vld [tilespmem:s26+$0x44D0];
	_ =	sdelay $0x3  }
0x22e: {  	[tilespmem:$0x1F210] =	vst v0;
	v0 =	vld [tilespmem:s26+$0x8C0]  }
0x22f: {  	[tilespmem:$0x1F6A0] =	vst v2;
	v2 =	vld [tilespmem:s26+$0x4D0];
	_ =	sdelay $0x3  }
0x230: {  	[tilespmem:$0x1F220] =	vst v0;
	v0 =	vld [tilespmem:s26+$0x46F0]  }
0x231: {  	[tilespmem:$0x1F6B0] =	vst v2;
	v2 =	vld [tilespmem:s26+$0x4540];
	_ =	sdelay $0x3  }
0x232: {  	[tilespmem:$0x1F1F0] =	vst v0;
	v0 =	vld [tilespmem:s26+$0x6F0]  }
0x233: {  	[tilespmem:$0x1F640] =	vst v2;
	v2 =	vld [tilespmem:s26+$0x540];
	_ =	sdelay $0x3  }
0x234: {  	[tilespmem:$0x1F200] =	vst v0;
	v0 =	vld [tilespmem:s26+$0x4760]  }
0x235: {  	[tilespmem:$0x1F650] =	vst v2;
	v2 =	vld [tilespmem:s26+$0x45B0];
	_ =	sdelay $0x3  }
0x236: {  	[tilespmem:$0x1F230] =	vst v0;
	v0 =	vld [tilespmem:s26+$0x760]  }
0x237: {  	[tilespmem:$0x1F5C0] =	vst v2;
	v2 =	vld [tilespmem:s26+$0x5B0];
	_ =	sdelay $0x3  }
0x238: {  	[tilespmem:$0x1F240] =	vst v0;
	v0 =	vld [tilespmem:s26+$0x47D0]  }
0x239: {  	[tilespmem:$0x1F5D0] =	vst v2;
	v2 =	vld [tilespmem:s26+$0x4620];
	_ =	sdelay $0x3  }
0x23a: {  	[tilespmem:$0x1F250] =	vst v0;
	v0 =	vld [tilespmem:s26+$0x7D0]  }
0x23b: {  	[tilespmem:$0x1F570] =	vst v2;
	v2 =	vld [tilespmem:s26+$0x4370];
	_ =	sdelay $0x3  }
0x23c: {  	[tilespmem:$0x1F260] =	vst v0;
	v0 =	vld [tilespmem:s26+$0x4840]  }
0x23d: {  	[tilespmem:$0x1F820] =	vst v2;
	v2 =	vld [tilespmem:s26+$0x43E0];
	_ =	sdelay $0x3  }
0x23e: {  	[tilespmem:$0x1F2B0] =	vst v0;
	v0 =	vld [tilespmem:s26+$0x840]  }
0x23f: {  	[tilespmem:$0x1F6C0] =	vst v2;
	v2 =	vld [tilespmem:s26+$0x3E0];
	_ =	sdelay $0x3  }
0x240: {  	[tilespmem:$0x1F2C0] =	vst v0;
	v0 =	vld [tilespmem:s26+$0x48B0]  }
0x241: {  	[tilespmem:$0x1F6D0] =	vst v2;
	v2 =	vld [tilespmem:s26+$0x4450];
	_ =	sdelay $0x3  }
0x242: {  	[tilespmem:$0x1F270] =	vst v0;
	v0 =	vld [tilespmem:s26+$0x8B0]  }
0x243: {  	[tilespmem:$0x1F6E0] =	vst v2;
	v2 =	vld [tilespmem:s26+$0x450];
	_ =	sdelay $0x3  }
0x244: {  	[tilespmem:$0x1F280] =	vst v0;
	v0 =	vld [tilespmem:s26+$0x4670]  }
0x245: {  	[tilespmem:$0x1F6F0] =	vst v2;
	v2 =	vld [tilespmem:s26+$0x44C0];
	_ =	sdelay $0x3  }
0x246: {  	[tilespmem:$0x1F2D0] =	vst v0;
	v0 =	vld [tilespmem:s26+$0x670]  }
0x247: {  	[tilespmem:$0x1F680] =	vst v2;
	v2 =	vld [tilespmem:s26+$0x4C0];
	_ =	sdelay $0x3  }
0x248: {  	[tilespmem:$0x1F2E0] =	vst v0;
	v0 =	vld [tilespmem:s26+$0x46E0]  }
0x249: {  	[tilespmem:$0x1F690] =	vst v2;
	v2 =	vld [tilespmem:s26+$0x4530];
	_ =	sdelay $0x3  }
0x24a: {  	[tilespmem:$0x1F310] =	vst v0;
	v0 =	vld [tilespmem:s26+$0x6E0]  }
0x24b: {  	[tilespmem:$0x1F620] =	vst v2;
	v2 =	vld [tilespmem:s26+$0x530];
	_ =	sdelay $0x3  }
0x24c: {  	[tilespmem:$0x1F320] =	vst v0;
	v0 =	vld [tilespmem:s26+$0x4750]  }
0x24d: {  	[tilespmem:$0x1F630] =	vst v2;
	v2 =	vld [tilespmem:s26+$0x42F0];
	_ =	sdelay $0x3  }
0x24e: {  	[tilespmem:$0x1F330] =	vst v0;
	v0 =	vld [tilespmem:s26+$0x750]  }
0x24f: {  	[tilespmem:$0x1F830] =	vst v2;
	v2 =	vld [tilespmem:s26+$0x4360];
	_ =	sdelay $0x3  }
0x250: {  	[tilespmem:$0x1F340] =	vst v0;
	v0 =	vld [tilespmem:s26+$0x47C0]  }
0x251: {  	[tilespmem:$0x1F700] =	vst v2;
	v2 =	vld [tilespmem:s26+$0x360];
	_ =	sdelay $0x3  }
0x252: {  	[tilespmem:$0x1F2F0] =	vst v0;
	v0 =	vld [tilespmem:s26+$0x7C0]  }
0x253: {  	[tilespmem:$0x1F710] =	vst v2;
	v2 =	vld [tilespmem:s26+$0x43D0];
	_ =	sdelay $0x3  }
0x254: {  	[tilespmem:$0x1F300] =	vst v0;
	v0 =	vld [tilespmem:s26+$0x4830]  }
0x255: {  	[tilespmem:$0x1F720] =	vst v2;
	v2 =	vld [tilespmem:s26+$0x3D0];
	_ =	sdelay $0x3  }
0x256: {  	[tilespmem:$0x1F290] =	vst v0;
	v0 =	vld [tilespmem:s26+$0x830]  }
0x257: {  	[tilespmem:$0x1F730] =	vst v2;
	v2 =	vld [tilespmem:s26+$0x4440];
	_ =	sdelay $0x2  }
0x258: {  	v9 =	vld [tilespmem:s26+$0x910]  }
0x259: {  	[tilespmem:$0x1F2A0] =	vst v0;
	v0 =	vld [tilespmem:s26+$0x4910]  }
0x25a: {  	[tilespmem:$0x1F740] =	vst v2;
	v2 =	vld [tilespmem:s26+$0x440]  }
0x25b: {  	v3 =	vld [tilespmem:s26+$0x4970]  }
0x25c: {  	v45 =	vld [tilespmem:s26+$0x970]  }
0x25d: {  	v53 =	vld [tilespmem:s26+$0x48E0]  }
0x25e: {  	v9 =	vmul.f32 v9, v0;
	v0 =	vld [tilespmem:$0x1F0F0]  }
0x25f: {  	[tilespmem:$0x1F750] =	vst v2;
	v2 =	vld [tilespmem:s26+$0x44B0]  }
0x260: {  	v40 =	vld [tilespmem:s26+$0x4950]  }
0x261: {  	v28 =	vld [tilespmem:s26+$0x4900]  }
0x262: {  	v1 =	vld [tilespmem:s26+$0x900]  }
0x263: {  	v53 =	vmul.f32 v0, v53;
	v0 =	vld [tilespmem:$0x1F100]  }
0x264: {  	[tilespmem:$0x1F660] =	vst v2;
	v2 =	vld [tilespmem:s26+$0x4B0];
	_ =	sdelay $0x1  }
0x265: {  	v5 =	vld [tilespmem:s26+$0x48F0]  }
0x266: {  	v16 =	vld [tilespmem:s26+$0x8F0];
	v56 =	vmul.f32 v45, v3  }
0x267: {  	v45 =	vmul.f32 v1, v28;
	v1 =	vmul.f32 v0, v40;
	v0 =	vld [tilespmem:$0x1F110]  }
0x268: {  	[tilespmem:$0x1F670] =	vst v2;
	v2 =	vld [tilespmem:$0x1F120];
	_ =	sdelay $0x2  }
0x269: {  	v49 =	vld [tilespmem:s26+$0x4960]  }
0x26a: {  	v63 =	vld [tilespmem:s26+$0x960]  }
0x26b: {  	v50 =	vmul.f32 v16, v5;
	v5 =	vmul.f32 v2, v0;
	v0 =	vld [tilespmem:$0x1F130]  }
0x26c: {  	v2 =	vld [tilespmem:$0x1F140]  }
0x26d: {  	v4 =	vld [tilespmem:s26+$0x4870]  }
0x26e: {  	v15 =	vld [tilespmem:s26+$0x870]  }
0x26f: {  	v46 =	vld [tilespmem:s26+$0x4930]  }
0x270: {  	v44 =	vld [tilespmem:s26+$0x930]  }
0x271: {  	v3 =	vmul.f32 v2, v0;
	v0 =	vld [tilespmem:$0x1F150]  }
0x272: {  	v2 =	vld [tilespmem:$0x1F160]  }
0x273: {  	v33 =	vld [tilespmem:s26+$0x4920]  }
0x274: {  	v19 =	vld [tilespmem:s26+$0x920]  }
0x275: {  	v38 =	vld [tilespmem:s26+$0x48A0]  }
0x276: {  	v62 =	vmul.f32 v63, v49;
	v49 =	vmul.f32 v15, v4;
	v4 =	vld [tilespmem:$0x1F180]  }
0x277: {  	v0 =	vmul.f32 v2, v0;
	v2 =	vld [tilespmem:$0x1F170]  }
0x278: {  	v10 =	vld [tilespmem:s26+$0x4800]  }
0x279: {  	v8 =	vld [tilespmem:s26+$0x800]  }
0x27a: {  	v52 =	vld [tilespmem:s26+$0x4810]  }
0x27b: {  	v13 =	vld [tilespmem:s26+$0x810]  }
0x27c: {  	v19 =	vmul.f32 v19, v33;
	v33 =	vmul.f32 v4, v2;
	v2 =	vld [tilespmem:$0x1F190]  }
0x27d: {  	v4 =	vld [tilespmem:$0x1F1A0]  }
0x27e: {  	v20 =	vld [tilespmem:s26+$0x4880];
	v45 =	vadd.f32 v9, v45  }
0x27f: {  	v18 =	vld [tilespmem:s26+$0x880];
	v8 =	vmul.f32 v8, v10  }
0x280: {  	v10 =	vmul.f32 v13, v52;
	v13 =	vld [tilespmem:s26+$0x350];
	v19 =	vadd.f32 v19, v45;
	v45 =	vmul.f32 v44, v46  }
0x281: {  	v17 =	vld [tilespmem:s26+$0x4890]  }
0x282: {  	v60 =	vld [tilespmem:s26+$0x890];
	v45 =	vadd.f32 v45, v19;
	v46 =	vmul.f32 v4, v2  }
0x283: {  	v37 =	vld [tilespmem:s26+$0x8A0]  }
0x284: {  	v34 =	vld [tilespmem:s26+$0x4820];
	v45 =	vadd.f32 v46, v45  }
0x285: {  	[tilespmem:$0x1F790] =	vst v13;
	v13 =	vld [tilespmem:$0x1F250]  }
0x286: {  	v1 =	vadd.f32 v1, v45;
	v45 =	vld [tilespmem:$0x1F260]  }
0x287: {  	v31 =	vld [tilespmem:s26+$0x820];
	v18 =	vmul.f32 v18, v20;
	v17 =	vmul.f32 v60, v17  }
0x288: {  	v6 =	vld [tilespmem:s26+$0x4780]  }
0x289: {  	v55 =	vld [tilespmem:s26+$0x780];
	v17 =	vadd.f32 v17, v18;
	v18 =	vmul.f32 v37, v38  }
0x28a: {  	v2 =	vld [tilespmem:s26+$0x41F0]  }
0x28b: {  	v37 =	vmul.f32 v45, v13;
	v13 =	vadd.f32 v18, v17;
	v17 =	vld [tilespmem:$0x1F270]  }
0x28c: {  	v18 =	vld [tilespmem:$0x1F280]  }
0x28d: {  	v51 =	vld [tilespmem:s26+$0x4790]  }
0x28e: {  	v54 =	vld [tilespmem:s26+$0x790]  }
0x28f: {  	v4 =	vld [tilespmem:$0x1F1C0]  }
0x290: {  	[tilespmem:$0x1F760] =	vst v2;
	v2 =	vld [tilespmem:$0x1F1B0]  }
0x291: {  	v20 =	vld [tilespmem:$0x1F1F0];
	v17 =	vmul.f32 v18, v17  }
0x292: {  	v60 =	vld [tilespmem:$0x1F200]  }
0x293: {  	v13 =	vadd.f32 v17, v13;
	v17 =	vld [tilespmem:s26+$0x4430]  }
0x294: {  	v8 =	vadd.f32 v10, v8;
	v10 =	vmul.f32 v31, v34;
	v40 =	vld [tilespmem:$0x1F1E0]  }
0x295: {  	v1 =	vadd.f32 v62, v1;
	v4 =	vmul.f32 v4, v2;
	v2 =	vld [tilespmem:$0x1F1D0]  }
0x296: {  	v8 =	vadd.f32 v10, v8;
	v10 =	vld [tilespmem:$0x1F290]  }
0x297: {  	v31 =	vadd.f32 v56, v1;
	v1 =	vld [tilespmem:s26+$0x430]  }
0x298: {  	[tilespmem:$0x1F7C0] =	vst v17;
	v17 =	vld [tilespmem:$0x1F2A0]  }
0x299: {  	v18 =	vld [tilespmem:s26+$0x43C0]  }
0x29a: {  	v2 =	vmul.f32 v40, v2;
	v40 =	vmul.f32 v60, v20;
	v20 =	vld [tilespmem:$0x1F210]  }
0x29b: {  	v60 =	vld [tilespmem:$0x1F220];
	_ =	sdelay $0x1  }
0x29c: {  	v10 =	vmul.f32 v17, v10  }
0x29d: {  	[tilespmem:$0x1F7D0] =	vst v1;
	v1 =	vld [tilespmem:$0x1F2B0]  }
0x29e: {  	v6 =	vmul.f32 v55, v6;
	v8 =	vadd.f32 v10, v8;
	v10 =	vld [tilespmem:$0x1F2C0]  }
0x29f: {  	[tilespmem:$0x1F7A0] =	vst v18;
	v18 =	vmul.f32 v54, v51;
	v20 =	vmul.f32 v60, v20;
	_ =	sdelay $0x1  }
0x2a0: {  	v23 =	vld [tilespmem:s26+$0x47A0];
	v6 =	vadd.f32 v18, v6;
	v18 =	vadd.f32 v20, v13  }
0x2a1: {  	v21 =	vld [tilespmem:s26+$0x7A0]  }
0x2a2: {  	v0 =	vadd.f32 v0, v18;
	v20 =	vmul.f32 v10, v1;
	_ =	sdelay $0x1  }
0x2a3: {  	v0 =	vadd.f32 v53, v0;
	v18 =	vadd.f32 v20, v8;
	_ =	sdelay $0x1  }
0x2a4: {  	v17 =	vmul.f32 v21, v23;
	v2 =	vadd.f32 v2, v18;
	v18 =	vadd.f32 v50, v0;
	v0 =	vld [tilespmem:s26+$0x41E0];
	_ =	sdelay $0x1  }
0x2a5: {  	v6 =	vadd.f32 v17, v6;
	v17 =	vld [tilespmem:$0x1F2E0]  }
0x2a6: {  	v1 =	vld [tilespmem:$0x1F2D0];
	_ =	sdelay $0x1  }
0x2a7: {  	[tilespmem:$0x1F7E0] =	vst v0;
	v0 =	vld [tilespmem:s26+$0x1E0];
	_ =	sdelay $0x1  }
0x2a8: {  	v8 =	vld [tilespmem:$0x1F300]  }
0x2a9: {  	v17 =	vmul.f32 v17, v1;
	v1 =	vld [tilespmem:$0x1F2F0]  }
0x2aa: {  	v57 =	vld [tilespmem:s26+$0x47B0]  }
0x2ab: {  	[tilespmem:$0x1F7F0] =	vst v0;
	v0 =	vld [tilespmem:s26+$0x4260]  }
0x2ac: {  	v43 =	vld [tilespmem:s26+$0x7B0];
	v21 =	vperm.xlane v31, v22;
	_ =	sdelay $0x1  }
0x2ad: {  	v20 =	vadd.f32 v31, v21;
	v21 =	vmul.f32 v8, v1;
	v1 =	vld [tilespmem:$0x1F310]  }
0x2ae: {  	v8 =	vld [tilespmem:$0x1F320]  }
0x2af: {  	[tilespmem:$0x1F970] =	vst v0;
	v0 =	vld [tilespmem:s26+$0x42D0]  }
0x2b0: {  	v23 =	vmul.f32 v43, v57;
	_ =	sdelay $0x1  }
0x2b1: {  	v6 =	vadd.f32 v23, v6;
	v23 =	vld [tilespmem:$0x1F340]  }
0x2b2: {  	v8 =	vmul.f32 v8, v1;
	v1 =	vld [tilespmem:$0x1F330]  }
0x2b3: {  	[tilespmem:$0x1F9A0] =	vst v0;
	v0 =	vld [tilespmem:s26+$0x4340];
	_ =	sdelay $0x1  }
0x2b4: {  	v11 =	vld [tilespmem:s26+$0x4710]  }
0x2b5: {  	v7 =	vld [tilespmem:s26+$0x710]  }
0x2b6: {  	v23 =	vmul.f32 v23, v1;
	v1 =	vld [tilespmem:$0x1F360]  }
0x2b7: {  	[tilespmem:$0x1F800] =	vst v0;
	v0 =	vld [tilespmem:$0x1F350];
	_ =	sdelay $0x1  }
0x2b8: {  	v30 =	vld [tilespmem:s26+$0x4720]  }
0x2b9: {  	v14 =	vld [tilespmem:s26+$0x4700];
	v6 =	vadd.f32 v21, v6;
	v21 =	vperm.xlane v20, v25  }
0x2ba: {  	v12 =	vld [tilespmem:s26+$0x700]  }
0x2bb: {  	v7 =	vmul.f32 v7, v11;
	v11 =	vadd.f32 v20, v21;
	v20 =	vmul.f32 v1, v0;
	v0 =	vld [tilespmem:s26+$0x43B0]  }
0x2bc: {  	v27 =	vld [tilespmem:s26+$0x720]  }
0x2bd: {  	v59 =	vld [tilespmem:s26+$0x4730]  }
0x2be: {  	v58 =	vld [tilespmem:s26+$0x730]  }
0x2bf: {  	v12 =	vmul.f32 v12, v14;
	v1 =	vld [tilespmem:$0x1F380]  }
0x2c0: {  	v2 =	vadd.f32 v3, v2;
	v3 =	vadd.f32 v37, v6;
	[tilespmem:$0x1F810] =	vst v0;
	v0 =	vld [tilespmem:$0x1F370]  }
0x2c1: {  	v7 =	vadd.f32 v7, v12;
	v12 =	vmul.f32 v27, v30;
	v6 =	vperm.xlane v18, v22  }
0x2c2: {  	v3 =	vadd.f32 v4, v3  }
0x2c3: {  	v4 =	vadd.f32 v18, v6;
	v6 =	vadd.f32 v12, v7;
	v7 =	vmul.f32 v58, v59;
	_ =	sdelay $0x1  }
0x2c4: {  	v6 =	vadd.f32 v7, v6;
	v7 =	vmul.f32 v1, v0;
	v0 =	vld [tilespmem:$0x1F390]  }
0x2c5: {  	v1 =	vld [tilespmem:$0x1F3A0]  }
0x2c6: {  	v2 =	vadd.f32 v49, v2;
	_ =	sdelay $0x1  }
0x2c7: {  	v12 =	vperm.xlane v2, v22;
	_ =	sdelay $0x1  }
0x2c8: {  	v2 =	vadd.f32 v2, v12;
	v12 =	vmul.f32 v1, v0;
	v0 =	vld [tilespmem:$0x1F3B0]  }
0x2c9: {  	v1 =	vld [tilespmem:$0x1F3C0];
	_ =	sdelay $0x4  }
0x2ca: {  	v30 =	vmul.f32 v1, v0;
	v0 =	vld [tilespmem:$0x1F3D0]  }
0x2cb: {  	v1 =	vld [tilespmem:$0x1F3E0];
	_ =	sdelay $0x2  }
0x2cc: {  	v3 =	vadd.f32 v5, v3;
	v5 =	vperm.xlane v4, v25;
	_ =	sdelay $0x1  }
0x2cd: {  	v27 =	vadd.f32 v4, v5;
	v4 =	vmul.f32 v1, v0;
	v0 =	vld [tilespmem:$0x1F3F0]  }
0x2ce: {  	v1 =	vld [tilespmem:$0x1F400];
	_ =	sdelay $0x3  }
0x2cf: {  	v60 =	vld [tilespmem:s26+$0x42E0]  }
0x2d0: {  	v57 =	vmul.f32 v1, v0;
	v0 =	vld [tilespmem:$0x1F410]  }
0x2d1: {  	v1 =	vld [tilespmem:$0x1F420];
	_ =	sdelay $0x1  }
0x2d2: {  	v46 =	vld [tilespmem:$0x1F230]  }
0x2d3: {  	[tilespmem:$0x1F7B0] =	vst v60;
	v60 =	vld [tilespmem:$0x1F240];
	_ =	sdelay $0x1  }
0x2d4: {  	v56 =	vmul.f32 v1, v0;
	v0 =	vld [tilespmem:$0x1F430]  }
0x2d5: {  	v6 =	vadd.f32 v7, v6;
	v1 =	vld [tilespmem:$0x1F440];
	_ =	sdelay $0x1  }
0x2d6: {  	v46 =	vmul.f32 v60, v46;
	v6 =	vadd.f32 v23, v6;
	_ =	sdelay $0x1  }
0x2d7: {  	v23 =	vadd.f32 v46, v6;
	v6 =	vld [tilespmem:$0x1F460]  }
0x2d8: {  	v1 =	vmul.f32 v1, v0;
	v0 =	vld [tilespmem:$0x1F450]  }
0x2d9: {  	v61 =	vld [tilespmem:s26+$0x620]  }
0x2da: {  	v39 =	vld [tilespmem:s26+$0x4680]  }
0x2db: {  	v35 =	vld [tilespmem:s26+$0x680];
	v18 =	vperm.xlane v3, v22  }
0x2dc: {  	v21 =	vld [tilespmem:$0x1F480]  }
0x2dd: {  	v3 =	vadd.f32 v3, v18;
	v7 =	vperm.xlane v2, v25;
	v6 =	vmul.f32 v6, v0;
	v0 =	vld [tilespmem:$0x1F470]  }
0x2de: {  	v32 =	vld [tilespmem:s26+$0x4690]  }
0x2df: {  	v29 =	vld [tilespmem:s26+$0x690];
	v7 =	vadd.f32 v2, v7;
	v2 =	vperm.xlane v3, v25  }
0x2e0: {  	v48 =	vld [tilespmem:s26+$0x45A0]  }
0x2e1: {  	v62 =	vadd.f32 v3, v2;
	v2 =	vld [tilespmem:$0x1F4A0]  }
0x2e2: {  	v55 =	vmul.f32 v21, v0;
	v0 =	vld [tilespmem:$0x1F490]  }
0x2e3: {  	v42 =	vld [tilespmem:s26+$0x4600]  }
0x2e4: {  	v41 =	vld [tilespmem:s26+$0x600]  }
0x2e5: {  	v36 =	vld [tilespmem:s26+$0x4610]  }
0x2e6: {  	v24 =	vld [tilespmem:s26+$0x610];
	v14 =	vperm.xlane v11, v26  }
0x2e7: {  	v18 =	vperm.xlane v27, v26;
	v3 =	vmul.f32 v2, v0;
	v0 =	vld [tilespmem:$0x1F4B0]  }
0x2e8: {  	v11 =	vadd.f32 v11, v14;
	v2 =	vld [tilespmem:$0x1F4C0]  }
0x2e9: {  	v14 =	vmul.f32 v29, v32;
	v29 =	vld [tilespmem:$0x1F520];
	v18 =	vadd.f32 v27, v18  }
0x2ea: {  	[tilespmem:$0x1FBB0] =	vst v11;
	v11 =	vld [tilespmem:s26+$0x42C0]  }
0x2eb: {  	[tilespmem:$0x1FBF0] =	vst v18;
	v18 =	vld [tilespmem:$0x1F510]  }
0x2ec: {  	v52 =	vld [tilespmem:$0x1F4E0]  }
0x2ed: {  	v0 =	vmul.f32 v2, v0;
	v2 =	vld [tilespmem:$0x1F4D0]  }
0x2ee: {  	v16 =	vld [tilespmem:s26+$0x4580]  }
0x2ef: {  	v15 =	vld [tilespmem:s26+$0x580];
	[tilespmem:$0x1FC20] =	vst v11;
	v11 =	vmul.f32 v35, v39  }
0x2f0: {  	v39 =	vmul.f32 v29, v18;
	v18 =	vld [tilespmem:$0x1F530];
	v37 =	vperm.xlane v7, v26  }
0x2f1: {  	v29 =	vld [tilespmem:$0x1F540]  }
0x2f2: {  	v7 =	vadd.f32 v7, v37;
	v45 =	vmul.f32 v52, v2;
	v2 =	vld [tilespmem:s26+$0x4250]  }
0x2f3: {  	v9 =	vld [tilespmem:s26+$0x4590]  }
0x2f4: {  	[tilespmem:$0x1FC50] =	vst v7;
	v7 =	vadd.f32 v14, v11;
	v11 =	vld [tilespmem:$0x1F550]  }
0x2f5: {  	v49 =	vperm.xlane v62, v26;
	v14 =	vld [tilespmem:$0x1F560]  }
0x2f6: {  	v52 =	vld [tilespmem:$0x1F500]  }
0x2f7: {  	v35 =	vmul.f32 v29, v18;
	v18 =	vmul.f32 v24, v36;
	v24 =	vadd.f32 v62, v49;
	[tilespmem:$0x1FBE0] =	vst v2;
	v2 =	vld [tilespmem:$0x1F4F0]  }
0x2f8: {  	v44 =	vld [tilespmem:s26+$0x590]  }
0x2f9: {  	[tilespmem:$0x1FCC0] =	vst v24;
	v24 =	vld [tilespmem:$0x1F570]  }
0x2fa: {  	v47 =	vld [tilespmem:s26+$0x5A0]  }
0x2fb: {  	v63 =	vld [tilespmem:s26+$0x4520];
	v11 =	vmul.f32 v14, v11  }
0x2fc: {  	v19 =	vld [tilespmem:s26+$0x1F0];
	v33 =	vadd.f32 v33, v23;
	v14 =	vmul.f32 v41, v42;
	v2 =	vmul.f32 v52, v2  }
0x2fd: {  	v15 =	vmul.f32 v15, v16;
	v9 =	vmul.f32 v44, v9;
	v44 =	vld [tilespmem:$0x1F590]  }
0x2fe: {  	v51 =	vld [tilespmem:s26+$0x4510];
	v24 =	vmul.f32 v61, v24;
	v16 =	vadd.f32 v18, v14;
	[tilespmem:$0x1FB80] =	vst v2;
	v2 =	vperm.xlane v33, v22  }
0x2ff: {  	v9 =	vadd.f32 v9, v15;
	v49 =	vld [tilespmem:$0x1F5B0]  }
0x300: {  	v15 =	vadd.f32 v24, v16;
	v24 =	vld [tilespmem:$0x1F5A0];
	v2 =	vadd.f32 v33, v2  }
0x301: {  	v54 =	vld [tilespmem:s26+$0x510]  }
0x302: {  	v10 =	vld [tilespmem:s26+$0x4500];
	v7 =	vadd.f32 v11, v7;
	v11 =	vperm.xlane v2, v25  }
0x303: {  	v18 =	vld [tilespmem:$0x1F580]  }
0x304: {  	v31 =	vld [tilespmem:s26+$0x500];
	v2 =	vadd.f32 v2, v11;
	v11 =	vmul.f32 v47, v48  }
0x305: {  	v33 =	vmul.f32 v49, v24;
	v24 =	vld [tilespmem:$0x1F5D0]  }
0x306: {  	v9 =	vadd.f32 v11, v9;
	v11 =	vld [tilespmem:$0x1F5C0]  }
0x307: {  	v28 =	vld [tilespmem:s26+$0x520]  }
0x308: {  	v38 =	vld [tilespmem:s26+$0x44A0];
	v18 =	vmul.f32 v44, v18  }
0x309: {  	[tilespmem:$0x1F770] =	vst v19;
	v19 =	vld [tilespmem:s26+$0x4270]  }
0x30a: {  	v53 =	vld [tilespmem:s26+$0x4480];
	v10 =	vmul.f32 v31, v10;
	v15 =	vadd.f32 v18, v15  }
0x30b: {  	v50 =	vld [tilespmem:s26+$0x4490];
	v52 =	vmul.f32 v54, v51;
	v11 =	vmul.f32 v24, v11  }
0x30c: {  	v59 =	vld [tilespmem:s26+$0x480];
	v0 =	vadd.f32 v0, v15;
	v7 =	vadd.f32 v45, v7  }
0x30d: {  	v46 =	vld [tilespmem:s26+$0x490];
	v15 =	vmul.f32 v28, v63;
	v9 =	vadd.f32 v11, v9;
	v11 =	vadd.f32 v52, v10  }
0x30e: {  	v0 =	vadd.f32 v56, v0;
	v56 =	vmov v19;
	v19 =	vld [tilespmem:$0x1F630];
	v1 =	vadd.f32 v1, v7  }
0x30f: {  	v11 =	vadd.f32 v15, v11;
	v15 =	vld [tilespmem:$0x1F620]  }
0x310: {  	v13 =	vld [tilespmem:s26+$0x4A0];
	v1 =	vadd.f32 v30, v1  }
0x311: {  	v9 =	vadd.f32 v33, v9  }
0x312: {  	v0 =	vadd.f32 v12, v0;
	v1 =	vadd.f32 v8, v1  }
0x313: {  	v12 =	vmul.f32 v46, v50;
	v3 =	vadd.f32 v3, v9;
	v9 =	vmul.f32 v59, v53  }
0x314: {  	v1 =	vadd.f32 v40, v1;
	v15 =	vmul.f32 v19, v15  }
0x315: {  	v13 =	vmul.f32 v13, v38;
	v54 =	vld [tilespmem:$0x1F650];
	v12 =	vadd.f32 v12, v9  }
0x316: {  	v19 =	vld [tilespmem:$0x1F640];
	v11 =	vadd.f32 v15, v11;
	v15 =	vperm.xlane v1, v22  }
0x317: {  	v12 =	vadd.f32 v13, v12;
	v13 =	vld [tilespmem:$0x1F660]  }
0x318: {  	v1 =	vadd.f32 v1, v15;
	v15 =	vld [tilespmem:$0x1F670];
	_ =	sdelay $0x2  }
0x319: {  	v34 =	vld [tilespmem:s26+$0x420]  }
0x31a: {  	v60 =	vld [tilespmem:s26+$0x4350];
	v19 =	vmul.f32 v54, v19  }
0x31b: {  	v43 =	vld [tilespmem:s26+$0x3B0];
	v13 =	vmul.f32 v15, v13  }
0x31c: {  	v11 =	vadd.f32 v19, v11;
	v19 =	vld [tilespmem:$0x1F690]  }
0x31d: {  	v0 =	vadd.f32 v17, v0;
	v12 =	vadd.f32 v13, v12;
	v13 =	vld [tilespmem:$0x1F680]  }
0x31e: {  	v38 =	vld [tilespmem:s26+$0x300]  }
0x31f: {  	[tilespmem:$0x1F780] =	vst v60;
	v60 =	vld [tilespmem:s26+$0x3C0];
	v17 =	vperm.xlane v0, v22  }
0x320: {  	v31 =	vld [tilespmem:$0x1F5F0]  }
0x321: {  	v58 =	vld [tilespmem:s26+$0x340];
	v0 =	vadd.f32 v0, v17;
	v17 =	vperm.xlane v1, v25  }
0x322: {  	v5 =	vld [tilespmem:s26+$0x4420];
	v13 =	vmul.f32 v19, v13  }
0x323: {  	v1 =	vadd.f32 v1, v17;
	v17 =	vld [tilespmem:$0x1F6B0]  }
0x324: {  	v3 =	vadd.f32 v57, v3;
	v12 =	vadd.f32 v13, v12;
	v13 =	vld [tilespmem:$0x1F6A0]  }
0x325: {  	v32 =	vld [tilespmem:s26+$0x43A0]  }
0x326: {  	v27 =	vld [tilespmem:s26+$0x4330];
	v3 =	vadd.f32 v20, v3  }
0x327: {  	v5 =	vmul.f32 v34, v5;
	v34 =	vld [tilespmem:s26+$0x190]  }
0x328: {  	v29 =	vld [tilespmem:s26+$0x330];
	v15 =	vperm.xlane v3, v22  }
0x329: {  	v36 =	vld [tilespmem:s26+$0x42A0];
	v11 =	vadd.f32 v35, v11;
	v13 =	vmul.f32 v17, v13  }
0x32a: {  	v63 =	vld [tilespmem:$0x1F6F0];
	v3 =	vadd.f32 v3, v15  }
0x32b: {  	v19 =	vadd.f32 v55, v11;
	v13 =	vadd.f32 v13, v12;
	v12 =	vld [tilespmem:$0x1F6E0]  }
0x32c: {  	v20 =	vld [tilespmem:$0x1F6D0]  }
0x32d: {  	v17 =	vadd.f32 v4, v19;
	v19 =	vperm.xlane v3, v25;
	v4 =	vld [tilespmem:$0x1F6C0]  }
0x32e: {  	v23 =	vld [tilespmem:s26+$0x1D0]  }
0x32f: {  	v3 =	vadd.f32 v3, v19;
	v19 =	vld [tilespmem:$0x1F710]  }
0x330: {  	v40 =	vmul.f32 v63, v12;
	v12 =	vld [tilespmem:$0x1F700]  }
0x331: {  	v37 =	vld [tilespmem:s26+$0x3A0]  }
0x332: {  	v62 =	vld [tilespmem:s26+$0x4410];
	v4 =	vmul.f32 v20, v4;
	v20 =	vperm.xlane v17, v22  }
0x333: {  	v41 =	vld [tilespmem:s26+$0x41B0]  }
0x334: {  	v20 =	vadd.f32 v17, v20;
	v17 =	vld [tilespmem:$0x1F720]  }
0x335: {  	v12 =	vmul.f32 v19, v12;
	v19 =	vld [tilespmem:$0x1F730]  }
0x336: {  	v61 =	vld [tilespmem:s26+$0x4400]  }
0x337: {  	v14 =	vld [tilespmem:s26+$0x400]  }
0x338: {  	v16 =	vld [tilespmem:s26+$0x410]  }
0x339: {  	v44 =	vld [tilespmem:s26+$0x4310]  }
0x33a: {  	v51 =	vmul.f32 v19, v17;
	v17 =	vld [tilespmem:$0x1F740]  }
0x33b: {  	v19 =	vld [tilespmem:$0x1F750]  }
0x33c: {  	v14 =	vmul.f32 v14, v61;
	v61 =	vld [tilespmem:s26+$0x4180]  }
0x33d: {  	v18 =	vld [tilespmem:s26+$0x1C0]  }
0x33e: {  	v16 =	vmul.f32 v16, v62;
	v62 =	vld [tilespmem:$0x1F7B0];
	v42 =	vperm.xlane v2, v26;
	v13 =	vadd.f32 v39, v13  }
0x33f: {  	v21 =	vld [tilespmem:s26+$0x41D0]  }
0x340: {  	v59 =	vmul.f32 v19, v17;
	v17 =	vadd.f32 v2, v42;
	v2 =	vadd.f32 v6, v13;
	v6 =	vld [tilespmem:$0x1F760]  }
0x341: {  	v13 =	vld [tilespmem:$0x1F770]  }
0x342: {  	v28 =	vld [tilespmem:$0x1F610]  }
0x343: {  	v46 =	vld [tilespmem:s26+$0x390]  }
0x344: {  	v30 =	vld [tilespmem:$0x1F5E0]  }
0x345: {  	v19 =	vld [tilespmem:$0x1F790]  }
0x346: {  	v13 =	vmul.f32 v13, v6;
	v6 =	vld [tilespmem:$0x1F780]  }
0x347: {  	v45 =	vld [tilespmem:s26+$0x4390];
	v15 =	vperm.xlane v0, v25  }
0x348: {  	v7 =	vld [tilespmem:s26+$0x41C0]  }
0x349: {  	v8 =	vld [tilespmem:s26+$0x4320];
	v0 =	vadd.f32 v0, v15;
	v15 =	vperm.xlane v1, v26  }
0x34a: {  	v30 =	vmul.f32 v31, v30;
	v31 =	vld [tilespmem:s26+$0x42B0]  }
0x34b: {  	v6 =	vmul.f32 v19, v6;
	v19 =	vadd.f32 v1, v15;
	v1 =	vld [tilespmem:$0x1F7A0]  }
0x34c: {  	[tilespmem:$0x1FD90] =	vst v30;
	v30 =	vld [tilespmem:s26+$0x4380]  }
0x34d: {  	v47 =	vld [tilespmem:s26+$0x4220];
	v49 =	vperm.xlane v0, v26;
	v42 =	vperm.xlane v20, v25  }
0x34e: {  	v10 =	vld [tilespmem:$0x1F600]  }
0x34f: {  	v53 =	vadd.f32 v20, v42;
	v20 =	vadd.f32 v0, v49;
	v0 =	vld [tilespmem:$0x1F7C0]  }
0x350: {  	v60 =	vmul.f32 v60, v1;
	v1 =	vperm.xlane v2, v22;
	v22 =	vld [tilespmem:$0x1F7D0]  }
0x351: {  	v48 =	vld [tilespmem:s26+$0x4200]  }
0x352: {  	v24 =	vld [tilespmem:s26+$0x4240]  }
0x353: {  	v52 =	vld [tilespmem:s26+$0x4290]  }
0x354: {  	v33 =	vld [tilespmem:s26+$0x380];
	v28 =	vmul.f32 v28, v10;
	v50 =	vperm.xlane v3, v26  }
0x355: {  	v10 =	vld [tilespmem:s26+$0x320];
	v49 =	vmul.f32 v22, v0;
	v0 =	vperm.xlane v53, v26  }
0x356: {  	v50 =	vadd.f32 v3, v50;
	v3 =	vadd.f32 v16, v14;
	v14 =	vld [tilespmem:$0x1F7F0]  }
0x357: {  	v16 =	vmul.f32 v46, v45;
	v45 =	vadd.f32 v53, v0;
	v0 =	vld [tilespmem:$0x1F7E0]  }
0x358: {  	v9 =	vld [tilespmem:s26+$0x1B0]  }
0x359: {  	v57 =	vld [tilespmem:s26+$0x41A0]  }
0x35a: {  	v54 =	vld [tilespmem:s26+$0x310]  }
0x35b: {  	v35 =	vld [tilespmem:s26+$0x4230]  }
0x35c: {  	v0 =	vmul.f32 v14, v0;
	v14 =	vld [tilespmem:$0x1F800]  }
0x35d: {  	v11 =	vld [tilespmem:s26+$0x4300]  }
0x35e: {  	v55 =	vld [tilespmem:s26+$0x4280]  }
0x35f: {  	v39 =	vld [tilespmem:s26+$0x280];
	v1 =	vadd.f32 v2, v1;
	v2 =	vmul.f32 v33, v30  }
0x360: {  	v46 =	vld [tilespmem:s26+$0x200]  }
0x361: {  	p0 =	sne.s32 s29, $0x7;
	v14 =	vmul.f32 v58, v14;
	v58 =	vadd.f32 v16, v2;
	v2 =	vld [tilespmem:$0x1F810]  }
.Ltmp0:
0x362: {  	v63 =	vld [tilespmem:s26+$0x1A0];
	(pc) =	sbr.rel @p0 .LBB2_2-.Ltmp0, $4  }
0x363: {  	v42 =	vld [tilespmem:s26+$0x4190]  }
0x364: {  	v3 =	vadd.f32 v5, v3;
	v15 =	vld [tilespmem:s26+$0x180];
	v5 =	vperm.xlane v1, v25  }
0x365: {  	v30 =	vmul.f32 v37, v32;
	v32 =	vld [tilespmem:s26+$0x4210]  }
0x366: {  	s28 =	smov.u32 s29;
	s29 =	sadd.s32 $0x1, s29;
	v5 =	vadd.f32 v1, v5;
	v53 =	vld [tilespmem:$0x1FFF0];
	v37 =	vmul.f32 v43, v2;
	v43 =	vadd.f32 v49, v3  }
0x367: {  	v16 =	vld [tilespmem:s26+$0x210]  }
0x368: {  	v3 =	vadd.f32 v30, v58;
	v58 =	vld [tilespmem:s26+$0x290]  }
0x369: {  	v1 =	vmul.f32 v23, v21;
	v21 =	vld [tilespmem:s26+$0x220]  }
0x36a: {  	v33 =	vld [tilespmem:s26+$0x230]  }
0x36b: {  	v9 =	vmul.f32 v9, v41;
	v41 =	vmul.f32 v54, v44;
	v54 =	vld [tilespmem:s26+$0x2B0]  }
0x36c: {  	v26 =	vmul.f32 v63, v57;
	v63 =	vld [tilespmem:s26+$0x2D0]  }
0x36d: {  	v49 =	vmul.f32 v46, v48;
	v48 =	vld [tilespmem:$0x1F970]  }
0x36e: {  	v57 =	vmul.f32 v39, v55;
	v55 =	vld [tilespmem:$0x1F830]  }
0x36f: {  	v2 =	vmul.f32 v29, v27;
	v11 =	vmul.f32 v38, v11;
	v25 =	vld [tilespmem:$0x1FFE0]  }
0x370: {  	v7 =	vmul.f32 v18, v7;
	v38 =	vadd.f32 v59, v43;
	v43 =	vld [tilespmem:s26+$0x2A0];
	v3 =	vadd.f32 v37, v3  }
0x371: {  	v44 =	vmul.f32 v34, v42;
	v59 =	vld [tilespmem:s26+$0x2C0];
	v15 =	vmul.f32 v15, v61;
	v11 =	vadd.f32 v41, v11  }
0x372: {  	v8 =	vmul.f32 v10, v8;
	v42 =	vld [tilespmem:s26+$0x270];
	v23 =	vadd.f32 v40, v38;
	v3 =	vadd.f32 v60, v3  }
0x373: {  	v41 =	vld [tilespmem:$0x1FBE0];
	v15 =	vadd.f32 v44, v15;
	v16 =	vmul.f32 v16, v32;
	v10 =	vmul.f32 v58, v52  }
0x374: {  	v8 =	vadd.f32 v8, v11;
	v58 =	vld [tilespmem:s26+$0x240];
	v21 =	vmul.f32 v21, v47;
	v61 =	vmul.f32 v33, v35  }
0x375: {  	v38 =	vld [tilespmem:$0x1FC20];
	v33 =	vmul.f32 v54, v31;
	v3 =	vadd.f32 v51, v3;
	v16 =	vadd.f32 v16, v49  }
0x376: {  	v60 =	vld [tilespmem:s26+$0x250];
	v29 =	vmul.f32 v43, v36;
	v15 =	vadd.f32 v26, v15;
	v10 =	vadd.f32 v10, v57  }
0x377: {  	v32 =	vperm.xlane v5, v25;
	v2 =	vadd.f32 v2, v8;
	v43 =	vld [tilespmem:$0x1F9A0];
	v16 =	vadd.f32 v21, v16  }
0x378: {  	v34 =	vld [tilespmem:s26+$0x260];
	v52 =	vmul.f32 v42, v56;
	v57 =	vadd.f32 v28, v23;
	v10 =	vadd.f32 v29, v10  }
0x379: {  	v37 =	vld [tilespmem:s26+$0x2E0];
	v9 =	vadd.f32 v9, v15;
	v36 =	vmul.f32 v58, v24;
	v35 =	vadd.f32 v61, v16  }
0x37a: {  	v44 =	vld [tilespmem:s26+$0x2F0];
	v5 =	vadd.f32 v5, v32;
	v39 =	vmul.f32 v59, v38;
	v10 =	vadd.f32 v33, v10  }
0x37b: {  	v47 =	vld [tilespmem:s26+$0x370];
	v7 =	vadd.f32 v7, v9;
	v9 =	vmul.f32 v60, v41;
	v40 =	vadd.f32 v36, v35  }
0x37c: {  	v56 =	vld [tilespmem:$0x1F820];
	v2 =	vadd.f32 v14, v2;
	v16 =	vmul.f32 v63, v43;
	v10 =	vadd.f32 v39, v10  }
0x37d: {  	v58 =	vld [tilespmem:$0x1FFC0];
	v1 =	vadd.f32 v1, v7;
	v46 =	vadd.f32 v9, v40;
	v9 =	vmul.f32 v34, v48  }
0x37e: {  	v49 =	vmul.f32 v37, v62;
	v2 =	vadd.f32 v6, v2;
	v61 =	vld [tilespmem:$0x1FD90];
	v10 =	vadd.f32 v16, v10  }
0x37f: {  	v42 =	vperm.xlane v50, v53;
	v63 =	vld [tilespmem:$0x1FB80];
	v0 =	vadd.f32 v0, v1;
	v51 =	vadd.f32 v9, v46  }
0x380: {  	v2 =	vadd.f32 v12, v2;
	v54 =	vadd.f32 v49, v10;
	v9 =	vmul.f32 v44, v55  }
0x381: {  	v6 =	vmul.f32 v47, v56;
	v0 =	vadd.f32 v13, v0;
	v1 =	vadd.f32 v52, v51  }
0x382: {  	v3 =	vadd.f32 v4, v3;
	v15 =	vld [tilespmem:$0x1FFD0];
	v38 =	vperm.xlane v5, v53;
	v7 =	vadd.f32 v9, v54  }
0x383: {  	v2 =	vadd.f32 v6, v2;
	v59 =	vperm.xlane v0, v58;
	v60 =	vperm.xlane v1, v58  }
0x384: {  	v3 =	vadd.f32 v61, v3;
	v4 =	vadd.f32 v63, v57;
	v62 =	vperm.xlane v7, v58  }
0x385: {  	v12 =	vperm.xlane v2, v58;
	v0 =	vadd.f32 v0, v59;
	v1 =	vadd.f32 v1, v60  }
0x386: {  	v13 =	vperm.xlane v3, v58;
	v14 =	vperm.xlane v4, v58;
	v7 =	vadd.f32 v7, v62  }
0x387: {  	v2 =	vadd.f32 v2, v12;
	v16 =	vperm.xlane v0, v15;
	v18 =	vperm.xlane v1, v15  }
0x388: {  	v3 =	vadd.f32 v3, v13;
	v4 =	vadd.f32 v4, v14;
	v21 =	vperm.xlane v7, v15  }
0x389: {  	v22 =	vperm.xlane v2, v15;
	v0 =	vadd.f32 v0, v16;
	v1 =	vadd.f32 v1, v18  }
0x38a: {  	v23 =	vperm.xlane v3, v15;
	v24 =	vperm.xlane v4, v15;
	v7 =	vadd.f32 v7, v21  }
0x38b: {  	v2 =	vadd.f32 v2, v22;
	v10 =	vperm.xlane v0, v25;
	v26 =	vperm.xlane v1, v25  }
0x38c: {  	v3 =	vadd.f32 v3, v23;
	v4 =	vadd.f32 v4, v24;
	v27 =	vperm.xlane v7, v25  }
0x38d: {  	v28 =	vperm.xlane v2, v25;
	v0 =	vadd.f32 v0, v10;
	v1 =	vadd.f32 v1, v26  }
0x38e: {  	v29 =	vperm.xlane v3, v25;
	v30 =	vperm.xlane v4, v25;
	v7 =	vadd.f32 v7, v27  }
0x38f: {  	v2 =	vadd.f32 v2, v28;
	v10 =	vperm.xlane v0, v53;
	v31 =	vperm.xlane v1, v53  }
0x390: {  	v3 =	vadd.f32 v3, v29;
	v4 =	vadd.f32 v4, v30;
	v33 =	vperm.xlane v7, v53  }
0x391: {  	v34 =	vperm.xlane v2, v53;
	v0 =	vadd.f32 v0, v10;
	v1 =	vadd.f32 v1, v31  }
0x392: {  	v40 =	vperm.xlane v45, v53;
	v35 =	vperm.xlane v3, v53;
	v7 =	vadd.f32 v7, v33  }
0x393: {  	v36 =	vadd.f32 v2, v34;
	v37 =	vperm.xlane v4, v53;
	v0 =	vsel vm0, v0, v1  }
0x394: {  	v43 =	vadd.f32 v45, v40;
	v3 =	vadd.f32 v3, v35;
	v0 =	vsel vm1, v0, v7  }
0x395: {  	v45 =	vadd.f32 v50, v42;
	v50 =	vld [tilespmem:$0x1FCC0];
	v39 =	vadd.f32 v4, v37;
	v0 =	vsel vm2, v0, v36  }
0x396: {  	v41 =	vadd.f32 v5, v38;
	v54 =	vld [tilespmem:$0x1FC50];
	v0 =	vsel vm3, v0, v3  }
0x397: {  	v57 =	vld [tilespmem:$0x1FBF0];
	v44 =	vperm.xlane v20, v53;
	v0 =	vsel vm4, v0, v39  }
0x398: {  	v46 =	vperm.xlane v19, v53;
	v60 =	vld [tilespmem:$0x1FBB0];
	v0 =	vsel vm5, v0, v41  }
0x399: {  	v48 =	vperm.xlane v17, v53;
	v47 =	vadd.f32 v20, v44;
	v0 =	vsel vm6, v0, v43  }
0x39a: {  	v49 =	vadd.f32 v19, v46;
	v51 =	vperm.xlane v50, v53;
	v0 =	vsel vm7, v0, v45  }
0x39b: {  	v52 =	vadd.f32 v17, v48;
	v55 =	vperm.xlane v54, v53;
	v0 =	vsel vm8, v0, v47  }
0x39c: {  	v58 =	vperm.xlane v57, v53;
	v56 =	vadd.f32 v50, v51;
	v0 =	vsel vm9, v0, v49  }
0x39d: {  	v59 =	vadd.f32 v54, v55;
	v61 =	vperm.xlane v60, v53;
	v0 =	vsel vm10, v0, v52  }
0x39e: {  	v62 =	vadd.f32 v57, v58;
	v0 =	vsel vm11, v0, v56  }
0x39f: {  	v63 =	vadd.f32 v60, v61;
	v0 =	vsel vm12, v0, v59  }
0x3a0: {  	s31 =	sshll.u32 s28, $0x4;
	v0 =	vsel vm13, v0, v62  }
0x3a1: {  	s26 =	sand.u32 $0x3FFFFFF0, s31;
	v0 =	vsel vm14, v0, v63  }
0x3a2: {  	[tilespmem:s26+$0xC580] =	vst v0  }
0x3a3: {  	_ =	swait.ge [sflag:s21], $0x4000  }
0x3a4: {  	[sflag:s21] =	ssyncset.done $0x0  }
0x3a5: {  	[sflag:s21] =	ssyncadd.s32 $0xFFFFC000  }
0x3a6: {  	_ =	swait.ge [sflag:s21], $0x400  }
0x3a7: {  	[sflag:s21] =	ssyncset.done $0x0  }
0x3a8: {  	[sflag:s21] =	ssyncadd.s32 $0xFFFFFC00  }
0x3a9: {  	[hbm4b:s8+s3] =	stream.linear.scatter [tilespmem:s16], [sflag:$0x3], $0x4400, $0x38;
	[tilespmem:$0xC600] =	vst v63  }
0x3aa: {  	s25 =	sadd.s32 $0x1, s25  }
0x3ab: {  	[hbm4b:s9+s3] =	stream.linear.scatter [tilespmem:s22], [sflag:$0x6], $0x80, $0x38;
	[tilespmem:$0xC600] =	vst v63  }
0x3ac: {  	p0 =	sne.s32 s25, s10;
	_ =	swait.ge [sflag:s23], $0x80  }
.Ltmp1:
0x3ad: {  	[sflag:s23] =	ssyncset.done $0x0;
	(pc) =	sbr.rel @p0 .LBB2_1-.Ltmp1, $4  }
0x3ae: {  	[sflag:s23] =	ssyncadd.s32 $0xFFFFFF80  }
0x3af: {  	_ =	swait.ge [sflag:s24], $0x4400  }
0x3b0: {  	[sflag:s24] =	ssyncset.done $0x0  }
0x3b1: {  	[sflag:s24] =	ssyncadd.s32 $0xFFFFBC00  }
0x3b2: {  	_ =	sfence.sel $0x180000  }
0x3b3: {  	[bflag:$0x0] =	sbarrier.arrive $0xFFFF  }
0x3b4: {  	p0 =	sne.s32 s0, $0x0;
	_ =	strace $0x90000047  }
0x3b5: {  	s0 =	sadd.s32 @!p0 $0x100000, s2;
	[bflag:$0x2] =	sbarrier.arrive $0xFFFF  }
0x3b6: {  	[sflag:s0] =	ssyncadd.tile.s32 @!p0 $0x1;
	_ =	shalt  }
.Lfunc_end2:
_tile_overlayer_lowered:
.L_overlay_start_2:
0x3b7: {  	(tag) =	ssettag $0x2  }
0x3b8: {  	s0 =	rddreg [dreg:$0x0];
	s2 =	stileid.u32  }
0x3b9: {  	s1 =	rddreg [dreg:$0x1];
	p0 =	sne.s32 s2, $0x0  }
0x3ba: {  	s3 =	rddreg [dreg:$0x2];
	[bflag:$0x3] =	sbarrier.arrive $0xFFFF;
	s2 =	simm.s32 @!p0 $0x1C06  }
0x3bb: {  	[timem:s3], [sflag:s2] =	dma.local @!p0 [hbm:s0], s1  }
0x3bc: {  	s0 =	simm.s32 @!p0 $0x6  }
0x3bd: {  	_ =	swait.ge @!p0 [sflag:s0], s1  }
0x3be: {  	s1 =	ssub.s32 @!p0 $0x0, s1;
	[sflag:s0] =	ssyncset.done @!p0 $0x0  }
0x3bf: {  	[sflag:s0] =	ssyncadd.s32 @!p0 s1  }
0x3c0: {  	[bflag:$0x3] =	sbarrier.arrive $0xFFFF  }
0x3c1: {  	_ =	shalt  }

</sc_bundles>
